<compile_context>
chip_gen: v7x
topology: tpu7x:2x2x1
jax: 0.10.2.dev20260603
libtpu: 0.0.44.dev20260713+nightly
codegen_flags: <defaults>
</compile_context>

<pallas_src>
import jax
import jax.numpy as jnp
from jax import lax
from jax.experimental import pallas as pl
from jax.experimental.pallas import tpu as pltpu
from jax.experimental.pallas import tpu_sc as plsc

SEQS, SLEN, EMBED = 16384, 50, 32
NC, NS = 2, 16
NW = NC * NS
S_PER_W = SEQS // NW
HALF = S_PER_W // 2
NBUF = 10
N_CHUNKS = SLEN * 2
N_OUTER = N_CHUNKS // NBUF


def _sc_body(table_hbm, idx_hbm, out_hbm, idx_all,
             r0, r1, r2, r3, r4, r5, r6, r7, r8, r9,
             g0, g1, g2, g3, g4, g5, g6, g7, g8, g9,
             s0, s1, s2, s3, s4, s5, s6, s7, s8, s9):
    rows = (r0, r1, r2, r3, r4, r5, r6, r7, r8, r9)
    gsem = (g0, g1, g2, g3, g4, g5, g6, g7, g8, g9)
    ssem = (s0, s1, s2, s3, s4, s5, s6, s7, s8, s9)
    wid = lax.axis_index("s") * NC + lax.axis_index("c")
    base = wid * S_PER_W

    pltpu.sync_copy(idx_hbm.at[pl.ds(0, SLEN), pl.ds(base, S_PER_W)],
                    idx_all)

    def _idx(c):
        return idx_all.at[c // 2, pl.ds((c % 2) * HALF, HALF)]

    def _dst(c):
        return out_hbm.at[c // 2, pl.ds(base + (c % 2) * HALF, HALF)]

    def gather(c, b):
        pltpu.async_copy(table_hbm.at[_idx(c)], rows[b], gsem[b])

    def gather_wait(c, b):
        pltpu.make_async_copy(table_hbm.at[_idx(c)], rows[b],
                              gsem[b]).wait()

    def store(c, b):
        pltpu.async_copy(rows[b], _dst(c), ssem[b])

    def store_wait(c, b):
        pltpu.make_async_copy(rows[b], _dst(c), ssem[b]).wait()

    for b in range(NBUF):
        gather(b, b)

    def outer(i2, carry):
        for b in range(NBUF):
            c = i2 * NBUF + b
            gather_wait(c, b)
            store(c, b)

            @pl.when(i2 < N_OUTER - 1)
            def _():
                store_wait(c, b)
                gather(c + NBUF, b)
        return carry

    lax.fori_loop(0, N_OUTER, outer, 0)

    for b in range(NBUF):
        store_wait((N_OUTER - 1) * NBUF + b, b)


def kernel(content_input, table):
    mesh = plsc.VectorSubcoreMesh(core_axis_name="c", subcore_axis_name="s")
    out = pl.kernel(
        _sc_body,
        mesh=mesh,
        compiler_params=pltpu.CompilerParams(use_tc_tiling_on_sc=False),
        out_type=jax.ShapeDtypeStruct((SLEN, SEQS, EMBED), jnp.float32),
        scratch_types=(
            [pltpu.VMEM((SLEN, S_PER_W), jnp.int32)]
            + [pltpu.VMEM((HALF, EMBED), jnp.float32) for _ in range(NBUF)]
            + [pltpu.SemaphoreType.DMA for _ in range(2 * NBUF)]
        ),
    )(table, content_input.astype(jnp.int32).T)
    return out.transpose(1, 0, 2)

# --- scband reference (transcript-rebuilt; emitter-appended) ---
"""Pipeline reference for scband-content-embedding-90769838834202 (READ-ONLY COPY).

The authoritative reference and input builder live on the scoring server;
editing this copy changes nothing except your own understanding.
"""

import jax, jax.numpy as jnp
import numpy as np

VOCAB_SIZE = 1000000
EMBED_SIZE = 32

def setup_inputs(seed: int = 0) -> dict:
    key = jax.random.key(seed)
    k1, k2 = jax.random.split(key)
    content_input = jax.random.randint(k1, (16384, 50), 0, VOCAB_SIZE, dtype=jnp.int64)
    # TokenEmbedding is an nn.Embedding-style table (padding_idx=0 in BERT-style impls,
    # which only affects grads, not forward math).
    table = jax.random.normal(k2, (VOCAB_SIZE, EMBED_SIZE), dtype=jnp.float32)
    return {"content_input": content_input, "table": table}

def reference(content_input, table):
    # forward: content_input = content_input.squeeze(); return self.embedding(content_input)
    idx = jnp.squeeze(content_input)
    out = jnp.take(table, idx, axis=0)
    return out

if __name__ == "__main__":
    import jax
    _d = setup_inputs()
    print(jax.jit(kernel)(*tuple(_d.values())))

</pallas_src>

<mosaic_0001>
#map = affine_map<(d0, d1) -> (0, 0)>
#map1 = affine_map<(d0, d1) -> (0, 0, 0)>
module attributes {stable_mosaic.version = 14 : i64} {
  func.func @_sc_body(%arg0: i32, %arg1: i32, %arg2: memref<1000000x32xf32, #tpu.memory_space<hbm>>, %arg3: memref<50x16384xi32, #tpu.memory_space<hbm>>, %arg4: memref<50x16384x32xf32, #tpu.memory_space<hbm>>, %arg5: memref<50x512xi32, #tpu.memory_space<vmem>>, %arg6: memref<256x32xf32, #tpu.memory_space<vmem>>, %arg7: memref<256x32xf32, #tpu.memory_space<vmem>>, %arg8: memref<256x32xf32, #tpu.memory_space<vmem>>, %arg9: memref<256x32xf32, #tpu.memory_space<vmem>>, %arg10: memref<256x32xf32, #tpu.memory_space<vmem>>, %arg11: memref<256x32xf32, #tpu.memory_space<vmem>>, %arg12: memref<256x32xf32, #tpu.memory_space<vmem>>, %arg13: memref<256x32xf32, #tpu.memory_space<vmem>>, %arg14: memref<256x32xf32, #tpu.memory_space<vmem>>, %arg15: memref<256x32xf32, #tpu.memory_space<vmem>>, %arg16: memref<!tpu.dma_semaphore, #tpu.memory_space<semaphore_mem>>, %arg17: memref<!tpu.dma_semaphore, #tpu.memory_space<semaphore_mem>>, %arg18: memref<!tpu.dma_semaphore, #tpu.memory_space<semaphore_mem>>, %arg19: memref<!tpu.dma_semaphore, #tpu.memory_space<semaphore_mem>>, %arg20: memref<!tpu.dma_semaphore, #tpu.memory_space<semaphore_mem>>, %arg21: memref<!tpu.dma_semaphore, #tpu.memory_space<semaphore_mem>>, %arg22: memref<!tpu.dma_semaphore, #tpu.memory_space<semaphore_mem>>, %arg23: memref<!tpu.dma_semaphore, #tpu.memory_space<semaphore_mem>>, %arg24: memref<!tpu.dma_semaphore, #tpu.memory_space<semaphore_mem>>, %arg25: memref<!tpu.dma_semaphore, #tpu.memory_space<semaphore_mem>>, %arg26: memref<!tpu.dma_semaphore, #tpu.memory_space<semaphore_mem>>, %arg27: memref<!tpu.dma_semaphore, #tpu.memory_space<semaphore_mem>>, %arg28: memref<!tpu.dma_semaphore, #tpu.memory_space<semaphore_mem>>, %arg29: memref<!tpu.dma_semaphore, #tpu.memory_space<semaphore_mem>>, %arg30: memref<!tpu.dma_semaphore, #tpu.memory_space<semaphore_mem>>, %arg31: memref<!tpu.dma_semaphore, #tpu.memory_space<semaphore_mem>>, %arg32: memref<!tpu.dma_semaphore, #tpu.memory_space<semaphore_mem>>, %arg33: memref<!tpu.dma_semaphore, #tpu.memory_space<semaphore_mem>>, %arg34: memref<!tpu.dma_semaphore, #tpu.memory_space<semaphore_mem>>, %arg35: memref<!tpu.dma_semaphore, #tpu.memory_space<semaphore_mem>>) attributes {dimension_semantics = [#tpu.dimension_semantics<core_parallel>, #tpu.dimension_semantics<subcore_parallel>], iteration_bounds = array<i64: 2, 16>, scalar_prefetch = 0 : i64, scratch_operands = 31 : i64, tpu.core_type = #tpu.core_type<sc_vector_subcore>, window_params = [{transform_indices = #map}, {transform_indices = #map}, {transform_indices = #map1}]} {
    %mul3A = arith.constant 2 : i32
    %mul3A_0 = arith.muli %arg1, %mul3A : i32
    %add3A = arith.addi %mul3A_0, %arg0 : i32
    %mul3A_1 = arith.constant 512 : i32
    %mul3A_2 = arith.muli %add3A, %mul3A_1 : i32
    "tpu.region"() ({
      %run_scoped3A = tpu.sem_alloc : memref<!tpu.dma_semaphore, #tpu.memory_space<semaphore_mem>>
      %dma_start3A_166 = arith.constant 0 : i32
      %dma_start3A_167 = tpu.memref_slice %arg3[%dma_start3A_166, %mul3A_2] : memref<50x16384xi32, #tpu.memory_space<hbm>> -> memref<50x512xi32, #tpu.memory_space<hbm>>
      %dma_start3A_168 = arith.constant 0 : i32
      %dma_start3A_169 = tpu.memref_slice %arg3[%dma_start3A_168, %mul3A_2] : memref<50x16384xi32, #tpu.memory_space<hbm>> -> memref<50x512xi32, #tpu.memory_space<hbm>>
      tpu.enqueue_dma source(%dma_start3A_169 : memref<50x512xi32, #tpu.memory_space<hbm>>) target(%arg5 : memref<50x512xi32, #tpu.memory_space<vmem>>) target_semaphore(%run_scoped3A : memref<!tpu.dma_semaphore, #tpu.memory_space<semaphore_mem>>)
      %dma_wait3A_170 = arith.constant 0 : i32
      %dma_wait3A_171 = tpu.memref_slice %arg3[%dma_wait3A_170, %mul3A_2] : memref<50x16384xi32, #tpu.memory_space<hbm>> -> memref<50x512xi32, #tpu.memory_space<hbm>>
      %dma_wait3A_172 = arith.constant 0 : i32
      %dma_wait3A_173 = tpu.memref_slice %arg3[%dma_wait3A_172, %mul3A_2] : memref<50x16384xi32, #tpu.memory_space<hbm>> -> memref<50x512xi32, #tpu.memory_space<hbm>>
      tpu.wait_dma2 semaphore(%run_scoped3A : memref<!tpu.dma_semaphore, #tpu.memory_space<semaphore_mem>>) src(%dma_wait3A_173 : memref<50x512xi32, #tpu.memory_space<hbm>>) dst(%arg5 : memref<50x512xi32, #tpu.memory_space<vmem>>)
      tpu.yield
    }) : () -> ()
    %dma_start3A = arith.constant 0 : i32
    %dma_start3A_3 = arith.constant 0 : i32
    %dma_start3A_4 = tpu.memref_slice %arg5[%dma_start3A, %dma_start3A_3] : memref<50x512xi32, #tpu.memory_space<vmem>> -> memref<1x256xi32, #tpu.memory_space<vmem>>
    %dma_start3A_5 = tpu.memref_squeeze %dma_start3A_4 : memref<1x256xi32, #tpu.memory_space<vmem>> -> memref<256xi32, #tpu.memory_space<vmem>>
    %dma_start3A_6 = arith.constant 0 : i32
    %dma_start3A_7 = arith.constant 0 : i32
    %dma_start3A_8 = tpu.memref_slice %arg2[%dma_start3A_6, %dma_start3A_7] : memref<1000000x32xf32, #tpu.memory_space<hbm>> -> memref<1000000x32xf32, #tpu.memory_space<hbm>>
    tpu.enqueue_indirect_dma source(%dma_start3A_8 : memref<1000000x32xf32, #tpu.memory_space<hbm>>) target(%arg6 : memref<256x32xf32, #tpu.memory_space<vmem>>) offsets(%dma_start3A_5 : memref<256xi32, #tpu.memory_space<vmem>>) semaphore(%arg16 : memref<!tpu.dma_semaphore, #tpu.memory_space<semaphore_mem>>)
    %dma_start3A_9 = arith.constant 0 : i32
    %dma_start3A_10 = arith.constant 256 : i32
    %dma_start3A_11 = tpu.memref_slice %arg5[%dma_start3A_9, %dma_start3A_10] : memref<50x512xi32, #tpu.memory_space<vmem>> -> memref<1x256xi32, #tpu.memory_space<vmem>>
    %dma_start3A_12 = tpu.memref_squeeze %dma_start3A_11 : memref<1x256xi32, #tpu.memory_space<vmem>> -> memref<256xi32, #tpu.memory_space<vmem>>
    %dma_start3A_13 = arith.constant 0 : i32
    %dma_start3A_14 = arith.constant 0 : i32
    %dma_start3A_15 = tpu.memref_slice %arg2[%dma_start3A_13, %dma_start3A_14] : memref<1000000x32xf32, #tpu.memory_space<hbm>> -> memref<1000000x32xf32, #tpu.memory_space<hbm>>
    tpu.enqueue_indirect_dma source(%dma_start3A_15 : memref<1000000x32xf32, #tpu.memory_space<hbm>>) target(%arg7 : memref<256x32xf32, #tpu.memory_space<vmem>>) offsets(%dma_start3A_12 : memref<256xi32, #tpu.memory_space<vmem>>) semaphore(%arg17 : memref<!tpu.dma_semaphore, #tpu.memory_space<semaphore_mem>>)
    %dma_start3A_16 = arith.constant 1 : i32
    %dma_start3A_17 = arith.constant 0 : i32
    %dma_start3A_18 = tpu.memref_slice %arg5[%dma_start3A_16, %dma_start3A_17] : memref<50x512xi32, #tpu.memory_space<vmem>> -> memref<1x256xi32, #tpu.memory_space<vmem>>
    %dma_start3A_19 = tpu.memref_squeeze %dma_start3A_18 : memref<1x256xi32, #tpu.memory_space<vmem>> -> memref<256xi32, #tpu.memory_space<vmem>>
    %dma_start3A_20 = arith.constant 0 : i32
    %dma_start3A_21 = arith.constant 0 : i32
    %dma_start3A_22 = tpu.memref_slice %arg2[%dma_start3A_20, %dma_start3A_21] : memref<1000000x32xf32, #tpu.memory_space<hbm>> -> memref<1000000x32xf32, #tpu.memory_space<hbm>>
    tpu.enqueue_indirect_dma source(%dma_start3A_22 : memref<1000000x32xf32, #tpu.memory_space<hbm>>) target(%arg8 : memref<256x32xf32, #tpu.memory_space<vmem>>) offsets(%dma_start3A_19 : memref<256xi32, #tpu.memory_space<vmem>>) semaphore(%arg18 : memref<!tpu.dma_semaphore, #tpu.memory_space<semaphore_mem>>)
    %dma_start3A_23 = arith.constant 1 : i32
    %dma_start3A_24 = arith.constant 256 : i32
    %dma_start3A_25 = tpu.memref_slice %arg5[%dma_start3A_23, %dma_start3A_24] : memref<50x512xi32, #tpu.memory_space<vmem>> -> memref<1x256xi32, #tpu.memory_space<vmem>>
    %dma_start3A_26 = tpu.memref_squeeze %dma_start3A_25 : memref<1x256xi32, #tpu.memory_space<vmem>> -> memref<256xi32, #tpu.memory_space<vmem>>
    %dma_start3A_27 = arith.constant 0 : i32
    %dma_start3A_28 = arith.constant 0 : i32
    %dma_start3A_29 = tpu.memref_slice %arg2[%dma_start3A_27, %dma_start3A_28] : memref<1000000x32xf32, #tpu.memory_space<hbm>> -> memref<1000000x32xf32, #tpu.memory_space<hbm>>
    tpu.enqueue_indirect_dma source(%dma_start3A_29 : memref<1000000x32xf32, #tpu.memory_space<hbm>>) target(%arg9 : memref<256x32xf32, #tpu.memory_space<vmem>>) offsets(%dma_start3A_26 : memref<256xi32, #tpu.memory_space<vmem>>) semaphore(%arg19 : memref<!tpu.dma_semaphore, #tpu.memory_space<semaphore_mem>>)
    %dma_start3A_30 = arith.constant 2 : i32
    %dma_start3A_31 = arith.constant 0 : i32
    %dma_start3A_32 = tpu.memref_slice %arg5[%dma_start3A_30, %dma_start3A_31] : memref<50x512xi32, #tpu.memory_space<vmem>> -> memref<1x256xi32, #tpu.memory_space<vmem>>
    %dma_start3A_33 = tpu.memref_squeeze %dma_start3A_32 : memref<1x256xi32, #tpu.memory_space<vmem>> -> memref<256xi32, #tpu.memory_space<vmem>>
    %dma_start3A_34 = arith.constant 0 : i32
    %dma_start3A_35 = arith.constant 0 : i32
    %dma_start3A_36 = tpu.memref_slice %arg2[%dma_start3A_34, %dma_start3A_35] : memref<1000000x32xf32, #tpu.memory_space<hbm>> -> memref<1000000x32xf32, #tpu.memory_space<hbm>>
    tpu.enqueue_indirect_dma source(%dma_start3A_36 : memref<1000000x32xf32, #tpu.memory_space<hbm>>) target(%arg10 : memref<256x32xf32, #tpu.memory_space<vmem>>) offsets(%dma_start3A_33 : memref<256xi32, #tpu.memory_space<vmem>>) semaphore(%arg20 : memref<!tpu.dma_semaphore, #tpu.memory_space<semaphore_mem>>)
    %dma_start3A_37 = arith.constant 2 : i32
    %dma_start3A_38 = arith.constant 256 : i32
    %dma_start3A_39 = tpu.memref_slice %arg5[%dma_start3A_37, %dma_start3A_38] : memref<50x512xi32, #tpu.memory_space<vmem>> -> memref<1x256xi32, #tpu.memory_space<vmem>>
    %dma_start3A_40 = tpu.memref_squeeze %dma_start3A_39 : memref<1x256xi32, #tpu.memory_space<vmem>> -> memref<256xi32, #tpu.memory_space<vmem>>
    %dma_start3A_41 = arith.constant 0 : i32
    %dma_start3A_42 = arith.constant 0 : i32
    %dma_start3A_43 = tpu.memref_slice %arg2[%dma_start3A_41, %dma_start3A_42] : memref<1000000x32xf32, #tpu.memory_space<hbm>> -> memref<1000000x32xf32, #tpu.memory_space<hbm>>
    tpu.enqueue_indirect_dma source(%dma_start3A_43 : memref<1000000x32xf32, #tpu.memory_space<hbm>>) target(%arg11 : memref<256x32xf32, #tpu.memory_space<vmem>>) offsets(%dma_start3A_40 : memref<256xi32, #tpu.memory_space<vmem>>) semaphore(%arg21 : memref<!tpu.dma_semaphore, #tpu.memory_space<semaphore_mem>>)
    %dma_start3A_44 = arith.constant 3 : i32
    %dma_start3A_45 = arith.constant 0 : i32
    %dma_start3A_46 = tpu.memref_slice %arg5[%dma_start3A_44, %dma_start3A_45] : memref<50x512xi32, #tpu.memory_space<vmem>> -> memref<1x256xi32, #tpu.memory_space<vmem>>
    %dma_start3A_47 = tpu.memref_squeeze %dma_start3A_46 : memref<1x256xi32, #tpu.memory_space<vmem>> -> memref<256xi32, #tpu.memory_space<vmem>>
    %dma_start3A_48 = arith.constant 0 : i32
    %dma_start3A_49 = arith.constant 0 : i32
    %dma_start3A_50 = tpu.memref_slice %arg2[%dma_start3A_48, %dma_start3A_49] : memref<1000000x32xf32, #tpu.memory_space<hbm>> -> memref<1000000x32xf32, #tpu.memory_space<hbm>>
    tpu.enqueue_indirect_dma source(%dma_start3A_50 : memref<1000000x32xf32, #tpu.memory_space<hbm>>) target(%arg12 : memref<256x32xf32, #tpu.memory_space<vmem>>) offsets(%dma_start3A_47 : memref<256xi32, #tpu.memory_space<vmem>>) semaphore(%arg22 : memref<!tpu.dma_semaphore, #tpu.memory_space<semaphore_mem>>)
    %dma_start3A_51 = arith.constant 3 : i32
    %dma_start3A_52 = arith.constant 256 : i32
    %dma_start3A_53 = tpu.memref_slice %arg5[%dma_start3A_51, %dma_start3A_52] : memref<50x512xi32, #tpu.memory_space<vmem>> -> memref<1x256xi32, #tpu.memory_space<vmem>>
    %dma_start3A_54 = tpu.memref_squeeze %dma_start3A_53 : memref<1x256xi32, #tpu.memory_space<vmem>> -> memref<256xi32, #tpu.memory_space<vmem>>
    %dma_start3A_55 = arith.constant 0 : i32
    %dma_start3A_56 = arith.constant 0 : i32
    %dma_start3A_57 = tpu.memref_slice %arg2[%dma_start3A_55, %dma_start3A_56] : memref<1000000x32xf32, #tpu.memory_space<hbm>> -> memref<1000000x32xf32, #tpu.memory_space<hbm>>
    tpu.enqueue_indirect_dma source(%dma_start3A_57 : memref<1000000x32xf32, #tpu.memory_space<hbm>>) target(%arg13 : memref<256x32xf32, #tpu.memory_space<vmem>>) offsets(%dma_start3A_54 : memref<256xi32, #tpu.memory_space<vmem>>) semaphore(%arg23 : memref<!tpu.dma_semaphore, #tpu.memory_space<semaphore_mem>>)
    %dma_start3A_58 = arith.constant 4 : i32
    %dma_start3A_59 = arith.constant 0 : i32
    %dma_start3A_60 = tpu.memref_slice %arg5[%dma_start3A_58, %dma_start3A_59] : memref<50x512xi32, #tpu.memory_space<vmem>> -> memref<1x256xi32, #tpu.memory_space<vmem>>
    %dma_start3A_61 = tpu.memref_squeeze %dma_start3A_60 : memref<1x256xi32, #tpu.memory_space<vmem>> -> memref<256xi32, #tpu.memory_space<vmem>>
    %dma_start3A_62 = arith.constant 0 : i32
    %dma_start3A_63 = arith.constant 0 : i32
    %dma_start3A_64 = tpu.memref_slice %arg2[%dma_start3A_62, %dma_start3A_63] : memref<1000000x32xf32, #tpu.memory_space<hbm>> -> memref<1000000x32xf32, #tpu.memory_space<hbm>>
    tpu.enqueue_indirect_dma source(%dma_start3A_64 : memref<1000000x32xf32, #tpu.memory_space<hbm>>) target(%arg14 : memref<256x32xf32, #tpu.memory_space<vmem>>) offsets(%dma_start3A_61 : memref<256xi32, #tpu.memory_space<vmem>>) semaphore(%arg24 : memref<!tpu.dma_semaphore, #tpu.memory_space<semaphore_mem>>)
    %dma_start3A_65 = arith.constant 4 : i32
    %dma_start3A_66 = arith.constant 256 : i32
    %dma_start3A_67 = tpu.memref_slice %arg5[%dma_start3A_65, %dma_start3A_66] : memref<50x512xi32, #tpu.memory_space<vmem>> -> memref<1x256xi32, #tpu.memory_space<vmem>>
    %dma_start3A_68 = tpu.memref_squeeze %dma_start3A_67 : memref<1x256xi32, #tpu.memory_space<vmem>> -> memref<256xi32, #tpu.memory_space<vmem>>
    %dma_start3A_69 = arith.constant 0 : i32
    %dma_start3A_70 = arith.constant 0 : i32
    %dma_start3A_71 = tpu.memref_slice %arg2[%dma_start3A_69, %dma_start3A_70] : memref<1000000x32xf32, #tpu.memory_space<hbm>> -> memref<1000000x32xf32, #tpu.memory_space<hbm>>
    tpu.enqueue_indirect_dma source(%dma_start3A_71 : memref<1000000x32xf32, #tpu.memory_space<hbm>>) target(%arg15 : memref<256x32xf32, #tpu.memory_space<vmem>>) offsets(%dma_start3A_68 : memref<256xi32, #tpu.memory_space<vmem>>) semaphore(%arg25 : memref<!tpu.dma_semaphore, #tpu.memory_space<semaphore_mem>>)
    %scan3A = arith.constant 0 : i32
    %scan3A_72 = arith.constant 0 : i32
    %scan3A_73 = arith.constant 10 : i32
    %scan3A_74 = arith.addi %scan3A_72, %scan3A_73 : i32
    %scan3A_75 = arith.constant 1 : i32
    scf.for %scan3A_166 = %scan3A_72 to %scan3A_74 step %scan3A_75  : i32 {
      %mul3A_167 = arith.constant 10 : i32
      %mul3A_168 = arith.muli %scan3A_166, %mul3A_167 : i32
      %add3A_169 = arith.constant 0 : i32
      %add3A_170 = arith.addi %mul3A_168, %add3A_169 : i32
      %jit3A = arith.constant 2 : i32
      %div3A = arith.divsi %add3A_170, %jit3A : i32
      %sign3A = arith.constant 0 : i32
      %sign3A_171 = arith.cmpi sgt, %add3A_170, %sign3A : i32
      %sign3A_172 = arith.extui %sign3A_171 : i1 to i32
      %sign3A_173 = arith.constant 0 : i32
      %sign3A_174 = arith.cmpi slt, %add3A_170, %sign3A_173 : i32
      %sign3A_175 = arith.extui %sign3A_174 : i1 to i32
      %sign3A_176 = arith.subi %sign3A_172, %sign3A_175 : i32
      %sign3A_177 = arith.constant 0 : i32
      %sign3A_178 = arith.cmpi sgt, %jit3A, %sign3A_177 : i32
      %sign3A_179 = arith.extui %sign3A_178 : i1 to i32
      %sign3A_180 = arith.constant 0 : i32
      %sign3A_181 = arith.cmpi slt, %jit3A, %sign3A_180 : i32
      %sign3A_182 = arith.extui %sign3A_181 : i1 to i32
      %sign3A_183 = arith.subi %sign3A_179, %sign3A_182 : i32
      %ne3A = arith.cmpi ne, %sign3A_176, %sign3A_183 : i32
      %rem3A = arith.remsi %add3A_170, %jit3A : i32
      %ne3A_184 = arith.constant 0 : i32
      %ne3A_185 = arith.cmpi ne, %rem3A, %ne3A_184 : i32
      %and3A = arith.andi %ne3A, %ne3A_185 : i1
      %sub3A = arith.constant 1 : i32
      %sub3A_186 = arith.subi %div3A, %sub3A : i32
      %select_n3A = arith.select %and3A, %sub3A_186, %div3A : i32
      %jit3A_187 = arith.constant 2 : i32
      %eq3A = arith.constant 0 : i32
      %eq3A_188 = arith.cmpi eq, %jit3A_187, %eq3A : i32
      %jit3A_189 = arith.constant 1 : i32
      %select_n3A_190 = arith.select %eq3A_188, %jit3A_189, %jit3A_187 : i32
      %rem3A_191 = arith.remsi %add3A_170, %select_n3A_190 : i32
      %ne3A_192 = arith.constant 0 : i32
      %ne3A_193 = arith.cmpi ne, %rem3A_191, %ne3A_192 : i32
      %lt3A = arith.constant 0 : i32
      %lt3A_194 = arith.cmpi slt, %rem3A_191, %lt3A : i32
      %lt3A_195 = arith.constant 0 : i32
      %lt3A_196 = arith.cmpi slt, %select_n3A_190, %lt3A_195 : i32
      %ne3A_197 = arith.xori %lt3A_194, %lt3A_196 : i1
      %and3A_198 = arith.andi %ne3A_197, %ne3A_193 : i1
      %add3A_199 = arith.addi %rem3A_191, %select_n3A_190 : i32
      %select_n3A_200 = arith.select %and3A_198, %add3A_199, %rem3A_191 : i32
      %mul3A_201 = arith.constant 256 : i32
      %mul3A_202 = arith.muli %select_n3A_200, %mul3A_201 : i32
      %dma_wait3A_203 = tpu.memref_slice %arg5[%select_n3A, %mul3A_202] : memref<50x512xi32, #tpu.memory_space<vmem>> -> memref<1x256xi32, #tpu.memory_space<vmem>>
      %dma_wait3A_204 = tpu.memref_squeeze %dma_wait3A_203 : memref<1x256xi32, #tpu.memory_space<vmem>> -> memref<256xi32, #tpu.memory_space<vmem>>
      %dma_wait3A_205 = arith.constant 0 : i32
      %dma_wait3A_206 = arith.constant 0 : i32
      %dma_wait3A_207 = tpu.memref_slice %arg2[%dma_wait3A_205, %dma_wait3A_206] : memref<1000000x32xf32, #tpu.memory_space<hbm>> -> memref<1000000x32xf32, #tpu.memory_space<hbm>>
      tpu.wait_indirect_dma semaphore(%arg16 : memref<!tpu.dma_semaphore, #tpu.memory_space<semaphore_mem>>) src(%dma_wait3A_207 : memref<1000000x32xf32, #tpu.memory_space<hbm>>) dst(%arg6 : memref<256x32xf32, #tpu.memory_space<vmem>>)
      %jit3A_208 = arith.constant 2 : i32
      %div3A_209 = arith.divsi %add3A_170, %jit3A_208 : i32
      %sign3A_210 = arith.constant 0 : i32
      %sign3A_211 = arith.cmpi sgt, %add3A_170, %sign3A_210 : i32
      %sign3A_212 = arith.extui %sign3A_211 : i1 to i32
      %sign3A_213 = arith.constant 0 : i32
      %sign3A_214 = arith.cmpi slt, %add3A_170, %sign3A_213 : i32
      %sign3A_215 = arith.extui %sign3A_214 : i1 to i32
      %sign3A_216 = arith.subi %sign3A_212, %sign3A_215 : i32
      %sign3A_217 = arith.constant 0 : i32
      %sign3A_218 = arith.cmpi sgt, %jit3A_208, %sign3A_217 : i32
      %sign3A_219 = arith.extui %sign3A_218 : i1 to i32
      %sign3A_220 = arith.constant 0 : i32
      %sign3A_221 = arith.cmpi slt, %jit3A_208, %sign3A_220 : i32
      %sign3A_222 = arith.extui %sign3A_221 : i1 to i32
      %sign3A_223 = arith.subi %sign3A_219, %sign3A_222 : i32
      %ne3A_224 = arith.cmpi ne, %sign3A_216, %sign3A_223 : i32
      %rem3A_225 = arith.remsi %add3A_170, %jit3A_208 : i32
      %ne3A_226 = arith.constant 0 : i32
      %ne3A_227 = arith.cmpi ne, %rem3A_225, %ne3A_226 : i32
      %and3A_228 = arith.andi %ne3A_224, %ne3A_227 : i1
      %sub3A_229 = arith.constant 1 : i32
      %sub3A_230 = arith.subi %div3A_209, %sub3A_229 : i32
      %select_n3A_231 = arith.select %and3A_228, %sub3A_230, %div3A_209 : i32
      %jit3A_232 = arith.constant 2 : i32
      %eq3A_233 = arith.constant 0 : i32
      %eq3A_234 = arith.cmpi eq, %jit3A_232, %eq3A_233 : i32
      %jit3A_235 = arith.constant 1 : i32
      %select_n3A_236 = arith.select %eq3A_234, %jit3A_235, %jit3A_232 : i32
      %rem3A_237 = arith.remsi %add3A_170, %select_n3A_236 : i32
      %ne3A_238 = arith.constant 0 : i32
      %ne3A_239 = arith.cmpi ne, %rem3A_237, %ne3A_238 : i32
      %lt3A_240 = arith.constant 0 : i32
      %lt3A_241 = arith.cmpi slt, %rem3A_237, %lt3A_240 : i32
      %lt3A_242 = arith.constant 0 : i32
      %lt3A_243 = arith.cmpi slt, %select_n3A_236, %lt3A_242 : i32
      %ne3A_244 = arith.xori %lt3A_241, %lt3A_243 : i1
      %and3A_245 = arith.andi %ne3A_244, %ne3A_239 : i1
      %add3A_246 = arith.addi %rem3A_237, %select_n3A_236 : i32
      %select_n3A_247 = arith.select %and3A_245, %add3A_246, %rem3A_237 : i32
      %mul3A_248 = arith.constant 256 : i32
      %mul3A_249 = arith.muli %select_n3A_247, %mul3A_248 : i32
      %add3A_250 = arith.addi %mul3A_2, %mul3A_249 : i32
      %dma_start3A_251 = arith.constant 0 : i32
      %dma_start3A_252 = tpu.memref_slice %arg4[%select_n3A_231, %add3A_250, %dma_start3A_251] : memref<50x16384x32xf32, #tpu.memory_space<hbm>> -> memref<1x256x32xf32, #tpu.memory_space<hbm>>
      %dma_start3A_253 = tpu.memref_squeeze %dma_start3A_252 : memref<1x256x32xf32, #tpu.memory_space<hbm>> -> memref<256x32xf32, #tpu.memory_space<hbm>>
      %dma_start3A_254 = arith.constant 0 : i32
      %dma_start3A_255 = tpu.memref_slice %arg4[%select_n3A_231, %add3A_250, %dma_start3A_254] : memref<50x16384x32xf32, #tpu.memory_space<hbm>> -> memref<1x256x32xf32, #tpu.memory_space<hbm>>
      %dma_start3A_256 = tpu.memref_squeeze %dma_start3A_255 : memref<1x256x32xf32, #tpu.memory_space<hbm>> -> memref<256x32xf32, #tpu.memory_space<hbm>>
      tpu.enqueue_dma source(%arg6 : memref<256x32xf32, #tpu.memory_space<vmem>>) target(%dma_start3A_256 : memref<256x32xf32, #tpu.memory_space<hbm>>) target_semaphore(%arg26 : memref<!tpu.dma_semaphore, #tpu.memory_space<semaphore_mem>>)
      %lt3A_257 = arith.constant 9 : i32
      %lt3A_258 = arith.cmpi slt, %scan3A_166, %lt3A_257 : i32
      %convert_element_type3A = arith.extui %lt3A_258 : i1 to i32
      %cond3A = arith.constant 0 : i32
      %cond3A_259 = arith.cmpi ne, %convert_element_type3A, %cond3A : i32
      scf.if %cond3A_259 {
        %jit3A_1205 = arith.constant 2 : i32
        %div3A_1206 = arith.divsi %add3A_170, %jit3A_1205 : i32
        %sign3A_1207 = arith.constant 0 : i32
        %sign3A_1208 = arith.cmpi sgt, %add3A_170, %sign3A_1207 : i32
        %sign3A_1209 = arith.extui %sign3A_1208 : i1 to i32
        %sign3A_1210 = arith.constant 0 : i32
        %sign3A_1211 = arith.cmpi slt, %add3A_170, %sign3A_1210 : i32
        %sign3A_1212 = arith.extui %sign3A_1211 : i1 to i32
        %sign3A_1213 = arith.subi %sign3A_1209, %sign3A_1212 : i32
        %sign3A_1214 = arith.constant 0 : i32
        %sign3A_1215 = arith.cmpi sgt, %jit3A_1205, %sign3A_1214 : i32
        %sign3A_1216 = arith.extui %sign3A_1215 : i1 to i32
        %sign3A_1217 = arith.constant 0 : i32
        %sign3A_1218 = arith.cmpi slt, %jit3A_1205, %sign3A_1217 : i32
        %sign3A_1219 = arith.extui %sign3A_1218 : i1 to i32
        %sign3A_1220 = arith.subi %sign3A_1216, %sign3A_1219 : i32
        %ne3A_1221 = arith.cmpi ne, %sign3A_1213, %sign3A_1220 : i32
        %rem3A_1222 = arith.remsi %add3A_170, %jit3A_1205 : i32
        %ne3A_1223 = arith.constant 0 : i32
        %ne3A_1224 = arith.cmpi ne, %rem3A_1222, %ne3A_1223 : i32
        %and3A_1225 = arith.andi %ne3A_1221, %ne3A_1224 : i1
        %sub3A_1226 = arith.constant 1 : i32
        %sub3A_1227 = arith.subi %div3A_1206, %sub3A_1226 : i32
        %select_n3A_1228 = arith.select %and3A_1225, %sub3A_1227, %div3A_1206 : i32
        %jit3A_1229 = arith.constant 2 : i32
        %eq3A_1230 = arith.constant 0 : i32
        %eq3A_1231 = arith.cmpi eq, %jit3A_1229, %eq3A_1230 : i32
        %jit3A_1232 = arith.constant 1 : i32
        %select_n3A_1233 = arith.select %eq3A_1231, %jit3A_1232, %jit3A_1229 : i32
        %rem3A_1234 = arith.remsi %add3A_170, %select_n3A_1233 : i32
        %ne3A_1235 = arith.constant 0 : i32
        %ne3A_1236 = arith.cmpi ne, %rem3A_1234, %ne3A_1235 : i32
        %lt3A_1237 = arith.constant 0 : i32
        %lt3A_1238 = arith.cmpi slt, %rem3A_1234, %lt3A_1237 : i32
        %lt3A_1239 = arith.constant 0 : i32
        %lt3A_1240 = arith.cmpi slt, %select_n3A_1233, %lt3A_1239 : i32
        %ne3A_1241 = arith.xori %lt3A_1238, %lt3A_1240 : i1
        %and3A_1242 = arith.andi %ne3A_1241, %ne3A_1236 : i1
        %add3A_1243 = arith.addi %rem3A_1234, %select_n3A_1233 : i32
        %select_n3A_1244 = arith.select %and3A_1242, %add3A_1243, %rem3A_1234 : i32
        %mul3A_1245 = arith.constant 256 : i32
        %mul3A_1246 = arith.muli %select_n3A_1244, %mul3A_1245 : i32
        %add3A_1247 = arith.addi %mul3A_2, %mul3A_1246 : i32
        %dma_wait3A_1248 = arith.constant 0 : i32
        %dma_wait3A_1249 = tpu.memref_slice %arg4[%select_n3A_1228, %add3A_1247, %dma_wait3A_1248] : memref<50x16384x32xf32, #tpu.memory_space<hbm>> -> memref<1x256x32xf32, #tpu.memory_space<hbm>>
        %dma_wait3A_1250 = tpu.memref_squeeze %dma_wait3A_1249 : memref<1x256x32xf32, #tpu.memory_space<hbm>> -> memref<256x32xf32, #tpu.memory_space<hbm>>
        %dma_wait3A_1251 = arith.constant 0 : i32
        %dma_wait3A_1252 = tpu.memref_slice %arg4[%select_n3A_1228, %add3A_1247, %dma_wait3A_1251] : memref<50x16384x32xf32, #tpu.memory_space<hbm>> -> memref<1x256x32xf32, #tpu.memory_space<hbm>>
        %dma_wait3A_1253 = tpu.memref_squeeze %dma_wait3A_1252 : memref<1x256x32xf32, #tpu.memory_space<hbm>> -> memref<256x32xf32, #tpu.memory_space<hbm>>
        tpu.wait_dma2 semaphore(%arg26 : memref<!tpu.dma_semaphore, #tpu.memory_space<semaphore_mem>>) src(%arg6 : memref<256x32xf32, #tpu.memory_space<vmem>>) dst(%dma_wait3A_1253 : memref<256x32xf32, #tpu.memory_space<hbm>>)
        %add3A_1254 = arith.constant 10 : i32
        %add3A_1255 = arith.addi %add3A_170, %add3A_1254 : i32
        %jit3A_1256 = arith.constant 2 : i32
        %div3A_1257 = arith.divsi %add3A_1255, %jit3A_1256 : i32
        %sign3A_1258 = arith.constant 0 : i32
        %sign3A_1259 = arith.cmpi sgt, %add3A_1255, %sign3A_1258 : i32
        %sign3A_1260 = arith.extui %sign3A_1259 : i1 to i32
        %sign3A_1261 = arith.constant 0 : i32
        %sign3A_1262 = arith.cmpi slt, %add3A_1255, %sign3A_1261 : i32
        %sign3A_1263 = arith.extui %sign3A_1262 : i1 to i32
        %sign3A_1264 = arith.subi %sign3A_1260, %sign3A_1263 : i32
        %sign3A_1265 = arith.constant 0 : i32
        %sign3A_1266 = arith.cmpi sgt, %jit3A_1256, %sign3A_1265 : i32
        %sign3A_1267 = arith.extui %sign3A_1266 : i1 to i32
        %sign3A_1268 = arith.constant 0 : i32
        %sign3A_1269 = arith.cmpi slt, %jit3A_1256, %sign3A_1268 : i32
        %sign3A_1270 = arith.extui %sign3A_1269 : i1 to i32
        %sign3A_1271 = arith.subi %sign3A_1267, %sign3A_1270 : i32
        %ne3A_1272 = arith.cmpi ne, %sign3A_1264, %sign3A_1271 : i32
        %rem3A_1273 = arith.remsi %add3A_1255, %jit3A_1256 : i32
        %ne3A_1274 = arith.constant 0 : i32
        %ne3A_1275 = arith.cmpi ne, %rem3A_1273, %ne3A_1274 : i32
        %and3A_1276 = arith.andi %ne3A_1272, %ne3A_1275 : i1
        %sub3A_1277 = arith.constant 1 : i32
        %sub3A_1278 = arith.subi %div3A_1257, %sub3A_1277 : i32
        %select_n3A_1279 = arith.select %and3A_1276, %sub3A_1278, %div3A_1257 : i32
        %jit3A_1280 = arith.constant 2 : i32
        %eq3A_1281 = arith.constant 0 : i32
        %eq3A_1282 = arith.cmpi eq, %jit3A_1280, %eq3A_1281 : i32
        %jit3A_1283 = arith.constant 1 : i32
        %select_n3A_1284 = arith.select %eq3A_1282, %jit3A_1283, %jit3A_1280 : i32
        %rem3A_1285 = arith.remsi %add3A_1255, %select_n3A_1284 : i32
        %ne3A_1286 = arith.constant 0 : i32
        %ne3A_1287 = arith.cmpi ne, %rem3A_1285, %ne3A_1286 : i32
        %lt3A_1288 = arith.constant 0 : i32
        %lt3A_1289 = arith.cmpi slt, %rem3A_1285, %lt3A_1288 : i32
        %lt3A_1290 = arith.constant 0 : i32
        %lt3A_1291 = arith.cmpi slt, %select_n3A_1284, %lt3A_1290 : i32
        %ne3A_1292 = arith.xori %lt3A_1289, %lt3A_1291 : i1
        %and3A_1293 = arith.andi %ne3A_1292, %ne3A_1287 : i1
        %add3A_1294 = arith.addi %rem3A_1285, %select_n3A_1284 : i32
        %select_n3A_1295 = arith.select %and3A_1293, %add3A_1294, %rem3A_1285 : i32
        %mul3A_1296 = arith.constant 256 : i32
        %mul3A_1297 = arith.muli %select_n3A_1295, %mul3A_1296 : i32
        %dma_start3A_1298 = tpu.memref_slice %arg5[%select_n3A_1279, %mul3A_1297] : memref<50x512xi32, #tpu.memory_space<vmem>> -> memref<1x256xi32, #tpu.memory_space<vmem>>
        %dma_start3A_1299 = tpu.memref_squeeze %dma_start3A_1298 : memref<1x256xi32, #tpu.memory_space<vmem>> -> memref<256xi32, #tpu.memory_space<vmem>>
        %dma_start3A_1300 = arith.constant 0 : i32
        %dma_start3A_1301 = arith.constant 0 : i32
        %dma_start3A_1302 = tpu.memref_slice %arg2[%dma_start3A_1300, %dma_start3A_1301] : memref<1000000x32xf32, #tpu.memory_space<hbm>> -> memref<1000000x32xf32, #tpu.memory_space<hbm>>
        tpu.enqueue_indirect_dma source(%dma_start3A_1302 : memref<1000000x32xf32, #tpu.memory_space<hbm>>) target(%arg6 : memref<256x32xf32, #tpu.memory_space<vmem>>) offsets(%dma_start3A_1299 : memref<256xi32, #tpu.memory_space<vmem>>) semaphore(%arg16 : memref<!tpu.dma_semaphore, #tpu.memory_space<semaphore_mem>>)
      } else {
      }
      %mul3A_260 = arith.constant 10 : i32
      %mul3A_261 = arith.muli %scan3A_166, %mul3A_260 : i32
      %add3A_262 = arith.constant 1 : i32
      %add3A_263 = arith.addi %mul3A_261, %add3A_262 : i32
      %jit3A_264 = arith.constant 2 : i32
      %div3A_265 = arith.divsi %add3A_263, %jit3A_264 : i32
      %sign3A_266 = arith.constant 0 : i32
      %sign3A_267 = arith.cmpi sgt, %add3A_263, %sign3A_266 : i32
      %sign3A_268 = arith.extui %sign3A_267 : i1 to i32
      %sign3A_269 = arith.constant 0 : i32
      %sign3A_270 = arith.cmpi slt, %add3A_263, %sign3A_269 : i32
      %sign3A_271 = arith.extui %sign3A_270 : i1 to i32
      %sign3A_272 = arith.subi %sign3A_268, %sign3A_271 : i32
      %sign3A_273 = arith.constant 0 : i32
      %sign3A_274 = arith.cmpi sgt, %jit3A_264, %sign3A_273 : i32
      %sign3A_275 = arith.extui %sign3A_274 : i1 to i32
      %sign3A_276 = arith.constant 0 : i32
      %sign3A_277 = arith.cmpi slt, %jit3A_264, %sign3A_276 : i32
      %sign3A_278 = arith.extui %sign3A_277 : i1 to i32
      %sign3A_279 = arith.subi %sign3A_275, %sign3A_278 : i32
      %ne3A_280 = arith.cmpi ne, %sign3A_272, %sign3A_279 : i32
      %rem3A_281 = arith.remsi %add3A_263, %jit3A_264 : i32
      %ne3A_282 = arith.constant 0 : i32
      %ne3A_283 = arith.cmpi ne, %rem3A_281, %ne3A_282 : i32
      %and3A_284 = arith.andi %ne3A_280, %ne3A_283 : i1
      %sub3A_285 = arith.constant 1 : i32
      %sub3A_286 = arith.subi %div3A_265, %sub3A_285 : i32
      %select_n3A_287 = arith.select %and3A_284, %sub3A_286, %div3A_265 : i32
      %jit3A_288 = arith.constant 2 : i32
      %eq3A_289 = arith.constant 0 : i32
      %eq3A_290 = arith.cmpi eq, %jit3A_288, %eq3A_289 : i32
      %jit3A_291 = arith.constant 1 : i32
      %select_n3A_292 = arith.select %eq3A_290, %jit3A_291, %jit3A_288 : i32
      %rem3A_293 = arith.remsi %add3A_263, %select_n3A_292 : i32
      %ne3A_294 = arith.constant 0 : i32
      %ne3A_295 = arith.cmpi ne, %rem3A_293, %ne3A_294 : i32
      %lt3A_296 = arith.constant 0 : i32
      %lt3A_297 = arith.cmpi slt, %rem3A_293, %lt3A_296 : i32
      %lt3A_298 = arith.constant 0 : i32
      %lt3A_299 = arith.cmpi slt, %select_n3A_292, %lt3A_298 : i32
      %ne3A_300 = arith.xori %lt3A_297, %lt3A_299 : i1
      %and3A_301 = arith.andi %ne3A_300, %ne3A_295 : i1
      %add3A_302 = arith.addi %rem3A_293, %select_n3A_292 : i32
      %select_n3A_303 = arith.select %and3A_301, %add3A_302, %rem3A_293 : i32
      %mul3A_304 = arith.constant 256 : i32
      %mul3A_305 = arith.muli %select_n3A_303, %mul3A_304 : i32
      %dma_wait3A_306 = tpu.memref_slice %arg5[%select_n3A_287, %mul3A_305] : memref<50x512xi32, #tpu.memory_space<vmem>> -> memref<1x256xi32, #tpu.memory_space<vmem>>
      %dma_wait3A_307 = tpu.memref_squeeze %dma_wait3A_306 : memref<1x256xi32, #tpu.memory_space<vmem>> -> memref<256xi32, #tpu.memory_space<vmem>>
      %dma_wait3A_308 = arith.constant 0 : i32
      %dma_wait3A_309 = arith.constant 0 : i32
      %dma_wait3A_310 = tpu.memref_slice %arg2[%dma_wait3A_308, %dma_wait3A_309] : memref<1000000x32xf32, #tpu.memory_space<hbm>> -> memref<1000000x32xf32, #tpu.memory_space<hbm>>
      tpu.wait_indirect_dma semaphore(%arg17 : memref<!tpu.dma_semaphore, #tpu.memory_space<semaphore_mem>>) src(%dma_wait3A_310 : memref<1000000x32xf32, #tpu.memory_space<hbm>>) dst(%arg7 : memref<256x32xf32, #tpu.memory_space<vmem>>)
      %jit3A_311 = arith.constant 2 : i32
      %div3A_312 = arith.divsi %add3A_263, %jit3A_311 : i32
      %sign3A_313 = arith.constant 0 : i32
      %sign3A_314 = arith.cmpi sgt, %add3A_263, %sign3A_313 : i32
      %sign3A_315 = arith.extui %sign3A_314 : i1 to i32
      %sign3A_316 = arith.constant 0 : i32
      %sign3A_317 = arith.cmpi slt, %add3A_263, %sign3A_316 : i32
      %sign3A_318 = arith.extui %sign3A_317 : i1 to i32
      %sign3A_319 = arith.subi %sign3A_315, %sign3A_318 : i32
      %sign3A_320 = arith.constant 0 : i32
      %sign3A_321 = arith.cmpi sgt, %jit3A_311, %sign3A_320 : i32
      %sign3A_322 = arith.extui %sign3A_321 : i1 to i32
      %sign3A_323 = arith.constant 0 : i32
      %sign3A_324 = arith.cmpi slt, %jit3A_311, %sign3A_323 : i32
      %sign3A_325 = arith.extui %sign3A_324 : i1 to i32
      %sign3A_326 = arith.subi %sign3A_322, %sign3A_325 : i32
      %ne3A_327 = arith.cmpi ne, %sign3A_319, %sign3A_326 : i32
      %rem3A_328 = arith.remsi %add3A_263, %jit3A_311 : i32
      %ne3A_329 = arith.constant 0 : i32
      %ne3A_330 = arith.cmpi ne, %rem3A_328, %ne3A_329 : i32
      %and3A_331 = arith.andi %ne3A_327, %ne3A_330 : i1
      %sub3A_332 = arith.constant 1 : i32
      %sub3A_333 = arith.subi %div3A_312, %sub3A_332 : i32
      %select_n3A_334 = arith.select %and3A_331, %sub3A_333, %div3A_312 : i32
      %jit3A_335 = arith.constant 2 : i32
      %eq3A_336 = arith.constant 0 : i32
      %eq3A_337 = arith.cmpi eq, %jit3A_335, %eq3A_336 : i32
      %jit3A_338 = arith.constant 1 : i32
      %select_n3A_339 = arith.select %eq3A_337, %jit3A_338, %jit3A_335 : i32
      %rem3A_340 = arith.remsi %add3A_263, %select_n3A_339 : i32
      %ne3A_341 = arith.constant 0 : i32
      %ne3A_342 = arith.cmpi ne, %rem3A_340, %ne3A_341 : i32
      %lt3A_343 = arith.constant 0 : i32
      %lt3A_344 = arith.cmpi slt, %rem3A_340, %lt3A_343 : i32
      %lt3A_345 = arith.constant 0 : i32
      %lt3A_346 = arith.cmpi slt, %select_n3A_339, %lt3A_345 : i32
      %ne3A_347 = arith.xori %lt3A_344, %lt3A_346 : i1
      %and3A_348 = arith.andi %ne3A_347, %ne3A_342 : i1
      %add3A_349 = arith.addi %rem3A_340, %select_n3A_339 : i32
      %select_n3A_350 = arith.select %and3A_348, %add3A_349, %rem3A_340 : i32
      %mul3A_351 = arith.constant 256 : i32
      %mul3A_352 = arith.muli %select_n3A_350, %mul3A_351 : i32
      %add3A_353 = arith.addi %mul3A_2, %mul3A_352 : i32
      %dma_start3A_354 = arith.constant 0 : i32
      %dma_start3A_355 = tpu.memref_slice %arg4[%select_n3A_334, %add3A_353, %dma_start3A_354] : memref<50x16384x32xf32, #tpu.memory_space<hbm>> -> memref<1x256x32xf32, #tpu.memory_space<hbm>>
      %dma_start3A_356 = tpu.memref_squeeze %dma_start3A_355 : memref<1x256x32xf32, #tpu.memory_space<hbm>> -> memref<256x32xf32, #tpu.memory_space<hbm>>
      %dma_start3A_357 = arith.constant 0 : i32
      %dma_start3A_358 = tpu.memref_slice %arg4[%select_n3A_334, %add3A_353, %dma_start3A_357] : memref<50x16384x32xf32, #tpu.memory_space<hbm>> -> memref<1x256x32xf32, #tpu.memory_space<hbm>>
      %dma_start3A_359 = tpu.memref_squeeze %dma_start3A_358 : memref<1x256x32xf32, #tpu.memory_space<hbm>> -> memref<256x32xf32, #tpu.memory_space<hbm>>
      tpu.enqueue_dma source(%arg7 : memref<256x32xf32, #tpu.memory_space<vmem>>) target(%dma_start3A_359 : memref<256x32xf32, #tpu.memory_space<hbm>>) target_semaphore(%arg27 : memref<!tpu.dma_semaphore, #tpu.memory_space<semaphore_mem>>)
      %lt3A_360 = arith.constant 9 : i32
      %lt3A_361 = arith.cmpi slt, %scan3A_166, %lt3A_360 : i32
      %convert_element_type3A_362 = arith.extui %lt3A_361 : i1 to i32
      %cond3A_363 = arith.constant 0 : i32
      %cond3A_364 = arith.cmpi ne, %convert_element_type3A_362, %cond3A_363 : i32
      scf.if %cond3A_364 {
        %jit3A_1205 = arith.constant 2 : i32
        %div3A_1206 = arith.divsi %add3A_263, %jit3A_1205 : i32
        %sign3A_1207 = arith.constant 0 : i32
        %sign3A_1208 = arith.cmpi sgt, %add3A_263, %sign3A_1207 : i32
        %sign3A_1209 = arith.extui %sign3A_1208 : i1 to i32
        %sign3A_1210 = arith.constant 0 : i32
        %sign3A_1211 = arith.cmpi slt, %add3A_263, %sign3A_1210 : i32
        %sign3A_1212 = arith.extui %sign3A_1211 : i1 to i32
        %sign3A_1213 = arith.subi %sign3A_1209, %sign3A_1212 : i32
        %sign3A_1214 = arith.constant 0 : i32
        %sign3A_1215 = arith.cmpi sgt, %jit3A_1205, %sign3A_1214 : i32
        %sign3A_1216 = arith.extui %sign3A_1215 : i1 to i32
        %sign3A_1217 = arith.constant 0 : i32
        %sign3A_1218 = arith.cmpi slt, %jit3A_1205, %sign3A_1217 : i32
        %sign3A_1219 = arith.extui %sign3A_1218 : i1 to i32
        %sign3A_1220 = arith.subi %sign3A_1216, %sign3A_1219 : i32
        %ne3A_1221 = arith.cmpi ne, %sign3A_1213, %sign3A_1220 : i32
        %rem3A_1222 = arith.remsi %add3A_263, %jit3A_1205 : i32
        %ne3A_1223 = arith.constant 0 : i32
        %ne3A_1224 = arith.cmpi ne, %rem3A_1222, %ne3A_1223 : i32
        %and3A_1225 = arith.andi %ne3A_1221, %ne3A_1224 : i1
        %sub3A_1226 = arith.constant 1 : i32
        %sub3A_1227 = arith.subi %div3A_1206, %sub3A_1226 : i32
        %select_n3A_1228 = arith.select %and3A_1225, %sub3A_1227, %div3A_1206 : i32
        %jit3A_1229 = arith.constant 2 : i32
        %eq3A_1230 = arith.constant 0 : i32
        %eq3A_1231 = arith.cmpi eq, %jit3A_1229, %eq3A_1230 : i32
        %jit3A_1232 = arith.constant 1 : i32
        %select_n3A_1233 = arith.select %eq3A_1231, %jit3A_1232, %jit3A_1229 : i32
        %rem3A_1234 = arith.remsi %add3A_263, %select_n3A_1233 : i32
        %ne3A_1235 = arith.constant 0 : i32
        %ne3A_1236 = arith.cmpi ne, %rem3A_1234, %ne3A_1235 : i32
        %lt3A_1237 = arith.constant 0 : i32
        %lt3A_1238 = arith.cmpi slt, %rem3A_1234, %lt3A_1237 : i32
        %lt3A_1239 = arith.constant 0 : i32
        %lt3A_1240 = arith.cmpi slt, %select_n3A_1233, %lt3A_1239 : i32
        %ne3A_1241 = arith.xori %lt3A_1238, %lt3A_1240 : i1
        %and3A_1242 = arith.andi %ne3A_1241, %ne3A_1236 : i1
        %add3A_1243 = arith.addi %rem3A_1234, %select_n3A_1233 : i32
        %select_n3A_1244 = arith.select %and3A_1242, %add3A_1243, %rem3A_1234 : i32
        %mul3A_1245 = arith.constant 256 : i32
        %mul3A_1246 = arith.muli %select_n3A_1244, %mul3A_1245 : i32
        %add3A_1247 = arith.addi %mul3A_2, %mul3A_1246 : i32
        %dma_wait3A_1248 = arith.constant 0 : i32
        %dma_wait3A_1249 = tpu.memref_slice %arg4[%select_n3A_1228, %add3A_1247, %dma_wait3A_1248] : memref<50x16384x32xf32, #tpu.memory_space<hbm>> -> memref<1x256x32xf32, #tpu.memory_space<hbm>>
        %dma_wait3A_1250 = tpu.memref_squeeze %dma_wait3A_1249 : memref<1x256x32xf32, #tpu.memory_space<hbm>> -> memref<256x32xf32, #tpu.memory_space<hbm>>
        %dma_wait3A_1251 = arith.constant 0 : i32
        %dma_wait3A_1252 = tpu.memref_slice %arg4[%select_n3A_1228, %add3A_1247, %dma_wait3A_1251] : memref<50x16384x32xf32, #tpu.memory_space<hbm>> -> memref<1x256x32xf32, #tpu.memory_space<hbm>>
        %dma_wait3A_1253 = tpu.memref_squeeze %dma_wait3A_1252 : memref<1x256x32xf32, #tpu.memory_space<hbm>> -> memref<256x32xf32, #tpu.memory_space<hbm>>
        tpu.wait_dma2 semaphore(%arg27 : memref<!tpu.dma_semaphore, #tpu.memory_space<semaphore_mem>>) src(%arg7 : memref<256x32xf32, #tpu.memory_space<vmem>>) dst(%dma_wait3A_1253 : memref<256x32xf32, #tpu.memory_space<hbm>>)
        %add3A_1254 = arith.constant 10 : i32
        %add3A_1255 = arith.addi %add3A_263, %add3A_1254 : i32
        %jit3A_1256 = arith.constant 2 : i32
        %div3A_1257 = arith.divsi %add3A_1255, %jit3A_1256 : i32
        %sign3A_1258 = arith.constant 0 : i32
        %sign3A_1259 = arith.cmpi sgt, %add3A_1255, %sign3A_1258 : i32
        %sign3A_1260 = arith.extui %sign3A_1259 : i1 to i32
        %sign3A_1261 = arith.constant 0 : i32
        %sign3A_1262 = arith.cmpi slt, %add3A_1255, %sign3A_1261 : i32
        %sign3A_1263 = arith.extui %sign3A_1262 : i1 to i32
        %sign3A_1264 = arith.subi %sign3A_1260, %sign3A_1263 : i32
        %sign3A_1265 = arith.constant 0 : i32
        %sign3A_1266 = arith.cmpi sgt, %jit3A_1256, %sign3A_1265 : i32
        %sign3A_1267 = arith.extui %sign3A_1266 : i1 to i32
        %sign3A_1268 = arith.constant 0 : i32
        %sign3A_1269 = arith.cmpi slt, %jit3A_1256, %sign3A_1268 : i32
        %sign3A_1270 = arith.extui %sign3A_1269 : i1 to i32
        %sign3A_1271 = arith.subi %sign3A_1267, %sign3A_1270 : i32
        %ne3A_1272 = arith.cmpi ne, %sign3A_1264, %sign3A_1271 : i32
        %rem3A_1273 = arith.remsi %add3A_1255, %jit3A_1256 : i32
        %ne3A_1274 = arith.constant 0 : i32
        %ne3A_1275 = arith.cmpi ne, %rem3A_1273, %ne3A_1274 : i32
        %and3A_1276 = arith.andi %ne3A_1272, %ne3A_1275 : i1
        %sub3A_1277 = arith.constant 1 : i32
        %sub3A_1278 = arith.subi %div3A_1257, %sub3A_1277 : i32
        %select_n3A_1279 = arith.select %and3A_1276, %sub3A_1278, %div3A_1257 : i32
        %jit3A_1280 = arith.constant 2 : i32
        %eq3A_1281 = arith.constant 0 : i32
        %eq3A_1282 = arith.cmpi eq, %jit3A_1280, %eq3A_1281 : i32
        %jit3A_1283 = arith.constant 1 : i32
        %select_n3A_1284 = arith.select %eq3A_1282, %jit3A_1283, %jit3A_1280 : i32
        %rem3A_1285 = arith.remsi %add3A_1255, %select_n3A_1284 : i32
        %ne3A_1286 = arith.constant 0 : i32
        %ne3A_1287 = arith.cmpi ne, %rem3A_1285, %ne3A_1286 : i32
        %lt3A_1288 = arith.constant 0 : i32
        %lt3A_1289 = arith.cmpi slt, %rem3A_1285, %lt3A_1288 : i32
        %lt3A_1290 = arith.constant 0 : i32
        %lt3A_1291 = arith.cmpi slt, %select_n3A_1284, %lt3A_1290 : i32
        %ne3A_1292 = arith.xori %lt3A_1289, %lt3A_1291 : i1
        %and3A_1293 = arith.andi %ne3A_1292, %ne3A_1287 : i1
        %add3A_1294 = arith.addi %rem3A_1285, %select_n3A_1284 : i32
        %select_n3A_1295 = arith.select %and3A_1293, %add3A_1294, %rem3A_1285 : i32
        %mul3A_1296 = arith.constant 256 : i32
        %mul3A_1297 = arith.muli %select_n3A_1295, %mul3A_1296 : i32
        %dma_start3A_1298 = tpu.memref_slice %arg5[%select_n3A_1279, %mul3A_1297] : memref<50x512xi32, #tpu.memory_space<vmem>> -> memref<1x256xi32, #tpu.memory_space<vmem>>
        %dma_start3A_1299 = tpu.memref_squeeze %dma_start3A_1298 : memref<1x256xi32, #tpu.memory_space<vmem>> -> memref<256xi32, #tpu.memory_space<vmem>>
        %dma_start3A_1300 = arith.constant 0 : i32
        %dma_start3A_1301 = arith.constant 0 : i32
        %dma_start3A_1302 = tpu.memref_slice %arg2[%dma_start3A_1300, %dma_start3A_1301] : memref<1000000x32xf32, #tpu.memory_space<hbm>> -> memref<1000000x32xf32, #tpu.memory_space<hbm>>
        tpu.enqueue_indirect_dma source(%dma_start3A_1302 : memref<1000000x32xf32, #tpu.memory_space<hbm>>) target(%arg7 : memref<256x32xf32, #tpu.memory_space<vmem>>) offsets(%dma_start3A_1299 : memref<256xi32, #tpu.memory_space<vmem>>) semaphore(%arg17 : memref<!tpu.dma_semaphore, #tpu.memory_space<semaphore_mem>>)
      } else {
      }
      %mul3A_365 = arith.constant 10 : i32
      %mul3A_366 = arith.muli %scan3A_166, %mul3A_365 : i32
      %add3A_367 = arith.constant 2 : i32
      %add3A_368 = arith.addi %mul3A_366, %add3A_367 : i32
      %jit3A_369 = arith.constant 2 : i32
      %div3A_370 = arith.divsi %add3A_368, %jit3A_369 : i32
      %sign3A_371 = arith.constant 0 : i32
      %sign3A_372 = arith.cmpi sgt, %add3A_368, %sign3A_371 : i32
      %sign3A_373 = arith.extui %sign3A_372 : i1 to i32
      %sign3A_374 = arith.constant 0 : i32
      %sign3A_375 = arith.cmpi slt, %add3A_368, %sign3A_374 : i32
      %sign3A_376 = arith.extui %sign3A_375 : i1 to i32
      %sign3A_377 = arith.subi %sign3A_373, %sign3A_376 : i32
      %sign3A_378 = arith.constant 0 : i32
      %sign3A_379 = arith.cmpi sgt, %jit3A_369, %sign3A_378 : i32
      %sign3A_380 = arith.extui %sign3A_379 : i1 to i32
      %sign3A_381 = arith.constant 0 : i32
      %sign3A_382 = arith.cmpi slt, %jit3A_369, %sign3A_381 : i32
      %sign3A_383 = arith.extui %sign3A_382 : i1 to i32
      %sign3A_384 = arith.subi %sign3A_380, %sign3A_383 : i32
      %ne3A_385 = arith.cmpi ne, %sign3A_377, %sign3A_384 : i32
      %rem3A_386 = arith.remsi %add3A_368, %jit3A_369 : i32
      %ne3A_387 = arith.constant 0 : i32
      %ne3A_388 = arith.cmpi ne, %rem3A_386, %ne3A_387 : i32
      %and3A_389 = arith.andi %ne3A_385, %ne3A_388 : i1
      %sub3A_390 = arith.constant 1 : i32
      %sub3A_391 = arith.subi %div3A_370, %sub3A_390 : i32
      %select_n3A_392 = arith.select %and3A_389, %sub3A_391, %div3A_370 : i32
      %jit3A_393 = arith.constant 2 : i32
      %eq3A_394 = arith.constant 0 : i32
      %eq3A_395 = arith.cmpi eq, %jit3A_393, %eq3A_394 : i32
      %jit3A_396 = arith.constant 1 : i32
      %select_n3A_397 = arith.select %eq3A_395, %jit3A_396, %jit3A_393 : i32
      %rem3A_398 = arith.remsi %add3A_368, %select_n3A_397 : i32
      %ne3A_399 = arith.constant 0 : i32
      %ne3A_400 = arith.cmpi ne, %rem3A_398, %ne3A_399 : i32
      %lt3A_401 = arith.constant 0 : i32
      %lt3A_402 = arith.cmpi slt, %rem3A_398, %lt3A_401 : i32
      %lt3A_403 = arith.constant 0 : i32
      %lt3A_404 = arith.cmpi slt, %select_n3A_397, %lt3A_403 : i32
      %ne3A_405 = arith.xori %lt3A_402, %lt3A_404 : i1
      %and3A_406 = arith.andi %ne3A_405, %ne3A_400 : i1
      %add3A_407 = arith.addi %rem3A_398, %select_n3A_397 : i32
      %select_n3A_408 = arith.select %and3A_406, %add3A_407, %rem3A_398 : i32
      %mul3A_409 = arith.constant 256 : i32
      %mul3A_410 = arith.muli %select_n3A_408, %mul3A_409 : i32
      %dma_wait3A_411 = tpu.memref_slice %arg5[%select_n3A_392, %mul3A_410] : memref<50x512xi32, #tpu.memory_space<vmem>> -> memref<1x256xi32, #tpu.memory_space<vmem>>
      %dma_wait3A_412 = tpu.memref_squeeze %dma_wait3A_411 : memref<1x256xi32, #tpu.memory_space<vmem>> -> memref<256xi32, #tpu.memory_space<vmem>>
      %dma_wait3A_413 = arith.constant 0 : i32
      %dma_wait3A_414 = arith.constant 0 : i32
      %dma_wait3A_415 = tpu.memref_slice %arg2[%dma_wait3A_413, %dma_wait3A_414] : memref<1000000x32xf32, #tpu.memory_space<hbm>> -> memref<1000000x32xf32, #tpu.memory_space<hbm>>
      tpu.wait_indirect_dma semaphore(%arg18 : memref<!tpu.dma_semaphore, #tpu.memory_space<semaphore_mem>>) src(%dma_wait3A_415 : memref<1000000x32xf32, #tpu.memory_space<hbm>>) dst(%arg8 : memref<256x32xf32, #tpu.memory_space<vmem>>)
      %jit3A_416 = arith.constant 2 : i32
      %div3A_417 = arith.divsi %add3A_368, %jit3A_416 : i32
      %sign3A_418 = arith.constant 0 : i32
      %sign3A_419 = arith.cmpi sgt, %add3A_368, %sign3A_418 : i32
      %sign3A_420 = arith.extui %sign3A_419 : i1 to i32
      %sign3A_421 = arith.constant 0 : i32
      %sign3A_422 = arith.cmpi slt, %add3A_368, %sign3A_421 : i32
      %sign3A_423 = arith.extui %sign3A_422 : i1 to i32
      %sign3A_424 = arith.subi %sign3A_420, %sign3A_423 : i32
      %sign3A_425 = arith.constant 0 : i32
      %sign3A_426 = arith.cmpi sgt, %jit3A_416, %sign3A_425 : i32
      %sign3A_427 = arith.extui %sign3A_426 : i1 to i32
      %sign3A_428 = arith.constant 0 : i32
      %sign3A_429 = arith.cmpi slt, %jit3A_416, %sign3A_428 : i32
      %sign3A_430 = arith.extui %sign3A_429 : i1 to i32
      %sign3A_431 = arith.subi %sign3A_427, %sign3A_430 : i32
      %ne3A_432 = arith.cmpi ne, %sign3A_424, %sign3A_431 : i32
      %rem3A_433 = arith.remsi %add3A_368, %jit3A_416 : i32
      %ne3A_434 = arith.constant 0 : i32
      %ne3A_435 = arith.cmpi ne, %rem3A_433, %ne3A_434 : i32
      %and3A_436 = arith.andi %ne3A_432, %ne3A_435 : i1
      %sub3A_437 = arith.constant 1 : i32
      %sub3A_438 = arith.subi %div3A_417, %sub3A_437 : i32
      %select_n3A_439 = arith.select %and3A_436, %sub3A_438, %div3A_417 : i32
      %jit3A_440 = arith.constant 2 : i32
      %eq3A_441 = arith.constant 0 : i32
      %eq3A_442 = arith.cmpi eq, %jit3A_440, %eq3A_441 : i32
      %jit3A_443 = arith.constant 1 : i32
      %select_n3A_444 = arith.select %eq3A_442, %jit3A_443, %jit3A_440 : i32
      %rem3A_445 = arith.remsi %add3A_368, %select_n3A_444 : i32
      %ne3A_446 = arith.constant 0 : i32
      %ne3A_447 = arith.cmpi ne, %rem3A_445, %ne3A_446 : i32
      %lt3A_448 = arith.constant 0 : i32
      %lt3A_449 = arith.cmpi slt, %rem3A_445, %lt3A_448 : i32
      %lt3A_450 = arith.constant 0 : i32
      %lt3A_451 = arith.cmpi slt, %select_n3A_444, %lt3A_450 : i32
      %ne3A_452 = arith.xori %lt3A_449, %lt3A_451 : i1
      %and3A_453 = arith.andi %ne3A_452, %ne3A_447 : i1
      %add3A_454 = arith.addi %rem3A_445, %select_n3A_444 : i32
      %select_n3A_455 = arith.select %and3A_453, %add3A_454, %rem3A_445 : i32
      %mul3A_456 = arith.constant 256 : i32
      %mul3A_457 = arith.muli %select_n3A_455, %mul3A_456 : i32
      %add3A_458 = arith.addi %mul3A_2, %mul3A_457 : i32
      %dma_start3A_459 = arith.constant 0 : i32
      %dma_start3A_460 = tpu.memref_slice %arg4[%select_n3A_439, %add3A_458, %dma_start3A_459] : memref<50x16384x32xf32, #tpu.memory_space<hbm>> -> memref<1x256x32xf32, #tpu.memory_space<hbm>>
      %dma_start3A_461 = tpu.memref_squeeze %dma_start3A_460 : memref<1x256x32xf32, #tpu.memory_space<hbm>> -> memref<256x32xf32, #tpu.memory_space<hbm>>
      %dma_start3A_462 = arith.constant 0 : i32
      %dma_start3A_463 = tpu.memref_slice %arg4[%select_n3A_439, %add3A_458, %dma_start3A_462] : memref<50x16384x32xf32, #tpu.memory_space<hbm>> -> memref<1x256x32xf32, #tpu.memory_space<hbm>>
      %dma_start3A_464 = tpu.memref_squeeze %dma_start3A_463 : memref<1x256x32xf32, #tpu.memory_space<hbm>> -> memref<256x32xf32, #tpu.memory_space<hbm>>
      tpu.enqueue_dma source(%arg8 : memref<256x32xf32, #tpu.memory_space<vmem>>) target(%dma_start3A_464 : memref<256x32xf32, #tpu.memory_space<hbm>>) target_semaphore(%arg28 : memref<!tpu.dma_semaphore, #tpu.memory_space<semaphore_mem>>)
      %lt3A_465 = arith.constant 9 : i32
      %lt3A_466 = arith.cmpi slt, %scan3A_166, %lt3A_465 : i32
      %convert_element_type3A_467 = arith.extui %lt3A_466 : i1 to i32
      %cond3A_468 = arith.constant 0 : i32
      %cond3A_469 = arith.cmpi ne, %convert_element_type3A_467, %cond3A_468 : i32
      scf.if %cond3A_469 {
        %jit3A_1205 = arith.constant 2 : i32
        %div3A_1206 = arith.divsi %add3A_368, %jit3A_1205 : i32
        %sign3A_1207 = arith.constant 0 : i32
        %sign3A_1208 = arith.cmpi sgt, %add3A_368, %sign3A_1207 : i32
        %sign3A_1209 = arith.extui %sign3A_1208 : i1 to i32
        %sign3A_1210 = arith.constant 0 : i32
        %sign3A_1211 = arith.cmpi slt, %add3A_368, %sign3A_1210 : i32
        %sign3A_1212 = arith.extui %sign3A_1211 : i1 to i32
        %sign3A_1213 = arith.subi %sign3A_1209, %sign3A_1212 : i32
        %sign3A_1214 = arith.constant 0 : i32
        %sign3A_1215 = arith.cmpi sgt, %jit3A_1205, %sign3A_1214 : i32
        %sign3A_1216 = arith.extui %sign3A_1215 : i1 to i32
        %sign3A_1217 = arith.constant 0 : i32
        %sign3A_1218 = arith.cmpi slt, %jit3A_1205, %sign3A_1217 : i32
        %sign3A_1219 = arith.extui %sign3A_1218 : i1 to i32
        %sign3A_1220 = arith.subi %sign3A_1216, %sign3A_1219 : i32
        %ne3A_1221 = arith.cmpi ne, %sign3A_1213, %sign3A_1220 : i32
        %rem3A_1222 = arith.remsi %add3A_368, %jit3A_1205 : i32
        %ne3A_1223 = arith.constant 0 : i32
        %ne3A_1224 = arith.cmpi ne, %rem3A_1222, %ne3A_1223 : i32
        %and3A_1225 = arith.andi %ne3A_1221, %ne3A_1224 : i1
        %sub3A_1226 = arith.constant 1 : i32
        %sub3A_1227 = arith.subi %div3A_1206, %sub3A_1226 : i32
        %select_n3A_1228 = arith.select %and3A_1225, %sub3A_1227, %div3A_1206 : i32
        %jit3A_1229 = arith.constant 2 : i32
        %eq3A_1230 = arith.constant 0 : i32
        %eq3A_1231 = arith.cmpi eq, %jit3A_1229, %eq3A_1230 : i32
        %jit3A_1232 = arith.constant 1 : i32
        %select_n3A_1233 = arith.select %eq3A_1231, %jit3A_1232, %jit3A_1229 : i32
        %rem3A_1234 = arith.remsi %add3A_368, %select_n3A_1233 : i32
        %ne3A_1235 = arith.constant 0 : i32
        %ne3A_1236 = arith.cmpi ne, %rem3A_1234, %ne3A_1235 : i32
        %lt3A_1237 = arith.constant 0 : i32
        %lt3A_1238 = arith.cmpi slt, %rem3A_1234, %lt3A_1237 : i32
        %lt3A_1239 = arith.constant 0 : i32
        %lt3A_1240 = arith.cmpi slt, %select_n3A_1233, %lt3A_1239 : i32
        %ne3A_1241 = arith.xori %lt3A_1238, %lt3A_1240 : i1
        %and3A_1242 = arith.andi %ne3A_1241, %ne3A_1236 : i1
        %add3A_1243 = arith.addi %rem3A_1234, %select_n3A_1233 : i32
        %select_n3A_1244 = arith.select %and3A_1242, %add3A_1243, %rem3A_1234 : i32
        %mul3A_1245 = arith.constant 256 : i32
        %mul3A_1246 = arith.muli %select_n3A_1244, %mul3A_1245 : i32
        %add3A_1247 = arith.addi %mul3A_2, %mul3A_1246 : i32
        %dma_wait3A_1248 = arith.constant 0 : i32
        %dma_wait3A_1249 = tpu.memref_slice %arg4[%select_n3A_1228, %add3A_1247, %dma_wait3A_1248] : memref<50x16384x32xf32, #tpu.memory_space<hbm>> -> memref<1x256x32xf32, #tpu.memory_space<hbm>>
        %dma_wait3A_1250 = tpu.memref_squeeze %dma_wait3A_1249 : memref<1x256x32xf32, #tpu.memory_space<hbm>> -> memref<256x32xf32, #tpu.memory_space<hbm>>
        %dma_wait3A_1251 = arith.constant 0 : i32
        %dma_wait3A_1252 = tpu.memref_slice %arg4[%select_n3A_1228, %add3A_1247, %dma_wait3A_1251] : memref<50x16384x32xf32, #tpu.memory_space<hbm>> -> memref<1x256x32xf32, #tpu.memory_space<hbm>>
        %dma_wait3A_1253 = tpu.memref_squeeze %dma_wait3A_1252 : memref<1x256x32xf32, #tpu.memory_space<hbm>> -> memref<256x32xf32, #tpu.memory_space<hbm>>
        tpu.wait_dma2 semaphore(%arg28 : memref<!tpu.dma_semaphore, #tpu.memory_space<semaphore_mem>>) src(%arg8 : memref<256x32xf32, #tpu.memory_space<vmem>>) dst(%dma_wait3A_1253 : memref<256x32xf32, #tpu.memory_space<hbm>>)
        %add3A_1254 = arith.constant 10 : i32
        %add3A_1255 = arith.addi %add3A_368, %add3A_1254 : i32
        %jit3A_1256 = arith.constant 2 : i32
        %div3A_1257 = arith.divsi %add3A_1255, %jit3A_1256 : i32
        %sign3A_1258 = arith.constant 0 : i32
        %sign3A_1259 = arith.cmpi sgt, %add3A_1255, %sign3A_1258 : i32
        %sign3A_1260 = arith.extui %sign3A_1259 : i1 to i32
        %sign3A_1261 = arith.constant 0 : i32
        %sign3A_1262 = arith.cmpi slt, %add3A_1255, %sign3A_1261 : i32
        %sign3A_1263 = arith.extui %sign3A_1262 : i1 to i32
        %sign3A_1264 = arith.subi %sign3A_1260, %sign3A_1263 : i32
        %sign3A_1265 = arith.constant 0 : i32
        %sign3A_1266 = arith.cmpi sgt, %jit3A_1256, %sign3A_1265 : i32
        %sign3A_1267 = arith.extui %sign3A_1266 : i1 to i32
        %sign3A_1268 = arith.constant 0 : i32
        %sign3A_1269 = arith.cmpi slt, %jit3A_1256, %sign3A_1268 : i32
        %sign3A_1270 = arith.extui %sign3A_1269 : i1 to i32
        %sign3A_1271 = arith.subi %sign3A_1267, %sign3A_1270 : i32
        %ne3A_1272 = arith.cmpi ne, %sign3A_1264, %sign3A_1271 : i32
        %rem3A_1273 = arith.remsi %add3A_1255, %jit3A_1256 : i32
        %ne3A_1274 = arith.constant 0 : i32
        %ne3A_1275 = arith.cmpi ne, %rem3A_1273, %ne3A_1274 : i32
        %and3A_1276 = arith.andi %ne3A_1272, %ne3A_1275 : i1
        %sub3A_1277 = arith.constant 1 : i32
        %sub3A_1278 = arith.subi %div3A_1257, %sub3A_1277 : i32
        %select_n3A_1279 = arith.select %and3A_1276, %sub3A_1278, %div3A_1257 : i32
        %jit3A_1280 = arith.constant 2 : i32
        %eq3A_1281 = arith.constant 0 : i32
        %eq3A_1282 = arith.cmpi eq, %jit3A_1280, %eq3A_1281 : i32
        %jit3A_1283 = arith.constant 1 : i32
        %select_n3A_1284 = arith.select %eq3A_1282, %jit3A_1283, %jit3A_1280 : i32
        %rem3A_1285 = arith.remsi %add3A_1255, %select_n3A_1284 : i32
        %ne3A_1286 = arith.constant 0 : i32
        %ne3A_1287 = arith.cmpi ne, %rem3A_1285, %ne3A_1286 : i32
        %lt3A_1288 = arith.constant 0 : i32
        %lt3A_1289 = arith.cmpi slt, %rem3A_1285, %lt3A_1288 : i32
        %lt3A_1290 = arith.constant 0 : i32
        %lt3A_1291 = arith.cmpi slt, %select_n3A_1284, %lt3A_1290 : i32
        %ne3A_1292 = arith.xori %lt3A_1289, %lt3A_1291 : i1
        %and3A_1293 = arith.andi %ne3A_1292, %ne3A_1287 : i1
        %add3A_1294 = arith.addi %rem3A_1285, %select_n3A_1284 : i32
        %select_n3A_1295 = arith.select %and3A_1293, %add3A_1294, %rem3A_1285 : i32
        %mul3A_1296 = arith.constant 256 : i32
        %mul3A_1297 = arith.muli %select_n3A_1295, %mul3A_1296 : i32
        %dma_start3A_1298 = tpu.memref_slice %arg5[%select_n3A_1279, %mul3A_1297] : memref<50x512xi32, #tpu.memory_space<vmem>> -> memref<1x256xi32, #tpu.memory_space<vmem>>
        %dma_start3A_1299 = tpu.memref_squeeze %dma_start3A_1298 : memref<1x256xi32, #tpu.memory_space<vmem>> -> memref<256xi32, #tpu.memory_space<vmem>>
        %dma_start3A_1300 = arith.constant 0 : i32
        %dma_start3A_1301 = arith.constant 0 : i32
        %dma_start3A_1302 = tpu.memref_slice %arg2[%dma_start3A_1300, %dma_start3A_1301] : memref<1000000x32xf32, #tpu.memory_space<hbm>> -> memref<1000000x32xf32, #tpu.memory_space<hbm>>
        tpu.enqueue_indirect_dma source(%dma_start3A_1302 : memref<1000000x32xf32, #tpu.memory_space<hbm>>) target(%arg8 : memref<256x32xf32, #tpu.memory_space<vmem>>) offsets(%dma_start3A_1299 : memref<256xi32, #tpu.memory_space<vmem>>) semaphore(%arg18 : memref<!tpu.dma_semaphore, #tpu.memory_space<semaphore_mem>>)
      } else {
      }
      %mul3A_470 = arith.constant 10 : i32
      %mul3A_471 = arith.muli %scan3A_166, %mul3A_470 : i32
      %add3A_472 = arith.constant 3 : i32
      %add3A_473 = arith.addi %mul3A_471, %add3A_472 : i32
      %jit3A_474 = arith.constant 2 : i32
      %div3A_475 = arith.divsi %add3A_473, %jit3A_474 : i32
      %sign3A_476 = arith.constant 0 : i32
      %sign3A_477 = arith.cmpi sgt, %add3A_473, %sign3A_476 : i32
      %sign3A_478 = arith.extui %sign3A_477 : i1 to i32
      %sign3A_479 = arith.constant 0 : i32
      %sign3A_480 = arith.cmpi slt, %add3A_473, %sign3A_479 : i32
      %sign3A_481 = arith.extui %sign3A_480 : i1 to i32
      %sign3A_482 = arith.subi %sign3A_478, %sign3A_481 : i32
      %sign3A_483 = arith.constant 0 : i32
      %sign3A_484 = arith.cmpi sgt, %jit3A_474, %sign3A_483 : i32
      %sign3A_485 = arith.extui %sign3A_484 : i1 to i32
      %sign3A_486 = arith.constant 0 : i32
      %sign3A_487 = arith.cmpi slt, %jit3A_474, %sign3A_486 : i32
      %sign3A_488 = arith.extui %sign3A_487 : i1 to i32
      %sign3A_489 = arith.subi %sign3A_485, %sign3A_488 : i32
      %ne3A_490 = arith.cmpi ne, %sign3A_482, %sign3A_489 : i32
      %rem3A_491 = arith.remsi %add3A_473, %jit3A_474 : i32
      %ne3A_492 = arith.constant 0 : i32
      %ne3A_493 = arith.cmpi ne, %rem3A_491, %ne3A_492 : i32
      %and3A_494 = arith.andi %ne3A_490, %ne3A_493 : i1
      %sub3A_495 = arith.constant 1 : i32
      %sub3A_496 = arith.subi %div3A_475, %sub3A_495 : i32
      %select_n3A_497 = arith.select %and3A_494, %sub3A_496, %div3A_475 : i32
      %jit3A_498 = arith.constant 2 : i32
      %eq3A_499 = arith.constant 0 : i32
      %eq3A_500 = arith.cmpi eq, %jit3A_498, %eq3A_499 : i32
      %jit3A_501 = arith.constant 1 : i32
      %select_n3A_502 = arith.select %eq3A_500, %jit3A_501, %jit3A_498 : i32
      %rem3A_503 = arith.remsi %add3A_473, %select_n3A_502 : i32
      %ne3A_504 = arith.constant 0 : i32
      %ne3A_505 = arith.cmpi ne, %rem3A_503, %ne3A_504 : i32
      %lt3A_506 = arith.constant 0 : i32
      %lt3A_507 = arith.cmpi slt, %rem3A_503, %lt3A_506 : i32
      %lt3A_508 = arith.constant 0 : i32
      %lt3A_509 = arith.cmpi slt, %select_n3A_502, %lt3A_508 : i32
      %ne3A_510 = arith.xori %lt3A_507, %lt3A_509 : i1
      %and3A_511 = arith.andi %ne3A_510, %ne3A_505 : i1
      %add3A_512 = arith.addi %rem3A_503, %select_n3A_502 : i32
      %select_n3A_513 = arith.select %and3A_511, %add3A_512, %rem3A_503 : i32
      %mul3A_514 = arith.constant 256 : i32
      %mul3A_515 = arith.muli %select_n3A_513, %mul3A_514 : i32
      %dma_wait3A_516 = tpu.memref_slice %arg5[%select_n3A_497, %mul3A_515] : memref<50x512xi32, #tpu.memory_space<vmem>> -> memref<1x256xi32, #tpu.memory_space<vmem>>
      %dma_wait3A_517 = tpu.memref_squeeze %dma_wait3A_516 : memref<1x256xi32, #tpu.memory_space<vmem>> -> memref<256xi32, #tpu.memory_space<vmem>>
      %dma_wait3A_518 = arith.constant 0 : i32
      %dma_wait3A_519 = arith.constant 0 : i32
      %dma_wait3A_520 = tpu.memref_slice %arg2[%dma_wait3A_518, %dma_wait3A_519] : memref<1000000x32xf32, #tpu.memory_space<hbm>> -> memref<1000000x32xf32, #tpu.memory_space<hbm>>
      tpu.wait_indirect_dma semaphore(%arg19 : memref<!tpu.dma_semaphore, #tpu.memory_space<semaphore_mem>>) src(%dma_wait3A_520 : memref<1000000x32xf32, #tpu.memory_space<hbm>>) dst(%arg9 : memref<256x32xf32, #tpu.memory_space<vmem>>)
      %jit3A_521 = arith.constant 2 : i32
      %div3A_522 = arith.divsi %add3A_473, %jit3A_521 : i32
      %sign3A_523 = arith.constant 0 : i32
      %sign3A_524 = arith.cmpi sgt, %add3A_473, %sign3A_523 : i32
      %sign3A_525 = arith.extui %sign3A_524 : i1 to i32
      %sign3A_526 = arith.constant 0 : i32
      %sign3A_527 = arith.cmpi slt, %add3A_473, %sign3A_526 : i32
      %sign3A_528 = arith.extui %sign3A_527 : i1 to i32
      %sign3A_529 = arith.subi %sign3A_525, %sign3A_528 : i32
      %sign3A_530 = arith.constant 0 : i32
      %sign3A_531 = arith.cmpi sgt, %jit3A_521, %sign3A_530 : i32
      %sign3A_532 = arith.extui %sign3A_531 : i1 to i32
      %sign3A_533 = arith.constant 0 : i32
      %sign3A_534 = arith.cmpi slt, %jit3A_521, %sign3A_533 : i32
      %sign3A_535 = arith.extui %sign3A_534 : i1 to i32
      %sign3A_536 = arith.subi %sign3A_532, %sign3A_535 : i32
      %ne3A_537 = arith.cmpi ne, %sign3A_529, %sign3A_536 : i32
      %rem3A_538 = arith.remsi %add3A_473, %jit3A_521 : i32
      %ne3A_539 = arith.constant 0 : i32
      %ne3A_540 = arith.cmpi ne, %rem3A_538, %ne3A_539 : i32
      %and3A_541 = arith.andi %ne3A_537, %ne3A_540 : i1
      %sub3A_542 = arith.constant 1 : i32
      %sub3A_543 = arith.subi %div3A_522, %sub3A_542 : i32
      %select_n3A_544 = arith.select %and3A_541, %sub3A_543, %div3A_522 : i32
      %jit3A_545 = arith.constant 2 : i32
      %eq3A_546 = arith.constant 0 : i32
      %eq3A_547 = arith.cmpi eq, %jit3A_545, %eq3A_546 : i32
      %jit3A_548 = arith.constant 1 : i32
      %select_n3A_549 = arith.select %eq3A_547, %jit3A_548, %jit3A_545 : i32
      %rem3A_550 = arith.remsi %add3A_473, %select_n3A_549 : i32
      %ne3A_551 = arith.constant 0 : i32
      %ne3A_552 = arith.cmpi ne, %rem3A_550, %ne3A_551 : i32
      %lt3A_553 = arith.constant 0 : i32
      %lt3A_554 = arith.cmpi slt, %rem3A_550, %lt3A_553 : i32
      %lt3A_555 = arith.constant 0 : i32
      %lt3A_556 = arith.cmpi slt, %select_n3A_549, %lt3A_555 : i32
      %ne3A_557 = arith.xori %lt3A_554, %lt3A_556 : i1
      %and3A_558 = arith.andi %ne3A_557, %ne3A_552 : i1
      %add3A_559 = arith.addi %rem3A_550, %select_n3A_549 : i32
      %select_n3A_560 = arith.select %and3A_558, %add3A_559, %rem3A_550 : i32
      %mul3A_561 = arith.constant 256 : i32
      %mul3A_562 = arith.muli %select_n3A_560, %mul3A_561 : i32
      %add3A_563 = arith.addi %mul3A_2, %mul3A_562 : i32
      %dma_start3A_564 = arith.constant 0 : i32
      %dma_start3A_565 = tpu.memref_slice %arg4[%select_n3A_544, %add3A_563, %dma_start3A_564] : memref<50x16384x32xf32, #tpu.memory_space<hbm>> -> memref<1x256x32xf32, #tpu.memory_space<hbm>>
      %dma_start3A_566 = tpu.memref_squeeze %dma_start3A_565 : memref<1x256x32xf32, #tpu.memory_space<hbm>> -> memref<256x32xf32, #tpu.memory_space<hbm>>
      %dma_start3A_567 = arith.constant 0 : i32
      %dma_start3A_568 = tpu.memref_slice %arg4[%select_n3A_544, %add3A_563, %dma_start3A_567] : memref<50x16384x32xf32, #tpu.memory_space<hbm>> -> memref<1x256x32xf32, #tpu.memory_space<hbm>>
      %dma_start3A_569 = tpu.memref_squeeze %dma_start3A_568 : memref<1x256x32xf32, #tpu.memory_space<hbm>> -> memref<256x32xf32, #tpu.memory_space<hbm>>
      tpu.enqueue_dma source(%arg9 : memref<256x32xf32, #tpu.memory_space<vmem>>) target(%dma_start3A_569 : memref<256x32xf32, #tpu.memory_space<hbm>>) target_semaphore(%arg29 : memref<!tpu.dma_semaphore, #tpu.memory_space<semaphore_mem>>)
      %lt3A_570 = arith.constant 9 : i32
      %lt3A_571 = arith.cmpi slt, %scan3A_166, %lt3A_570 : i32
      %convert_element_type3A_572 = arith.extui %lt3A_571 : i1 to i32
      %cond3A_573 = arith.constant 0 : i32
      %cond3A_574 = arith.cmpi ne, %convert_element_type3A_572, %cond3A_573 : i32
      scf.if %cond3A_574 {
        %jit3A_1205 = arith.constant 2 : i32
        %div3A_1206 = arith.divsi %add3A_473, %jit3A_1205 : i32
        %sign3A_1207 = arith.constant 0 : i32
        %sign3A_1208 = arith.cmpi sgt, %add3A_473, %sign3A_1207 : i32
        %sign3A_1209 = arith.extui %sign3A_1208 : i1 to i32
        %sign3A_1210 = arith.constant 0 : i32
        %sign3A_1211 = arith.cmpi slt, %add3A_473, %sign3A_1210 : i32
        %sign3A_1212 = arith.extui %sign3A_1211 : i1 to i32
        %sign3A_1213 = arith.subi %sign3A_1209, %sign3A_1212 : i32
        %sign3A_1214 = arith.constant 0 : i32
        %sign3A_1215 = arith.cmpi sgt, %jit3A_1205, %sign3A_1214 : i32
        %sign3A_1216 = arith.extui %sign3A_1215 : i1 to i32
        %sign3A_1217 = arith.constant 0 : i32
        %sign3A_1218 = arith.cmpi slt, %jit3A_1205, %sign3A_1217 : i32
        %sign3A_1219 = arith.extui %sign3A_1218 : i1 to i32
        %sign3A_1220 = arith.subi %sign3A_1216, %sign3A_1219 : i32
        %ne3A_1221 = arith.cmpi ne, %sign3A_1213, %sign3A_1220 : i32
        %rem3A_1222 = arith.remsi %add3A_473, %jit3A_1205 : i32
        %ne3A_1223 = arith.constant 0 : i32
        %ne3A_1224 = arith.cmpi ne, %rem3A_1222, %ne3A_1223 : i32
        %and3A_1225 = arith.andi %ne3A_1221, %ne3A_1224 : i1
        %sub3A_1226 = arith.constant 1 : i32
        %sub3A_1227 = arith.subi %div3A_1206, %sub3A_1226 : i32
        %select_n3A_1228 = arith.select %and3A_1225, %sub3A_1227, %div3A_1206 : i32
        %jit3A_1229 = arith.constant 2 : i32
        %eq3A_1230 = arith.constant 0 : i32
        %eq3A_1231 = arith.cmpi eq, %jit3A_1229, %eq3A_1230 : i32
        %jit3A_1232 = arith.constant 1 : i32
        %select_n3A_1233 = arith.select %eq3A_1231, %jit3A_1232, %jit3A_1229 : i32
        %rem3A_1234 = arith.remsi %add3A_473, %select_n3A_1233 : i32
        %ne3A_1235 = arith.constant 0 : i32
        %ne3A_1236 = arith.cmpi ne, %rem3A_1234, %ne3A_1235 : i32
        %lt3A_1237 = arith.constant 0 : i32
        %lt3A_1238 = arith.cmpi slt, %rem3A_1234, %lt3A_1237 : i32
        %lt3A_1239 = arith.constant 0 : i32
        %lt3A_1240 = arith.cmpi slt, %select_n3A_1233, %lt3A_1239 : i32
        %ne3A_1241 = arith.xori %lt3A_1238, %lt3A_1240 : i1
        %and3A_1242 = arith.andi %ne3A_1241, %ne3A_1236 : i1
        %add3A_1243 = arith.addi %rem3A_1234, %select_n3A_1233 : i32
        %select_n3A_1244 = arith.select %and3A_1242, %add3A_1243, %rem3A_1234 : i32
        %mul3A_1245 = arith.constant 256 : i32
        %mul3A_1246 = arith.muli %select_n3A_1244, %mul3A_1245 : i32
        %add3A_1247 = arith.addi %mul3A_2, %mul3A_1246 : i32
        %dma_wait3A_1248 = arith.constant 0 : i32
        %dma_wait3A_1249 = tpu.memref_slice %arg4[%select_n3A_1228, %add3A_1247, %dma_wait3A_1248] : memref<50x16384x32xf32, #tpu.memory_space<hbm>> -> memref<1x256x32xf32, #tpu.memory_space<hbm>>
        %dma_wait3A_1250 = tpu.memref_squeeze %dma_wait3A_1249 : memref<1x256x32xf32, #tpu.memory_space<hbm>> -> memref<256x32xf32, #tpu.memory_space<hbm>>
        %dma_wait3A_1251 = arith.constant 0 : i32
        %dma_wait3A_1252 = tpu.memref_slice %arg4[%select_n3A_1228, %add3A_1247, %dma_wait3A_1251] : memref<50x16384x32xf32, #tpu.memory_space<hbm>> -> memref<1x256x32xf32, #tpu.memory_space<hbm>>
        %dma_wait3A_1253 = tpu.memref_squeeze %dma_wait3A_1252 : memref<1x256x32xf32, #tpu.memory_space<hbm>> -> memref<256x32xf32, #tpu.memory_space<hbm>>
        tpu.wait_dma2 semaphore(%arg29 : memref<!tpu.dma_semaphore, #tpu.memory_space<semaphore_mem>>) src(%arg9 : memref<256x32xf32, #tpu.memory_space<vmem>>) dst(%dma_wait3A_1253 : memref<256x32xf32, #tpu.memory_space<hbm>>)
        %add3A_1254 = arith.constant 10 : i32
        %add3A_1255 = arith.addi %add3A_473, %add3A_1254 : i32
        %jit3A_1256 = arith.constant 2 : i32
        %div3A_1257 = arith.divsi %add3A_1255, %jit3A_1256 : i32
        %sign3A_1258 = arith.constant 0 : i32
        %sign3A_1259 = arith.cmpi sgt, %add3A_1255, %sign3A_1258 : i32
        %sign3A_1260 = arith.extui %sign3A_1259 : i1 to i32
        %sign3A_1261 = arith.constant 0 : i32
        %sign3A_1262 = arith.cmpi slt, %add3A_1255, %sign3A_1261 : i32
        %sign3A_1263 = arith.extui %sign3A_1262 : i1 to i32
        %sign3A_1264 = arith.subi %sign3A_1260, %sign3A_1263 : i32
        %sign3A_1265 = arith.constant 0 : i32
        %sign3A_1266 = arith.cmpi sgt, %jit3A_1256, %sign3A_1265 : i32
        %sign3A_1267 = arith.extui %sign3A_1266 : i1 to i32
        %sign3A_1268 = arith.constant 0 : i32
        %sign3A_1269 = arith.cmpi slt, %jit3A_1256, %sign3A_1268 : i32
        %sign3A_1270 = arith.extui %sign3A_1269 : i1 to i32
        %sign3A_1271 = arith.subi %sign3A_1267, %sign3A_1270 : i32
        %ne3A_1272 = arith.cmpi ne, %sign3A_1264, %sign3A_1271 : i32
        %rem3A_1273 = arith.remsi %add3A_1255, %jit3A_1256 : i32
        %ne3A_1274 = arith.constant 0 : i32
        %ne3A_1275 = arith.cmpi ne, %rem3A_1273, %ne3A_1274 : i32
        %and3A_1276 = arith.andi %ne3A_1272, %ne3A_1275 : i1
        %sub3A_1277 = arith.constant 1 : i32
        %sub3A_1278 = arith.subi %div3A_1257, %sub3A_1277 : i32
        %select_n3A_1279 = arith.select %and3A_1276, %sub3A_1278, %div3A_1257 : i32
        %jit3A_1280 = arith.constant 2 : i32
        %eq3A_1281 = arith.constant 0 : i32
        %eq3A_1282 = arith.cmpi eq, %jit3A_1280, %eq3A_1281 : i32
        %jit3A_1283 = arith.constant 1 : i32
        %select_n3A_1284 = arith.select %eq3A_1282, %jit3A_1283, %jit3A_1280 : i32
        %rem3A_1285 = arith.remsi %add3A_1255, %select_n3A_1284 : i32
        %ne3A_1286 = arith.constant 0 : i32
        %ne3A_1287 = arith.cmpi ne, %rem3A_1285, %ne3A_1286 : i32
        %lt3A_1288 = arith.constant 0 : i32
        %lt3A_1289 = arith.cmpi slt, %rem3A_1285, %lt3A_1288 : i32
        %lt3A_1290 = arith.constant 0 : i32
        %lt3A_1291 = arith.cmpi slt, %select_n3A_1284, %lt3A_1290 : i32
        %ne3A_1292 = arith.xori %lt3A_1289, %lt3A_1291 : i1
        %and3A_1293 = arith.andi %ne3A_1292, %ne3A_1287 : i1
        %add3A_1294 = arith.addi %rem3A_1285, %select_n3A_1284 : i32
        %select_n3A_1295 = arith.select %and3A_1293, %add3A_1294, %rem3A_1285 : i32
        %mul3A_1296 = arith.constant 256 : i32
        %mul3A_1297 = arith.muli %select_n3A_1295, %mul3A_1296 : i32
        %dma_start3A_1298 = tpu.memref_slice %arg5[%select_n3A_1279, %mul3A_1297] : memref<50x512xi32, #tpu.memory_space<vmem>> -> memref<1x256xi32, #tpu.memory_space<vmem>>
        %dma_start3A_1299 = tpu.memref_squeeze %dma_start3A_1298 : memref<1x256xi32, #tpu.memory_space<vmem>> -> memref<256xi32, #tpu.memory_space<vmem>>
        %dma_start3A_1300 = arith.constant 0 : i32
        %dma_start3A_1301 = arith.constant 0 : i32
        %dma_start3A_1302 = tpu.memref_slice %arg2[%dma_start3A_1300, %dma_start3A_1301] : memref<1000000x32xf32, #tpu.memory_space<hbm>> -> memref<1000000x32xf32, #tpu.memory_space<hbm>>
        tpu.enqueue_indirect_dma source(%dma_start3A_1302 : memref<1000000x32xf32, #tpu.memory_space<hbm>>) target(%arg9 : memref<256x32xf32, #tpu.memory_space<vmem>>) offsets(%dma_start3A_1299 : memref<256xi32, #tpu.memory_space<vmem>>) semaphore(%arg19 : memref<!tpu.dma_semaphore, #tpu.memory_space<semaphore_mem>>)
      } else {
      }
      %mul3A_575 = arith.constant 10 : i32
      %mul3A_576 = arith.muli %scan3A_166, %mul3A_575 : i32
      %add3A_577 = arith.constant 4 : i32
      %add3A_578 = arith.addi %mul3A_576, %add3A_577 : i32
      %jit3A_579 = arith.constant 2 : i32
      %div3A_580 = arith.divsi %add3A_578, %jit3A_579 : i32
      %sign3A_581 = arith.constant 0 : i32
      %sign3A_582 = arith.cmpi sgt, %add3A_578, %sign3A_581 : i32
      %sign3A_583 = arith.extui %sign3A_582 : i1 to i32
      %sign3A_584 = arith.constant 0 : i32
      %sign3A_585 = arith.cmpi slt, %add3A_578, %sign3A_584 : i32
      %sign3A_586 = arith.extui %sign3A_585 : i1 to i32
      %sign3A_587 = arith.subi %sign3A_583, %sign3A_586 : i32
      %sign3A_588 = arith.constant 0 : i32
      %sign3A_589 = arith.cmpi sgt, %jit3A_579, %sign3A_588 : i32
      %sign3A_590 = arith.extui %sign3A_589 : i1 to i32
      %sign3A_591 = arith.constant 0 : i32
      %sign3A_592 = arith.cmpi slt, %jit3A_579, %sign3A_591 : i32
      %sign3A_593 = arith.extui %sign3A_592 : i1 to i32
      %sign3A_594 = arith.subi %sign3A_590, %sign3A_593 : i32
      %ne3A_595 = arith.cmpi ne, %sign3A_587, %sign3A_594 : i32
      %rem3A_596 = arith.remsi %add3A_578, %jit3A_579 : i32
      %ne3A_597 = arith.constant 0 : i32
      %ne3A_598 = arith.cmpi ne, %rem3A_596, %ne3A_597 : i32
      %and3A_599 = arith.andi %ne3A_595, %ne3A_598 : i1
      %sub3A_600 = arith.constant 1 : i32
      %sub3A_601 = arith.subi %div3A_580, %sub3A_600 : i32
      %select_n3A_602 = arith.select %and3A_599, %sub3A_601, %div3A_580 : i32
      %jit3A_603 = arith.constant 2 : i32
      %eq3A_604 = arith.constant 0 : i32
      %eq3A_605 = arith.cmpi eq, %jit3A_603, %eq3A_604 : i32
      %jit3A_606 = arith.constant 1 : i32
      %select_n3A_607 = arith.select %eq3A_605, %jit3A_606, %jit3A_603 : i32
      %rem3A_608 = arith.remsi %add3A_578, %select_n3A_607 : i32
      %ne3A_609 = arith.constant 0 : i32
      %ne3A_610 = arith.cmpi ne, %rem3A_608, %ne3A_609 : i32
      %lt3A_611 = arith.constant 0 : i32
      %lt3A_612 = arith.cmpi slt, %rem3A_608, %lt3A_611 : i32
      %lt3A_613 = arith.constant 0 : i32
      %lt3A_614 = arith.cmpi slt, %select_n3A_607, %lt3A_613 : i32
      %ne3A_615 = arith.xori %lt3A_612, %lt3A_614 : i1
      %and3A_616 = arith.andi %ne3A_615, %ne3A_610 : i1
      %add3A_617 = arith.addi %rem3A_608, %select_n3A_607 : i32
      %select_n3A_618 = arith.select %and3A_616, %add3A_617, %rem3A_608 : i32
      %mul3A_619 = arith.constant 256 : i32
      %mul3A_620 = arith.muli %select_n3A_618, %mul3A_619 : i32
      %dma_wait3A_621 = tpu.memref_slice %arg5[%select_n3A_602, %mul3A_620] : memref<50x512xi32, #tpu.memory_space<vmem>> -> memref<1x256xi32, #tpu.memory_space<vmem>>
      %dma_wait3A_622 = tpu.memref_squeeze %dma_wait3A_621 : memref<1x256xi32, #tpu.memory_space<vmem>> -> memref<256xi32, #tpu.memory_space<vmem>>
      %dma_wait3A_623 = arith.constant 0 : i32
      %dma_wait3A_624 = arith.constant 0 : i32
      %dma_wait3A_625 = tpu.memref_slice %arg2[%dma_wait3A_623, %dma_wait3A_624] : memref<1000000x32xf32, #tpu.memory_space<hbm>> -> memref<1000000x32xf32, #tpu.memory_space<hbm>>
      tpu.wait_indirect_dma semaphore(%arg20 : memref<!tpu.dma_semaphore, #tpu.memory_space<semaphore_mem>>) src(%dma_wait3A_625 : memref<1000000x32xf32, #tpu.memory_space<hbm>>) dst(%arg10 : memref<256x32xf32, #tpu.memory_space<vmem>>)
      %jit3A_626 = arith.constant 2 : i32
      %div3A_627 = arith.divsi %add3A_578, %jit3A_626 : i32
      %sign3A_628 = arith.constant 0 : i32
      %sign3A_629 = arith.cmpi sgt, %add3A_578, %sign3A_628 : i32
      %sign3A_630 = arith.extui %sign3A_629 : i1 to i32
      %sign3A_631 = arith.constant 0 : i32
      %sign3A_632 = arith.cmpi slt, %add3A_578, %sign3A_631 : i32
      %sign3A_633 = arith.extui %sign3A_632 : i1 to i32
      %sign3A_634 = arith.subi %sign3A_630, %sign3A_633 : i32
      %sign3A_635 = arith.constant 0 : i32
      %sign3A_636 = arith.cmpi sgt, %jit3A_626, %sign3A_635 : i32
      %sign3A_637 = arith.extui %sign3A_636 : i1 to i32
      %sign3A_638 = arith.constant 0 : i32
      %sign3A_639 = arith.cmpi slt, %jit3A_626, %sign3A_638 : i32
      %sign3A_640 = arith.extui %sign3A_639 : i1 to i32
      %sign3A_641 = arith.subi %sign3A_637, %sign3A_640 : i32
      %ne3A_642 = arith.cmpi ne, %sign3A_634, %sign3A_641 : i32
      %rem3A_643 = arith.remsi %add3A_578, %jit3A_626 : i32
      %ne3A_644 = arith.constant 0 : i32
      %ne3A_645 = arith.cmpi ne, %rem3A_643, %ne3A_644 : i32
      %and3A_646 = arith.andi %ne3A_642, %ne3A_645 : i1
      %sub3A_647 = arith.constant 1 : i32
      %sub3A_648 = arith.subi %div3A_627, %sub3A_647 : i32
      %select_n3A_649 = arith.select %and3A_646, %sub3A_648, %div3A_627 : i32
      %jit3A_650 = arith.constant 2 : i32
      %eq3A_651 = arith.constant 0 : i32
      %eq3A_652 = arith.cmpi eq, %jit3A_650, %eq3A_651 : i32
      %jit3A_653 = arith.constant 1 : i32
      %select_n3A_654 = arith.select %eq3A_652, %jit3A_653, %jit3A_650 : i32
      %rem3A_655 = arith.remsi %add3A_578, %select_n3A_654 : i32
      %ne3A_656 = arith.constant 0 : i32
      %ne3A_657 = arith.cmpi ne, %rem3A_655, %ne3A_656 : i32
      %lt3A_658 = arith.constant 0 : i32
      %lt3A_659 = arith.cmpi slt, %rem3A_655, %lt3A_658 : i32
      %lt3A_660 = arith.constant 0 : i32
      %lt3A_661 = arith.cmpi slt, %select_n3A_654, %lt3A_660 : i32
      %ne3A_662 = arith.xori %lt3A_659, %lt3A_661 : i1
      %and3A_663 = arith.andi %ne3A_662, %ne3A_657 : i1
      %add3A_664 = arith.addi %rem3A_655, %select_n3A_654 : i32
      %select_n3A_665 = arith.select %and3A_663, %add3A_664, %rem3A_655 : i32
      %mul3A_666 = arith.constant 256 : i32
      %mul3A_667 = arith.muli %select_n3A_665, %mul3A_666 : i32
      %add3A_668 = arith.addi %mul3A_2, %mul3A_667 : i32
      %dma_start3A_669 = arith.constant 0 : i32
      %dma_start3A_670 = tpu.memref_slice %arg4[%select_n3A_649, %add3A_668, %dma_start3A_669] : memref<50x16384x32xf32, #tpu.memory_space<hbm>> -> memref<1x256x32xf32, #tpu.memory_space<hbm>>
      %dma_start3A_671 = tpu.memref_squeeze %dma_start3A_670 : memref<1x256x32xf32, #tpu.memory_space<hbm>> -> memref<256x32xf32, #tpu.memory_space<hbm>>
      %dma_start3A_672 = arith.constant 0 : i32
      %dma_start3A_673 = tpu.memref_slice %arg4[%select_n3A_649, %add3A_668, %dma_start3A_672] : memref<50x16384x32xf32, #tpu.memory_space<hbm>> -> memref<1x256x32xf32, #tpu.memory_space<hbm>>
      %dma_start3A_674 = tpu.memref_squeeze %dma_start3A_673 : memref<1x256x32xf32, #tpu.memory_space<hbm>> -> memref<256x32xf32, #tpu.memory_space<hbm>>
      tpu.enqueue_dma source(%arg10 : memref<256x32xf32, #tpu.memory_space<vmem>>) target(%dma_start3A_674 : memref<256x32xf32, #tpu.memory_space<hbm>>) target_semaphore(%arg30 : memref<!tpu.dma_semaphore, #tpu.memory_space<semaphore_mem>>)
      %lt3A_675 = arith.constant 9 : i32
      %lt3A_676 = arith.cmpi slt, %scan3A_166, %lt3A_675 : i32
      %convert_element_type3A_677 = arith.extui %lt3A_676 : i1 to i32
      %cond3A_678 = arith.constant 0 : i32
      %cond3A_679 = arith.cmpi ne, %convert_element_type3A_677, %cond3A_678 : i32
      scf.if %cond3A_679 {
        %jit3A_1205 = arith.constant 2 : i32
        %div3A_1206 = arith.divsi %add3A_578, %jit3A_1205 : i32
        %sign3A_1207 = arith.constant 0 : i32
        %sign3A_1208 = arith.cmpi sgt, %add3A_578, %sign3A_1207 : i32
        %sign3A_1209 = arith.extui %sign3A_1208 : i1 to i32
        %sign3A_1210 = arith.constant 0 : i32
        %sign3A_1211 = arith.cmpi slt, %add3A_578, %sign3A_1210 : i32
        %sign3A_1212 = arith.extui %sign3A_1211 : i1 to i32
        %sign3A_1213 = arith.subi %sign3A_1209, %sign3A_1212 : i32
        %sign3A_1214 = arith.constant 0 : i32
        %sign3A_1215 = arith.cmpi sgt, %jit3A_1205, %sign3A_1214 : i32
        %sign3A_1216 = arith.extui %sign3A_1215 : i1 to i32
        %sign3A_1217 = arith.constant 0 : i32
        %sign3A_1218 = arith.cmpi slt, %jit3A_1205, %sign3A_1217 : i32
        %sign3A_1219 = arith.extui %sign3A_1218 : i1 to i32
        %sign3A_1220 = arith.subi %sign3A_1216, %sign3A_1219 : i32
        %ne3A_1221 = arith.cmpi ne, %sign3A_1213, %sign3A_1220 : i32
        %rem3A_1222 = arith.remsi %add3A_578, %jit3A_1205 : i32
        %ne3A_1223 = arith.constant 0 : i32
        %ne3A_1224 = arith.cmpi ne, %rem3A_1222, %ne3A_1223 : i32
        %and3A_1225 = arith.andi %ne3A_1221, %ne3A_1224 : i1
        %sub3A_1226 = arith.constant 1 : i32
        %sub3A_1227 = arith.subi %div3A_1206, %sub3A_1226 : i32
        %select_n3A_1228 = arith.select %and3A_1225, %sub3A_1227, %div3A_1206 : i32
        %jit3A_1229 = arith.constant 2 : i32
        %eq3A_1230 = arith.constant 0 : i32
        %eq3A_1231 = arith.cmpi eq, %jit3A_1229, %eq3A_1230 : i32
        %jit3A_1232 = arith.constant 1 : i32
        %select_n3A_1233 = arith.select %eq3A_1231, %jit3A_1232, %jit3A_1229 : i32
        %rem3A_1234 = arith.remsi %add3A_578, %select_n3A_1233 : i32
        %ne3A_1235 = arith.constant 0 : i32
        %ne3A_1236 = arith.cmpi ne, %rem3A_1234, %ne3A_1235 : i32
        %lt3A_1237 = arith.constant 0 : i32
        %lt3A_1238 = arith.cmpi slt, %rem3A_1234, %lt3A_1237 : i32
        %lt3A_1239 = arith.constant 0 : i32
        %lt3A_1240 = arith.cmpi slt, %select_n3A_1233, %lt3A_1239 : i32
        %ne3A_1241 = arith.xori %lt3A_1238, %lt3A_1240 : i1
        %and3A_1242 = arith.andi %ne3A_1241, %ne3A_1236 : i1
        %add3A_1243 = arith.addi %rem3A_1234, %select_n3A_1233 : i32
        %select_n3A_1244 = arith.select %and3A_1242, %add3A_1243, %rem3A_1234 : i32
        %mul3A_1245 = arith.constant 256 : i32
        %mul3A_1246 = arith.muli %select_n3A_1244, %mul3A_1245 : i32
        %add3A_1247 = arith.addi %mul3A_2, %mul3A_1246 : i32
        %dma_wait3A_1248 = arith.constant 0 : i32
        %dma_wait3A_1249 = tpu.memref_slice %arg4[%select_n3A_1228, %add3A_1247, %dma_wait3A_1248] : memref<50x16384x32xf32, #tpu.memory_space<hbm>> -> memref<1x256x32xf32, #tpu.memory_space<hbm>>
        %dma_wait3A_1250 = tpu.memref_squeeze %dma_wait3A_1249 : memref<1x256x32xf32, #tpu.memory_space<hbm>> -> memref<256x32xf32, #tpu.memory_space<hbm>>
        %dma_wait3A_1251 = arith.constant 0 : i32
        %dma_wait3A_1252 = tpu.memref_slice %arg4[%select_n3A_1228, %add3A_1247, %dma_wait3A_1251] : memref<50x16384x32xf32, #tpu.memory_space<hbm>> -> memref<1x256x32xf32, #tpu.memory_space<hbm>>
        %dma_wait3A_1253 = tpu.memref_squeeze %dma_wait3A_1252 : memref<1x256x32xf32, #tpu.memory_space<hbm>> -> memref<256x32xf32, #tpu.memory_space<hbm>>
        tpu.wait_dma2 semaphore(%arg30 : memref<!tpu.dma_semaphore, #tpu.memory_space<semaphore_mem>>) src(%arg10 : memref<256x32xf32, #tpu.memory_space<vmem>>) dst(%dma_wait3A_1253 : memref<256x32xf32, #tpu.memory_space<hbm>>)
        %add3A_1254 = arith.constant 10 : i32
        %add3A_1255 = arith.addi %add3A_578, %add3A_1254 : i32
        %jit3A_1256 = arith.constant 2 : i32
        %div3A_1257 = arith.divsi %add3A_1255, %jit3A_1256 : i32
        %sign3A_1258 = arith.constant 0 : i32
        %sign3A_1259 = arith.cmpi sgt, %add3A_1255, %sign3A_1258 : i32
        %sign3A_1260 = arith.extui %sign3A_1259 : i1 to i32
        %sign3A_1261 = arith.constant 0 : i32
        %sign3A_1262 = arith.cmpi slt, %add3A_1255, %sign3A_1261 : i32
        %sign3A_1263 = arith.extui %sign3A_1262 : i1 to i32
        %sign3A_1264 = arith.subi %sign3A_1260, %sign3A_1263 : i32
        %sign3A_1265 = arith.constant 0 : i32
        %sign3A_1266 = arith.cmpi sgt, %jit3A_1256, %sign3A_1265 : i32
        %sign3A_1267 = arith.extui %sign3A_1266 : i1 to i32
        %sign3A_1268 = arith.constant 0 : i32
        %sign3A_1269 = arith.cmpi slt, %jit3A_1256, %sign3A_1268 : i32
        %sign3A_1270 = arith.extui %sign3A_1269 : i1 to i32
        %sign3A_1271 = arith.subi %sign3A_1267, %sign3A_1270 : i32
        %ne3A_1272 = arith.cmpi ne, %sign3A_1264, %sign3A_1271 : i32
        %rem3A_1273 = arith.remsi %add3A_1255, %jit3A_1256 : i32
        %ne3A_1274 = arith.constant 0 : i32
        %ne3A_1275 = arith.cmpi ne, %rem3A_1273, %ne3A_1274 : i32
        %and3A_1276 = arith.andi %ne3A_1272, %ne3A_1275 : i1
        %sub3A_1277 = arith.constant 1 : i32
        %sub3A_1278 = arith.subi %div3A_1257, %sub3A_1277 : i32
        %select_n3A_1279 = arith.select %and3A_1276, %sub3A_1278, %div3A_1257 : i32
        %jit3A_1280 = arith.constant 2 : i32
        %eq3A_1281 = arith.constant 0 : i32
        %eq3A_1282 = arith.cmpi eq, %jit3A_1280, %eq3A_1281 : i32
        %jit3A_1283 = arith.constant 1 : i32
        %select_n3A_1284 = arith.select %eq3A_1282, %jit3A_1283, %jit3A_1280 : i32
        %rem3A_1285 = arith.remsi %add3A_1255, %select_n3A_1284 : i32
        %ne3A_1286 = arith.constant 0 : i32
        %ne3A_1287 = arith.cmpi ne, %rem3A_1285, %ne3A_1286 : i32
        %lt3A_1288 = arith.constant 0 : i32
        %lt3A_1289 = arith.cmpi slt, %rem3A_1285, %lt3A_1288 : i32
        %lt3A_1290 = arith.constant 0 : i32
        %lt3A_1291 = arith.cmpi slt, %select_n3A_1284, %lt3A_1290 : i32
        %ne3A_1292 = arith.xori %lt3A_1289, %lt3A_1291 : i1
        %and3A_1293 = arith.andi %ne3A_1292, %ne3A_1287 : i1
        %add3A_1294 = arith.addi %rem3A_1285, %select_n3A_1284 : i32
        %select_n3A_1295 = arith.select %and3A_1293, %add3A_1294, %rem3A_1285 : i32
        %mul3A_1296 = arith.constant 256 : i32
        %mul3A_1297 = arith.muli %select_n3A_1295, %mul3A_1296 : i32
        %dma_start3A_1298 = tpu.memref_slice %arg5[%select_n3A_1279, %mul3A_1297] : memref<50x512xi32, #tpu.memory_space<vmem>> -> memref<1x256xi32, #tpu.memory_space<vmem>>
        %dma_start3A_1299 = tpu.memref_squeeze %dma_start3A_1298 : memref<1x256xi32, #tpu.memory_space<vmem>> -> memref<256xi32, #tpu.memory_space<vmem>>
        %dma_start3A_1300 = arith.constant 0 : i32
        %dma_start3A_1301 = arith.constant 0 : i32
        %dma_start3A_1302 = tpu.memref_slice %arg2[%dma_start3A_1300, %dma_start3A_1301] : memref<1000000x32xf32, #tpu.memory_space<hbm>> -> memref<1000000x32xf32, #tpu.memory_space<hbm>>
        tpu.enqueue_indirect_dma source(%dma_start3A_1302 : memref<1000000x32xf32, #tpu.memory_space<hbm>>) target(%arg10 : memref<256x32xf32, #tpu.memory_space<vmem>>) offsets(%dma_start3A_1299 : memref<256xi32, #tpu.memory_space<vmem>>) semaphore(%arg20 : memref<!tpu.dma_semaphore, #tpu.memory_space<semaphore_mem>>)
      } else {
      }
      %mul3A_680 = arith.constant 10 : i32
      %mul3A_681 = arith.muli %scan3A_166, %mul3A_680 : i32
      %add3A_682 = arith.constant 5 : i32
      %add3A_683 = arith.addi %mul3A_681, %add3A_682 : i32
      %jit3A_684 = arith.constant 2 : i32
      %div3A_685 = arith.divsi %add3A_683, %jit3A_684 : i32
      %sign3A_686 = arith.constant 0 : i32
      %sign3A_687 = arith.cmpi sgt, %add3A_683, %sign3A_686 : i32
      %sign3A_688 = arith.extui %sign3A_687 : i1 to i32
      %sign3A_689 = arith.constant 0 : i32
      %sign3A_690 = arith.cmpi slt, %add3A_683, %sign3A_689 : i32
      %sign3A_691 = arith.extui %sign3A_690 : i1 to i32
      %sign3A_692 = arith.subi %sign3A_688, %sign3A_691 : i32
      %sign3A_693 = arith.constant 0 : i32
      %sign3A_694 = arith.cmpi sgt, %jit3A_684, %sign3A_693 : i32
      %sign3A_695 = arith.extui %sign3A_694 : i1 to i32
      %sign3A_696 = arith.constant 0 : i32
      %sign3A_697 = arith.cmpi slt, %jit3A_684, %sign3A_696 : i32
      %sign3A_698 = arith.extui %sign3A_697 : i1 to i32
      %sign3A_699 = arith.subi %sign3A_695, %sign3A_698 : i32
      %ne3A_700 = arith.cmpi ne, %sign3A_692, %sign3A_699 : i32
      %rem3A_701 = arith.remsi %add3A_683, %jit3A_684 : i32
      %ne3A_702 = arith.constant 0 : i32
      %ne3A_703 = arith.cmpi ne, %rem3A_701, %ne3A_702 : i32
      %and3A_704 = arith.andi %ne3A_700, %ne3A_703 : i1
      %sub3A_705 = arith.constant 1 : i32
      %sub3A_706 = arith.subi %div3A_685, %sub3A_705 : i32
      %select_n3A_707 = arith.select %and3A_704, %sub3A_706, %div3A_685 : i32
      %jit3A_708 = arith.constant 2 : i32
      %eq3A_709 = arith.constant 0 : i32
      %eq3A_710 = arith.cmpi eq, %jit3A_708, %eq3A_709 : i32
      %jit3A_711 = arith.constant 1 : i32
      %select_n3A_712 = arith.select %eq3A_710, %jit3A_711, %jit3A_708 : i32
      %rem3A_713 = arith.remsi %add3A_683, %select_n3A_712 : i32
      %ne3A_714 = arith.constant 0 : i32
      %ne3A_715 = arith.cmpi ne, %rem3A_713, %ne3A_714 : i32
      %lt3A_716 = arith.constant 0 : i32
      %lt3A_717 = arith.cmpi slt, %rem3A_713, %lt3A_716 : i32
      %lt3A_718 = arith.constant 0 : i32
      %lt3A_719 = arith.cmpi slt, %select_n3A_712, %lt3A_718 : i32
      %ne3A_720 = arith.xori %lt3A_717, %lt3A_719 : i1
      %and3A_721 = arith.andi %ne3A_720, %ne3A_715 : i1
      %add3A_722 = arith.addi %rem3A_713, %select_n3A_712 : i32
      %select_n3A_723 = arith.select %and3A_721, %add3A_722, %rem3A_713 : i32
      %mul3A_724 = arith.constant 256 : i32
      %mul3A_725 = arith.muli %select_n3A_723, %mul3A_724 : i32
      %dma_wait3A_726 = tpu.memref_slice %arg5[%select_n3A_707, %mul3A_725] : memref<50x512xi32, #tpu.memory_space<vmem>> -> memref<1x256xi32, #tpu.memory_space<vmem>>
      %dma_wait3A_727 = tpu.memref_squeeze %dma_wait3A_726 : memref<1x256xi32, #tpu.memory_space<vmem>> -> memref<256xi32, #tpu.memory_space<vmem>>
      %dma_wait3A_728 = arith.constant 0 : i32
      %dma_wait3A_729 = arith.constant 0 : i32
      %dma_wait3A_730 = tpu.memref_slice %arg2[%dma_wait3A_728, %dma_wait3A_729] : memref<1000000x32xf32, #tpu.memory_space<hbm>> -> memref<1000000x32xf32, #tpu.memory_space<hbm>>
      tpu.wait_indirect_dma semaphore(%arg21 : memref<!tpu.dma_semaphore, #tpu.memory_space<semaphore_mem>>) src(%dma_wait3A_730 : memref<1000000x32xf32, #tpu.memory_space<hbm>>) dst(%arg11 : memref<256x32xf32, #tpu.memory_space<vmem>>)
      %jit3A_731 = arith.constant 2 : i32
      %div3A_732 = arith.divsi %add3A_683, %jit3A_731 : i32
      %sign3A_733 = arith.constant 0 : i32
      %sign3A_734 = arith.cmpi sgt, %add3A_683, %sign3A_733 : i32
      %sign3A_735 = arith.extui %sign3A_734 : i1 to i32
      %sign3A_736 = arith.constant 0 : i32
      %sign3A_737 = arith.cmpi slt, %add3A_683, %sign3A_736 : i32
      %sign3A_738 = arith.extui %sign3A_737 : i1 to i32
      %sign3A_739 = arith.subi %sign3A_735, %sign3A_738 : i32
      %sign3A_740 = arith.constant 0 : i32
      %sign3A_741 = arith.cmpi sgt, %jit3A_731, %sign3A_740 : i32
      %sign3A_742 = arith.extui %sign3A_741 : i1 to i32
      %sign3A_743 = arith.constant 0 : i32
      %sign3A_744 = arith.cmpi slt, %jit3A_731, %sign3A_743 : i32
      %sign3A_745 = arith.extui %sign3A_744 : i1 to i32
      %sign3A_746 = arith.subi %sign3A_742, %sign3A_745 : i32
      %ne3A_747 = arith.cmpi ne, %sign3A_739, %sign3A_746 : i32
      %rem3A_748 = arith.remsi %add3A_683, %jit3A_731 : i32
      %ne3A_749 = arith.constant 0 : i32
      %ne3A_750 = arith.cmpi ne, %rem3A_748, %ne3A_749 : i32
      %and3A_751 = arith.andi %ne3A_747, %ne3A_750 : i1
      %sub3A_752 = arith.constant 1 : i32
      %sub3A_753 = arith.subi %div3A_732, %sub3A_752 : i32
      %select_n3A_754 = arith.select %and3A_751, %sub3A_753, %div3A_732 : i32
      %jit3A_755 = arith.constant 2 : i32
      %eq3A_756 = arith.constant 0 : i32
      %eq3A_757 = arith.cmpi eq, %jit3A_755, %eq3A_756 : i32
      %jit3A_758 = arith.constant 1 : i32
      %select_n3A_759 = arith.select %eq3A_757, %jit3A_758, %jit3A_755 : i32
      %rem3A_760 = arith.remsi %add3A_683, %select_n3A_759 : i32
      %ne3A_761 = arith.constant 0 : i32
      %ne3A_762 = arith.cmpi ne, %rem3A_760, %ne3A_761 : i32
      %lt3A_763 = arith.constant 0 : i32
      %lt3A_764 = arith.cmpi slt, %rem3A_760, %lt3A_763 : i32
      %lt3A_765 = arith.constant 0 : i32
      %lt3A_766 = arith.cmpi slt, %select_n3A_759, %lt3A_765 : i32
      %ne3A_767 = arith.xori %lt3A_764, %lt3A_766 : i1
      %and3A_768 = arith.andi %ne3A_767, %ne3A_762 : i1
      %add3A_769 = arith.addi %rem3A_760, %select_n3A_759 : i32
      %select_n3A_770 = arith.select %and3A_768, %add3A_769, %rem3A_760 : i32
      %mul3A_771 = arith.constant 256 : i32
      %mul3A_772 = arith.muli %select_n3A_770, %mul3A_771 : i32
      %add3A_773 = arith.addi %mul3A_2, %mul3A_772 : i32
      %dma_start3A_774 = arith.constant 0 : i32
      %dma_start3A_775 = tpu.memref_slice %arg4[%select_n3A_754, %add3A_773, %dma_start3A_774] : memref<50x16384x32xf32, #tpu.memory_space<hbm>> -> memref<1x256x32xf32, #tpu.memory_space<hbm>>
      %dma_start3A_776 = tpu.memref_squeeze %dma_start3A_775 : memref<1x256x32xf32, #tpu.memory_space<hbm>> -> memref<256x32xf32, #tpu.memory_space<hbm>>
      %dma_start3A_777 = arith.constant 0 : i32
      %dma_start3A_778 = tpu.memref_slice %arg4[%select_n3A_754, %add3A_773, %dma_start3A_777] : memref<50x16384x32xf32, #tpu.memory_space<hbm>> -> memref<1x256x32xf32, #tpu.memory_space<hbm>>
      %dma_start3A_779 = tpu.memref_squeeze %dma_start3A_778 : memref<1x256x32xf32, #tpu.memory_space<hbm>> -> memref<256x32xf32, #tpu.memory_space<hbm>>
      tpu.enqueue_dma source(%arg11 : memref<256x32xf32, #tpu.memory_space<vmem>>) target(%dma_start3A_779 : memref<256x32xf32, #tpu.memory_space<hbm>>) target_semaphore(%arg31 : memref<!tpu.dma_semaphore, #tpu.memory_space<semaphore_mem>>)
      %lt3A_780 = arith.constant 9 : i32
      %lt3A_781 = arith.cmpi slt, %scan3A_166, %lt3A_780 : i32
      %convert_element_type3A_782 = arith.extui %lt3A_781 : i1 to i32
      %cond3A_783 = arith.constant 0 : i32
      %cond3A_784 = arith.cmpi ne, %convert_element_type3A_782, %cond3A_783 : i32
      scf.if %cond3A_784 {
        %jit3A_1205 = arith.constant 2 : i32
        %div3A_1206 = arith.divsi %add3A_683, %jit3A_1205 : i32
        %sign3A_1207 = arith.constant 0 : i32
        %sign3A_1208 = arith.cmpi sgt, %add3A_683, %sign3A_1207 : i32
        %sign3A_1209 = arith.extui %sign3A_1208 : i1 to i32
        %sign3A_1210 = arith.constant 0 : i32
        %sign3A_1211 = arith.cmpi slt, %add3A_683, %sign3A_1210 : i32
        %sign3A_1212 = arith.extui %sign3A_1211 : i1 to i32
        %sign3A_1213 = arith.subi %sign3A_1209, %sign3A_1212 : i32
        %sign3A_1214 = arith.constant 0 : i32
        %sign3A_1215 = arith.cmpi sgt, %jit3A_1205, %sign3A_1214 : i32
        %sign3A_1216 = arith.extui %sign3A_1215 : i1 to i32
        %sign3A_1217 = arith.constant 0 : i32
        %sign3A_1218 = arith.cmpi slt, %jit3A_1205, %sign3A_1217 : i32
        %sign3A_1219 = arith.extui %sign3A_1218 : i1 to i32
        %sign3A_1220 = arith.subi %sign3A_1216, %sign3A_1219 : i32
        %ne3A_1221 = arith.cmpi ne, %sign3A_1213, %sign3A_1220 : i32
        %rem3A_1222 = arith.remsi %add3A_683, %jit3A_1205 : i32
        %ne3A_1223 = arith.constant 0 : i32
        %ne3A_1224 = arith.cmpi ne, %rem3A_1222, %ne3A_1223 : i32
        %and3A_1225 = arith.andi %ne3A_1221, %ne3A_1224 : i1
        %sub3A_1226 = arith.constant 1 : i32
        %sub3A_1227 = arith.subi %div3A_1206, %sub3A_1226 : i32
        %select_n3A_1228 = arith.select %and3A_1225, %sub3A_1227, %div3A_1206 : i32
        %jit3A_1229 = arith.constant 2 : i32
        %eq3A_1230 = arith.constant 0 : i32
        %eq3A_1231 = arith.cmpi eq, %jit3A_1229, %eq3A_1230 : i32
        %jit3A_1232 = arith.constant 1 : i32
        %select_n3A_1233 = arith.select %eq3A_1231, %jit3A_1232, %jit3A_1229 : i32
        %rem3A_1234 = arith.remsi %add3A_683, %select_n3A_1233 : i32
        %ne3A_1235 = arith.constant 0 : i32
        %ne3A_1236 = arith.cmpi ne, %rem3A_1234, %ne3A_1235 : i32
        %lt3A_1237 = arith.constant 0 : i32
        %lt3A_1238 = arith.cmpi slt, %rem3A_1234, %lt3A_1237 : i32
        %lt3A_1239 = arith.constant 0 : i32
        %lt3A_1240 = arith.cmpi slt, %select_n3A_1233, %lt3A_1239 : i32
        %ne3A_1241 = arith.xori %lt3A_1238, %lt3A_1240 : i1
        %and3A_1242 = arith.andi %ne3A_1241, %ne3A_1236 : i1
        %add3A_1243 = arith.addi %rem3A_1234, %select_n3A_1233 : i32
        %select_n3A_1244 = arith.select %and3A_1242, %add3A_1243, %rem3A_1234 : i32
        %mul3A_1245 = arith.constant 256 : i32
        %mul3A_1246 = arith.muli %select_n3A_1244, %mul3A_1245 : i32
        %add3A_1247 = arith.addi %mul3A_2, %mul3A_1246 : i32
        %dma_wait3A_1248 = arith.constant 0 : i32
        %dma_wait3A_1249 = tpu.memref_slice %arg4[%select_n3A_1228, %add3A_1247, %dma_wait3A_1248] : memref<50x16384x32xf32, #tpu.memory_space<hbm>> -> memref<1x256x32xf32, #tpu.memory_space<hbm>>
        %dma_wait3A_1250 = tpu.memref_squeeze %dma_wait3A_1249 : memref<1x256x32xf32, #tpu.memory_space<hbm>> -> memref<256x32xf32, #tpu.memory_space<hbm>>
        %dma_wait3A_1251 = arith.constant 0 : i32
        %dma_wait3A_1252 = tpu.memref_slice %arg4[%select_n3A_1228, %add3A_1247, %dma_wait3A_1251] : memref<50x16384x32xf32, #tpu.memory_space<hbm>> -> memref<1x256x32xf32, #tpu.memory_space<hbm>>
        %dma_wait3A_1253 = tpu.memref_squeeze %dma_wait3A_1252 : memref<1x256x32xf32, #tpu.memory_space<hbm>> -> memref<256x32xf32, #tpu.memory_space<hbm>>
        tpu.wait_dma2 semaphore(%arg31 : memref<!tpu.dma_semaphore, #tpu.memory_space<semaphore_mem>>) src(%arg11 : memref<256x32xf32, #tpu.memory_space<vmem>>) dst(%dma_wait3A_1253 : memref<256x32xf32, #tpu.memory_space<hbm>>)
        %add3A_1254 = arith.constant 10 : i32
        %add3A_1255 = arith.addi %add3A_683, %add3A_1254 : i32
        %jit3A_1256 = arith.constant 2 : i32
        %div3A_1257 = arith.divsi %add3A_1255, %jit3A_1256 : i32
        %sign3A_1258 = arith.constant 0 : i32
        %sign3A_1259 = arith.cmpi sgt, %add3A_1255, %sign3A_1258 : i32
        %sign3A_1260 = arith.extui %sign3A_1259 : i1 to i32
        %sign3A_1261 = arith.constant 0 : i32
        %sign3A_1262 = arith.cmpi slt, %add3A_1255, %sign3A_1261 : i32
        %sign3A_1263 = arith.extui %sign3A_1262 : i1 to i32
        %sign3A_1264 = arith.subi %sign3A_1260, %sign3A_1263 : i32
        %sign3A_1265 = arith.constant 0 : i32
        %sign3A_1266 = arith.cmpi sgt, %jit3A_1256, %sign3A_1265 : i32
        %sign3A_1267 = arith.extui %sign3A_1266 : i1 to i32
        %sign3A_1268 = arith.constant 0 : i32
        %sign3A_1269 = arith.cmpi slt, %jit3A_1256, %sign3A_1268 : i32
        %sign3A_1270 = arith.extui %sign3A_1269 : i1 to i32
        %sign3A_1271 = arith.subi %sign3A_1267, %sign3A_1270 : i32
        %ne3A_1272 = arith.cmpi ne, %sign3A_1264, %sign3A_1271 : i32
        %rem3A_1273 = arith.remsi %add3A_1255, %jit3A_1256 : i32
        %ne3A_1274 = arith.constant 0 : i32
        %ne3A_1275 = arith.cmpi ne, %rem3A_1273, %ne3A_1274 : i32
        %and3A_1276 = arith.andi %ne3A_1272, %ne3A_1275 : i1
        %sub3A_1277 = arith.constant 1 : i32
        %sub3A_1278 = arith.subi %div3A_1257, %sub3A_1277 : i32
        %select_n3A_1279 = arith.select %and3A_1276, %sub3A_1278, %div3A_1257 : i32
        %jit3A_1280 = arith.constant 2 : i32
        %eq3A_1281 = arith.constant 0 : i32
        %eq3A_1282 = arith.cmpi eq, %jit3A_1280, %eq3A_1281 : i32
        %jit3A_1283 = arith.constant 1 : i32
        %select_n3A_1284 = arith.select %eq3A_1282, %jit3A_1283, %jit3A_1280 : i32
        %rem3A_1285 = arith.remsi %add3A_1255, %select_n3A_1284 : i32
        %ne3A_1286 = arith.constant 0 : i32
        %ne3A_1287 = arith.cmpi ne, %rem3A_1285, %ne3A_1286 : i32
        %lt3A_1288 = arith.constant 0 : i32
        %lt3A_1289 = arith.cmpi slt, %rem3A_1285, %lt3A_1288 : i32
        %lt3A_1290 = arith.constant 0 : i32
        %lt3A_1291 = arith.cmpi slt, %select_n3A_1284, %lt3A_1290 : i32
        %ne3A_1292 = arith.xori %lt3A_1289, %lt3A_1291 : i1
        %and3A_1293 = arith.andi %ne3A_1292, %ne3A_1287 : i1
        %add3A_1294 = arith.addi %rem3A_1285, %select_n3A_1284 : i32
        %select_n3A_1295 = arith.select %and3A_1293, %add3A_1294, %rem3A_1285 : i32
        %mul3A_1296 = arith.constant 256 : i32
        %mul3A_1297 = arith.muli %select_n3A_1295, %mul3A_1296 : i32
        %dma_start3A_1298 = tpu.memref_slice %arg5[%select_n3A_1279, %mul3A_1297] : memref<50x512xi32, #tpu.memory_space<vmem>> -> memref<1x256xi32, #tpu.memory_space<vmem>>
        %dma_start3A_1299 = tpu.memref_squeeze %dma_start3A_1298 : memref<1x256xi32, #tpu.memory_space<vmem>> -> memref<256xi32, #tpu.memory_space<vmem>>
        %dma_start3A_1300 = arith.constant 0 : i32
        %dma_start3A_1301 = arith.constant 0 : i32
        %dma_start3A_1302 = tpu.memref_slice %arg2[%dma_start3A_1300, %dma_start3A_1301] : memref<1000000x32xf32, #tpu.memory_space<hbm>> -> memref<1000000x32xf32, #tpu.memory_space<hbm>>
        tpu.enqueue_indirect_dma source(%dma_start3A_1302 : memref<1000000x32xf32, #tpu.memory_space<hbm>>) target(%arg11 : memref<256x32xf32, #tpu.memory_space<vmem>>) offsets(%dma_start3A_1299 : memref<256xi32, #tpu.memory_space<vmem>>) semaphore(%arg21 : memref<!tpu.dma_semaphore, #tpu.memory_space<semaphore_mem>>)
      } else {
      }
      %mul3A_785 = arith.constant 10 : i32
      %mul3A_786 = arith.muli %scan3A_166, %mul3A_785 : i32
      %add3A_787 = arith.constant 6 : i32
      %add3A_788 = arith.addi %mul3A_786, %add3A_787 : i32
      %jit3A_789 = arith.constant 2 : i32
      %div3A_790 = arith.divsi %add3A_788, %jit3A_789 : i32
      %sign3A_791 = arith.constant 0 : i32
      %sign3A_792 = arith.cmpi sgt, %add3A_788, %sign3A_791 : i32
      %sign3A_793 = arith.extui %sign3A_792 : i1 to i32
      %sign3A_794 = arith.constant 0 : i32
      %sign3A_795 = arith.cmpi slt, %add3A_788, %sign3A_794 : i32
      %sign3A_796 = arith.extui %sign3A_795 : i1 to i32
      %sign3A_797 = arith.subi %sign3A_793, %sign3A_796 : i32
      %sign3A_798 = arith.constant 0 : i32
      %sign3A_799 = arith.cmpi sgt, %jit3A_789, %sign3A_798 : i32
      %sign3A_800 = arith.extui %sign3A_799 : i1 to i32
      %sign3A_801 = arith.constant 0 : i32
      %sign3A_802 = arith.cmpi slt, %jit3A_789, %sign3A_801 : i32
      %sign3A_803 = arith.extui %sign3A_802 : i1 to i32
      %sign3A_804 = arith.subi %sign3A_800, %sign3A_803 : i32
      %ne3A_805 = arith.cmpi ne, %sign3A_797, %sign3A_804 : i32
      %rem3A_806 = arith.remsi %add3A_788, %jit3A_789 : i32
      %ne3A_807 = arith.constant 0 : i32
      %ne3A_808 = arith.cmpi ne, %rem3A_806, %ne3A_807 : i32
      %and3A_809 = arith.andi %ne3A_805, %ne3A_808 : i1
      %sub3A_810 = arith.constant 1 : i32
      %sub3A_811 = arith.subi %div3A_790, %sub3A_810 : i32
      %select_n3A_812 = arith.select %and3A_809, %sub3A_811, %div3A_790 : i32
      %jit3A_813 = arith.constant 2 : i32
      %eq3A_814 = arith.constant 0 : i32
      %eq3A_815 = arith.cmpi eq, %jit3A_813, %eq3A_814 : i32
      %jit3A_816 = arith.constant 1 : i32
      %select_n3A_817 = arith.select %eq3A_815, %jit3A_816, %jit3A_813 : i32
      %rem3A_818 = arith.remsi %add3A_788, %select_n3A_817 : i32
      %ne3A_819 = arith.constant 0 : i32
      %ne3A_820 = arith.cmpi ne, %rem3A_818, %ne3A_819 : i32
      %lt3A_821 = arith.constant 0 : i32
      %lt3A_822 = arith.cmpi slt, %rem3A_818, %lt3A_821 : i32
      %lt3A_823 = arith.constant 0 : i32
      %lt3A_824 = arith.cmpi slt, %select_n3A_817, %lt3A_823 : i32
      %ne3A_825 = arith.xori %lt3A_822, %lt3A_824 : i1
      %and3A_826 = arith.andi %ne3A_825, %ne3A_820 : i1
      %add3A_827 = arith.addi %rem3A_818, %select_n3A_817 : i32
      %select_n3A_828 = arith.select %and3A_826, %add3A_827, %rem3A_818 : i32
      %mul3A_829 = arith.constant 256 : i32
      %mul3A_830 = arith.muli %select_n3A_828, %mul3A_829 : i32
      %dma_wait3A_831 = tpu.memref_slice %arg5[%select_n3A_812, %mul3A_830] : memref<50x512xi32, #tpu.memory_space<vmem>> -> memref<1x256xi32, #tpu.memory_space<vmem>>
      %dma_wait3A_832 = tpu.memref_squeeze %dma_wait3A_831 : memref<1x256xi32, #tpu.memory_space<vmem>> -> memref<256xi32, #tpu.memory_space<vmem>>
      %dma_wait3A_833 = arith.constant 0 : i32
      %dma_wait3A_834 = arith.constant 0 : i32
      %dma_wait3A_835 = tpu.memref_slice %arg2[%dma_wait3A_833, %dma_wait3A_834] : memref<1000000x32xf32, #tpu.memory_space<hbm>> -> memref<1000000x32xf32, #tpu.memory_space<hbm>>
      tpu.wait_indirect_dma semaphore(%arg22 : memref<!tpu.dma_semaphore, #tpu.memory_space<semaphore_mem>>) src(%dma_wait3A_835 : memref<1000000x32xf32, #tpu.memory_space<hbm>>) dst(%arg12 : memref<256x32xf32, #tpu.memory_space<vmem>>)
      %jit3A_836 = arith.constant 2 : i32
      %div3A_837 = arith.divsi %add3A_788, %jit3A_836 : i32
      %sign3A_838 = arith.constant 0 : i32
      %sign3A_839 = arith.cmpi sgt, %add3A_788, %sign3A_838 : i32
      %sign3A_840 = arith.extui %sign3A_839 : i1 to i32
      %sign3A_841 = arith.constant 0 : i32
      %sign3A_842 = arith.cmpi slt, %add3A_788, %sign3A_841 : i32
      %sign3A_843 = arith.extui %sign3A_842 : i1 to i32
      %sign3A_844 = arith.subi %sign3A_840, %sign3A_843 : i32
      %sign3A_845 = arith.constant 0 : i32
      %sign3A_846 = arith.cmpi sgt, %jit3A_836, %sign3A_845 : i32
      %sign3A_847 = arith.extui %sign3A_846 : i1 to i32
      %sign3A_848 = arith.constant 0 : i32
      %sign3A_849 = arith.cmpi slt, %jit3A_836, %sign3A_848 : i32
      %sign3A_850 = arith.extui %sign3A_849 : i1 to i32
      %sign3A_851 = arith.subi %sign3A_847, %sign3A_850 : i32
      %ne3A_852 = arith.cmpi ne, %sign3A_844, %sign3A_851 : i32
      %rem3A_853 = arith.remsi %add3A_788, %jit3A_836 : i32
      %ne3A_854 = arith.constant 0 : i32
      %ne3A_855 = arith.cmpi ne, %rem3A_853, %ne3A_854 : i32
      %and3A_856 = arith.andi %ne3A_852, %ne3A_855 : i1
      %sub3A_857 = arith.constant 1 : i32
      %sub3A_858 = arith.subi %div3A_837, %sub3A_857 : i32
      %select_n3A_859 = arith.select %and3A_856, %sub3A_858, %div3A_837 : i32
      %jit3A_860 = arith.constant 2 : i32
      %eq3A_861 = arith.constant 0 : i32
      %eq3A_862 = arith.cmpi eq, %jit3A_860, %eq3A_861 : i32
      %jit3A_863 = arith.constant 1 : i32
      %select_n3A_864 = arith.select %eq3A_862, %jit3A_863, %jit3A_860 : i32
      %rem3A_865 = arith.remsi %add3A_788, %select_n3A_864 : i32
      %ne3A_866 = arith.constant 0 : i32
      %ne3A_867 = arith.cmpi ne, %rem3A_865, %ne3A_866 : i32
      %lt3A_868 = arith.constant 0 : i32
      %lt3A_869 = arith.cmpi slt, %rem3A_865, %lt3A_868 : i32
      %lt3A_870 = arith.constant 0 : i32
      %lt3A_871 = arith.cmpi slt, %select_n3A_864, %lt3A_870 : i32
      %ne3A_872 = arith.xori %lt3A_869, %lt3A_871 : i1
      %and3A_873 = arith.andi %ne3A_872, %ne3A_867 : i1
      %add3A_874 = arith.addi %rem3A_865, %select_n3A_864 : i32
      %select_n3A_875 = arith.select %and3A_873, %add3A_874, %rem3A_865 : i32
      %mul3A_876 = arith.constant 256 : i32
      %mul3A_877 = arith.muli %select_n3A_875, %mul3A_876 : i32
      %add3A_878 = arith.addi %mul3A_2, %mul3A_877 : i32
      %dma_start3A_879 = arith.constant 0 : i32
      %dma_start3A_880 = tpu.memref_slice %arg4[%select_n3A_859, %add3A_878, %dma_start3A_879] : memref<50x16384x32xf32, #tpu.memory_space<hbm>> -> memref<1x256x32xf32, #tpu.memory_space<hbm>>
      %dma_start3A_881 = tpu.memref_squeeze %dma_start3A_880 : memref<1x256x32xf32, #tpu.memory_space<hbm>> -> memref<256x32xf32, #tpu.memory_space<hbm>>
      %dma_start3A_882 = arith.constant 0 : i32
      %dma_start3A_883 = tpu.memref_slice %arg4[%select_n3A_859, %add3A_878, %dma_start3A_882] : memref<50x16384x32xf32, #tpu.memory_space<hbm>> -> memref<1x256x32xf32, #tpu.memory_space<hbm>>
      %dma_start3A_884 = tpu.memref_squeeze %dma_start3A_883 : memref<1x256x32xf32, #tpu.memory_space<hbm>> -> memref<256x32xf32, #tpu.memory_space<hbm>>
      tpu.enqueue_dma source(%arg12 : memref<256x32xf32, #tpu.memory_space<vmem>>) target(%dma_start3A_884 : memref<256x32xf32, #tpu.memory_space<hbm>>) target_semaphore(%arg32 : memref<!tpu.dma_semaphore, #tpu.memory_space<semaphore_mem>>)
      %lt3A_885 = arith.constant 9 : i32
      %lt3A_886 = arith.cmpi slt, %scan3A_166, %lt3A_885 : i32
      %convert_element_type3A_887 = arith.extui %lt3A_886 : i1 to i32
      %cond3A_888 = arith.constant 0 : i32
      %cond3A_889 = arith.cmpi ne, %convert_element_type3A_887, %cond3A_888 : i32
      scf.if %cond3A_889 {
        %jit3A_1205 = arith.constant 2 : i32
        %div3A_1206 = arith.divsi %add3A_788, %jit3A_1205 : i32
        %sign3A_1207 = arith.constant 0 : i32
        %sign3A_1208 = arith.cmpi sgt, %add3A_788, %sign3A_1207 : i32
        %sign3A_1209 = arith.extui %sign3A_1208 : i1 to i32
        %sign3A_1210 = arith.constant 0 : i32
        %sign3A_1211 = arith.cmpi slt, %add3A_788, %sign3A_1210 : i32
        %sign3A_1212 = arith.extui %sign3A_1211 : i1 to i32
        %sign3A_1213 = arith.subi %sign3A_1209, %sign3A_1212 : i32
        %sign3A_1214 = arith.constant 0 : i32
        %sign3A_1215 = arith.cmpi sgt, %jit3A_1205, %sign3A_1214 : i32
        %sign3A_1216 = arith.extui %sign3A_1215 : i1 to i32
        %sign3A_1217 = arith.constant 0 : i32
        %sign3A_1218 = arith.cmpi slt, %jit3A_1205, %sign3A_1217 : i32
        %sign3A_1219 = arith.extui %sign3A_1218 : i1 to i32
        %sign3A_1220 = arith.subi %sign3A_1216, %sign3A_1219 : i32
        %ne3A_1221 = arith.cmpi ne, %sign3A_1213, %sign3A_1220 : i32
        %rem3A_1222 = arith.remsi %add3A_788, %jit3A_1205 : i32
        %ne3A_1223 = arith.constant 0 : i32
        %ne3A_1224 = arith.cmpi ne, %rem3A_1222, %ne3A_1223 : i32
        %and3A_1225 = arith.andi %ne3A_1221, %ne3A_1224 : i1
        %sub3A_1226 = arith.constant 1 : i32
        %sub3A_1227 = arith.subi %div3A_1206, %sub3A_1226 : i32
        %select_n3A_1228 = arith.select %and3A_1225, %sub3A_1227, %div3A_1206 : i32
        %jit3A_1229 = arith.constant 2 : i32
        %eq3A_1230 = arith.constant 0 : i32
        %eq3A_1231 = arith.cmpi eq, %jit3A_1229, %eq3A_1230 : i32
        %jit3A_1232 = arith.constant 1 : i32
        %select_n3A_1233 = arith.select %eq3A_1231, %jit3A_1232, %jit3A_1229 : i32
        %rem3A_1234 = arith.remsi %add3A_788, %select_n3A_1233 : i32
        %ne3A_1235 = arith.constant 0 : i32
        %ne3A_1236 = arith.cmpi ne, %rem3A_1234, %ne3A_1235 : i32
        %lt3A_1237 = arith.constant 0 : i32
        %lt3A_1238 = arith.cmpi slt, %rem3A_1234, %lt3A_1237 : i32
        %lt3A_1239 = arith.constant 0 : i32
        %lt3A_1240 = arith.cmpi slt, %select_n3A_1233, %lt3A_1239 : i32
        %ne3A_1241 = arith.xori %lt3A_1238, %lt3A_1240 : i1
        %and3A_1242 = arith.andi %ne3A_1241, %ne3A_1236 : i1
        %add3A_1243 = arith.addi %rem3A_1234, %select_n3A_1233 : i32
        %select_n3A_1244 = arith.select %and3A_1242, %add3A_1243, %rem3A_1234 : i32
        %mul3A_1245 = arith.constant 256 : i32
        %mul3A_1246 = arith.muli %select_n3A_1244, %mul3A_1245 : i32
        %add3A_1247 = arith.addi %mul3A_2, %mul3A_1246 : i32
        %dma_wait3A_1248 = arith.constant 0 : i32
        %dma_wait3A_1249 = tpu.memref_slice %arg4[%select_n3A_1228, %add3A_1247, %dma_wait3A_1248] : memref<50x16384x32xf32, #tpu.memory_space<hbm>> -> memref<1x256x32xf32, #tpu.memory_space<hbm>>
        %dma_wait3A_1250 = tpu.memref_squeeze %dma_wait3A_1249 : memref<1x256x32xf32, #tpu.memory_space<hbm>> -> memref<256x32xf32, #tpu.memory_space<hbm>>
        %dma_wait3A_1251 = arith.constant 0 : i32
        %dma_wait3A_1252 = tpu.memref_slice %arg4[%select_n3A_1228, %add3A_1247, %dma_wait3A_1251] : memref<50x16384x32xf32, #tpu.memory_space<hbm>> -> memref<1x256x32xf32, #tpu.memory_space<hbm>>
        %dma_wait3A_1253 = tpu.memref_squeeze %dma_wait3A_1252 : memref<1x256x32xf32, #tpu.memory_space<hbm>> -> memref<256x32xf32, #tpu.memory_space<hbm>>
        tpu.wait_dma2 semaphore(%arg32 : memref<!tpu.dma_semaphore, #tpu.memory_space<semaphore_mem>>) src(%arg12 : memref<256x32xf32, #tpu.memory_space<vmem>>) dst(%dma_wait3A_1253 : memref<256x32xf32, #tpu.memory_space<hbm>>)
        %add3A_1254 = arith.constant 10 : i32
        %add3A_1255 = arith.addi %add3A_788, %add3A_1254 : i32
        %jit3A_1256 = arith.constant 2 : i32
        %div3A_1257 = arith.divsi %add3A_1255, %jit3A_1256 : i32
        %sign3A_1258 = arith.constant 0 : i32
        %sign3A_1259 = arith.cmpi sgt, %add3A_1255, %sign3A_1258 : i32
        %sign3A_1260 = arith.extui %sign3A_1259 : i1 to i32
        %sign3A_1261 = arith.constant 0 : i32
        %sign3A_1262 = arith.cmpi slt, %add3A_1255, %sign3A_1261 : i32
        %sign3A_1263 = arith.extui %sign3A_1262 : i1 to i32
        %sign3A_1264 = arith.subi %sign3A_1260, %sign3A_1263 : i32
        %sign3A_1265 = arith.constant 0 : i32
        %sign3A_1266 = arith.cmpi sgt, %jit3A_1256, %sign3A_1265 : i32
        %sign3A_1267 = arith.extui %sign3A_1266 : i1 to i32
        %sign3A_1268 = arith.constant 0 : i32
        %sign3A_1269 = arith.cmpi slt, %jit3A_1256, %sign3A_1268 : i32
        %sign3A_1270 = arith.extui %sign3A_1269 : i1 to i32
        %sign3A_1271 = arith.subi %sign3A_1267, %sign3A_1270 : i32
        %ne3A_1272 = arith.cmpi ne, %sign3A_1264, %sign3A_1271 : i32
        %rem3A_1273 = arith.remsi %add3A_1255, %jit3A_1256 : i32
        %ne3A_1274 = arith.constant 0 : i32
        %ne3A_1275 = arith.cmpi ne, %rem3A_1273, %ne3A_1274 : i32
        %and3A_1276 = arith.andi %ne3A_1272, %ne3A_1275 : i1
        %sub3A_1277 = arith.constant 1 : i32
        %sub3A_1278 = arith.subi %div3A_1257, %sub3A_1277 : i32
        %select_n3A_1279 = arith.select %and3A_1276, %sub3A_1278, %div3A_1257 : i32
        %jit3A_1280 = arith.constant 2 : i32
        %eq3A_1281 = arith.constant 0 : i32
        %eq3A_1282 = arith.cmpi eq, %jit3A_1280, %eq3A_1281 : i32
        %jit3A_1283 = arith.constant 1 : i32
        %select_n3A_1284 = arith.select %eq3A_1282, %jit3A_1283, %jit3A_1280 : i32
        %rem3A_1285 = arith.remsi %add3A_1255, %select_n3A_1284 : i32
        %ne3A_1286 = arith.constant 0 : i32
        %ne3A_1287 = arith.cmpi ne, %rem3A_1285, %ne3A_1286 : i32
        %lt3A_1288 = arith.constant 0 : i32
        %lt3A_1289 = arith.cmpi slt, %rem3A_1285, %lt3A_1288 : i32
        %lt3A_1290 = arith.constant 0 : i32
        %lt3A_1291 = arith.cmpi slt, %select_n3A_1284, %lt3A_1290 : i32
        %ne3A_1292 = arith.xori %lt3A_1289, %lt3A_1291 : i1
        %and3A_1293 = arith.andi %ne3A_1292, %ne3A_1287 : i1
        %add3A_1294 = arith.addi %rem3A_1285, %select_n3A_1284 : i32
        %select_n3A_1295 = arith.select %and3A_1293, %add3A_1294, %rem3A_1285 : i32
        %mul3A_1296 = arith.constant 256 : i32
        %mul3A_1297 = arith.muli %select_n3A_1295, %mul3A_1296 : i32
        %dma_start3A_1298 = tpu.memref_slice %arg5[%select_n3A_1279, %mul3A_1297] : memref<50x512xi32, #tpu.memory_space<vmem>> -> memref<1x256xi32, #tpu.memory_space<vmem>>
        %dma_start3A_1299 = tpu.memref_squeeze %dma_start3A_1298 : memref<1x256xi32, #tpu.memory_space<vmem>> -> memref<256xi32, #tpu.memory_space<vmem>>
        %dma_start3A_1300 = arith.constant 0 : i32
        %dma_start3A_1301 = arith.constant 0 : i32
        %dma_start3A_1302 = tpu.memref_slice %arg2[%dma_start3A_1300, %dma_start3A_1301] : memref<1000000x32xf32, #tpu.memory_space<hbm>> -> memref<1000000x32xf32, #tpu.memory_space<hbm>>
        tpu.enqueue_indirect_dma source(%dma_start3A_1302 : memref<1000000x32xf32, #tpu.memory_space<hbm>>) target(%arg12 : memref<256x32xf32, #tpu.memory_space<vmem>>) offsets(%dma_start3A_1299 : memref<256xi32, #tpu.memory_space<vmem>>) semaphore(%arg22 : memref<!tpu.dma_semaphore, #tpu.memory_space<semaphore_mem>>)
      } else {
      }
      %mul3A_890 = arith.constant 10 : i32
      %mul3A_891 = arith.muli %scan3A_166, %mul3A_890 : i32
      %add3A_892 = arith.constant 7 : i32
      %add3A_893 = arith.addi %mul3A_891, %add3A_892 : i32
      %jit3A_894 = arith.constant 2 : i32
      %div3A_895 = arith.divsi %add3A_893, %jit3A_894 : i32
      %sign3A_896 = arith.constant 0 : i32
      %sign3A_897 = arith.cmpi sgt, %add3A_893, %sign3A_896 : i32
      %sign3A_898 = arith.extui %sign3A_897 : i1 to i32
      %sign3A_899 = arith.constant 0 : i32
      %sign3A_900 = arith.cmpi slt, %add3A_893, %sign3A_899 : i32
      %sign3A_901 = arith.extui %sign3A_900 : i1 to i32
      %sign3A_902 = arith.subi %sign3A_898, %sign3A_901 : i32
      %sign3A_903 = arith.constant 0 : i32
      %sign3A_904 = arith.cmpi sgt, %jit3A_894, %sign3A_903 : i32
      %sign3A_905 = arith.extui %sign3A_904 : i1 to i32
      %sign3A_906 = arith.constant 0 : i32
      %sign3A_907 = arith.cmpi slt, %jit3A_894, %sign3A_906 : i32
      %sign3A_908 = arith.extui %sign3A_907 : i1 to i32
      %sign3A_909 = arith.subi %sign3A_905, %sign3A_908 : i32
      %ne3A_910 = arith.cmpi ne, %sign3A_902, %sign3A_909 : i32
      %rem3A_911 = arith.remsi %add3A_893, %jit3A_894 : i32
      %ne3A_912 = arith.constant 0 : i32
      %ne3A_913 = arith.cmpi ne, %rem3A_911, %ne3A_912 : i32
      %and3A_914 = arith.andi %ne3A_910, %ne3A_913 : i1
      %sub3A_915 = arith.constant 1 : i32
      %sub3A_916 = arith.subi %div3A_895, %sub3A_915 : i32
      %select_n3A_917 = arith.select %and3A_914, %sub3A_916, %div3A_895 : i32
      %jit3A_918 = arith.constant 2 : i32
      %eq3A_919 = arith.constant 0 : i32
      %eq3A_920 = arith.cmpi eq, %jit3A_918, %eq3A_919 : i32
      %jit3A_921 = arith.constant 1 : i32
      %select_n3A_922 = arith.select %eq3A_920, %jit3A_921, %jit3A_918 : i32
      %rem3A_923 = arith.remsi %add3A_893, %select_n3A_922 : i32
      %ne3A_924 = arith.constant 0 : i32
      %ne3A_925 = arith.cmpi ne, %rem3A_923, %ne3A_924 : i32
      %lt3A_926 = arith.constant 0 : i32
      %lt3A_927 = arith.cmpi slt, %rem3A_923, %lt3A_926 : i32
      %lt3A_928 = arith.constant 0 : i32
      %lt3A_929 = arith.cmpi slt, %select_n3A_922, %lt3A_928 : i32
      %ne3A_930 = arith.xori %lt3A_927, %lt3A_929 : i1
      %and3A_931 = arith.andi %ne3A_930, %ne3A_925 : i1
      %add3A_932 = arith.addi %rem3A_923, %select_n3A_922 : i32
      %select_n3A_933 = arith.select %and3A_931, %add3A_932, %rem3A_923 : i32
      %mul3A_934 = arith.constant 256 : i32
      %mul3A_935 = arith.muli %select_n3A_933, %mul3A_934 : i32
      %dma_wait3A_936 = tpu.memref_slice %arg5[%select_n3A_917, %mul3A_935] : memref<50x512xi32, #tpu.memory_space<vmem>> -> memref<1x256xi32, #tpu.memory_space<vmem>>
      %dma_wait3A_937 = tpu.memref_squeeze %dma_wait3A_936 : memref<1x256xi32, #tpu.memory_space<vmem>> -> memref<256xi32, #tpu.memory_space<vmem>>
      %dma_wait3A_938 = arith.constant 0 : i32
      %dma_wait3A_939 = arith.constant 0 : i32
      %dma_wait3A_940 = tpu.memref_slice %arg2[%dma_wait3A_938, %dma_wait3A_939] : memref<1000000x32xf32, #tpu.memory_space<hbm>> -> memref<1000000x32xf32, #tpu.memory_space<hbm>>
      tpu.wait_indirect_dma semaphore(%arg23 : memref<!tpu.dma_semaphore, #tpu.memory_space<semaphore_mem>>) src(%dma_wait3A_940 : memref<1000000x32xf32, #tpu.memory_space<hbm>>) dst(%arg13 : memref<256x32xf32, #tpu.memory_space<vmem>>)
      %jit3A_941 = arith.constant 2 : i32
      %div3A_942 = arith.divsi %add3A_893, %jit3A_941 : i32
      %sign3A_943 = arith.constant 0 : i32
      %sign3A_944 = arith.cmpi sgt, %add3A_893, %sign3A_943 : i32
      %sign3A_945 = arith.extui %sign3A_944 : i1 to i32
      %sign3A_946 = arith.constant 0 : i32
      %sign3A_947 = arith.cmpi slt, %add3A_893, %sign3A_946 : i32
      %sign3A_948 = arith.extui %sign3A_947 : i1 to i32
      %sign3A_949 = arith.subi %sign3A_945, %sign3A_948 : i32
      %sign3A_950 = arith.constant 0 : i32
      %sign3A_951 = arith.cmpi sgt, %jit3A_941, %sign3A_950 : i32
      %sign3A_952 = arith.extui %sign3A_951 : i1 to i32
      %sign3A_953 = arith.constant 0 : i32
      %sign3A_954 = arith.cmpi slt, %jit3A_941, %sign3A_953 : i32
      %sign3A_955 = arith.extui %sign3A_954 : i1 to i32
      %sign3A_956 = arith.subi %sign3A_952, %sign3A_955 : i32
      %ne3A_957 = arith.cmpi ne, %sign3A_949, %sign3A_956 : i32
      %rem3A_958 = arith.remsi %add3A_893, %jit3A_941 : i32
      %ne3A_959 = arith.constant 0 : i32
      %ne3A_960 = arith.cmpi ne, %rem3A_958, %ne3A_959 : i32
      %and3A_961 = arith.andi %ne3A_957, %ne3A_960 : i1
      %sub3A_962 = arith.constant 1 : i32
      %sub3A_963 = arith.subi %div3A_942, %sub3A_962 : i32
      %select_n3A_964 = arith.select %and3A_961, %sub3A_963, %div3A_942 : i32
      %jit3A_965 = arith.constant 2 : i32
      %eq3A_966 = arith.constant 0 : i32
      %eq3A_967 = arith.cmpi eq, %jit3A_965, %eq3A_966 : i32
      %jit3A_968 = arith.constant 1 : i32
      %select_n3A_969 = arith.select %eq3A_967, %jit3A_968, %jit3A_965 : i32
      %rem3A_970 = arith.remsi %add3A_893, %select_n3A_969 : i32
      %ne3A_971 = arith.constant 0 : i32
      %ne3A_972 = arith.cmpi ne, %rem3A_970, %ne3A_971 : i32
      %lt3A_973 = arith.constant 0 : i32
      %lt3A_974 = arith.cmpi slt, %rem3A_970, %lt3A_973 : i32
      %lt3A_975 = arith.constant 0 : i32
      %lt3A_976 = arith.cmpi slt, %select_n3A_969, %lt3A_975 : i32
      %ne3A_977 = arith.xori %lt3A_974, %lt3A_976 : i1
      %and3A_978 = arith.andi %ne3A_977, %ne3A_972 : i1
      %add3A_979 = arith.addi %rem3A_970, %select_n3A_969 : i32
      %select_n3A_980 = arith.select %and3A_978, %add3A_979, %rem3A_970 : i32
      %mul3A_981 = arith.constant 256 : i32
      %mul3A_982 = arith.muli %select_n3A_980, %mul3A_981 : i32
      %add3A_983 = arith.addi %mul3A_2, %mul3A_982 : i32
      %dma_start3A_984 = arith.constant 0 : i32
      %dma_start3A_985 = tpu.memref_slice %arg4[%select_n3A_964, %add3A_983, %dma_start3A_984] : memref<50x16384x32xf32, #tpu.memory_space<hbm>> -> memref<1x256x32xf32, #tpu.memory_space<hbm>>
      %dma_start3A_986 = tpu.memref_squeeze %dma_start3A_985 : memref<1x256x32xf32, #tpu.memory_space<hbm>> -> memref<256x32xf32, #tpu.memory_space<hbm>>
      %dma_start3A_987 = arith.constant 0 : i32
      %dma_start3A_988 = tpu.memref_slice %arg4[%select_n3A_964, %add3A_983, %dma_start3A_987] : memref<50x16384x32xf32, #tpu.memory_space<hbm>> -> memref<1x256x32xf32, #tpu.memory_space<hbm>>
      %dma_start3A_989 = tpu.memref_squeeze %dma_start3A_988 : memref<1x256x32xf32, #tpu.memory_space<hbm>> -> memref<256x32xf32, #tpu.memory_space<hbm>>
      tpu.enqueue_dma source(%arg13 : memref<256x32xf32, #tpu.memory_space<vmem>>) target(%dma_start3A_989 : memref<256x32xf32, #tpu.memory_space<hbm>>) target_semaphore(%arg33 : memref<!tpu.dma_semaphore, #tpu.memory_space<semaphore_mem>>)
      %lt3A_990 = arith.constant 9 : i32
      %lt3A_991 = arith.cmpi slt, %scan3A_166, %lt3A_990 : i32
      %convert_element_type3A_992 = arith.extui %lt3A_991 : i1 to i32
      %cond3A_993 = arith.constant 0 : i32
      %cond3A_994 = arith.cmpi ne, %convert_element_type3A_992, %cond3A_993 : i32
      scf.if %cond3A_994 {
        %jit3A_1205 = arith.constant 2 : i32
        %div3A_1206 = arith.divsi %add3A_893, %jit3A_1205 : i32
        %sign3A_1207 = arith.constant 0 : i32
        %sign3A_1208 = arith.cmpi sgt, %add3A_893, %sign3A_1207 : i32
        %sign3A_1209 = arith.extui %sign3A_1208 : i1 to i32
        %sign3A_1210 = arith.constant 0 : i32
        %sign3A_1211 = arith.cmpi slt, %add3A_893, %sign3A_1210 : i32
        %sign3A_1212 = arith.extui %sign3A_1211 : i1 to i32
        %sign3A_1213 = arith.subi %sign3A_1209, %sign3A_1212 : i32
        %sign3A_1214 = arith.constant 0 : i32
        %sign3A_1215 = arith.cmpi sgt, %jit3A_1205, %sign3A_1214 : i32
        %sign3A_1216 = arith.extui %sign3A_1215 : i1 to i32
        %sign3A_1217 = arith.constant 0 : i32
        %sign3A_1218 = arith.cmpi slt, %jit3A_1205, %sign3A_1217 : i32
        %sign3A_1219 = arith.extui %sign3A_1218 : i1 to i32
        %sign3A_1220 = arith.subi %sign3A_1216, %sign3A_1219 : i32
        %ne3A_1221 = arith.cmpi ne, %sign3A_1213, %sign3A_1220 : i32
        %rem3A_1222 = arith.remsi %add3A_893, %jit3A_1205 : i32
        %ne3A_1223 = arith.constant 0 : i32
        %ne3A_1224 = arith.cmpi ne, %rem3A_1222, %ne3A_1223 : i32
        %and3A_1225 = arith.andi %ne3A_1221, %ne3A_1224 : i1
        %sub3A_1226 = arith.constant 1 : i32
        %sub3A_1227 = arith.subi %div3A_1206, %sub3A_1226 : i32
        %select_n3A_1228 = arith.select %and3A_1225, %sub3A_1227, %div3A_1206 : i32
        %jit3A_1229 = arith.constant 2 : i32
        %eq3A_1230 = arith.constant 0 : i32
        %eq3A_1231 = arith.cmpi eq, %jit3A_1229, %eq3A_1230 : i32
        %jit3A_1232 = arith.constant 1 : i32
        %select_n3A_1233 = arith.select %eq3A_1231, %jit3A_1232, %jit3A_1229 : i32
        %rem3A_1234 = arith.remsi %add3A_893, %select_n3A_1233 : i32
        %ne3A_1235 = arith.constant 0 : i32
        %ne3A_1236 = arith.cmpi ne, %rem3A_1234, %ne3A_1235 : i32
        %lt3A_1237 = arith.constant 0 : i32
        %lt3A_1238 = arith.cmpi slt, %rem3A_1234, %lt3A_1237 : i32
        %lt3A_1239 = arith.constant 0 : i32
        %lt3A_1240 = arith.cmpi slt, %select_n3A_1233, %lt3A_1239 : i32
        %ne3A_1241 = arith.xori %lt3A_1238, %lt3A_1240 : i1
        %and3A_1242 = arith.andi %ne3A_1241, %ne3A_1236 : i1
        %add3A_1243 = arith.addi %rem3A_1234, %select_n3A_1233 : i32
        %select_n3A_1244 = arith.select %and3A_1242, %add3A_1243, %rem3A_1234 : i32
        %mul3A_1245 = arith.constant 256 : i32
        %mul3A_1246 = arith.muli %select_n3A_1244, %mul3A_1245 : i32
        %add3A_1247 = arith.addi %mul3A_2, %mul3A_1246 : i32
        %dma_wait3A_1248 = arith.constant 0 : i32
        %dma_wait3A_1249 = tpu.memref_slice %arg4[%select_n3A_1228, %add3A_1247, %dma_wait3A_1248] : memref<50x16384x32xf32, #tpu.memory_space<hbm>> -> memref<1x256x32xf32, #tpu.memory_space<hbm>>
        %dma_wait3A_1250 = tpu.memref_squeeze %dma_wait3A_1249 : memref<1x256x32xf32, #tpu.memory_space<hbm>> -> memref<256x32xf32, #tpu.memory_space<hbm>>
        %dma_wait3A_1251 = arith.constant 0 : i32
        %dma_wait3A_1252 = tpu.memref_slice %arg4[%select_n3A_1228, %add3A_1247, %dma_wait3A_1251] : memref<50x16384x32xf32, #tpu.memory_space<hbm>> -> memref<1x256x32xf32, #tpu.memory_space<hbm>>
        %dma_wait3A_1253 = tpu.memref_squeeze %dma_wait3A_1252 : memref<1x256x32xf32, #tpu.memory_space<hbm>> -> memref<256x32xf32, #tpu.memory_space<hbm>>
        tpu.wait_dma2 semaphore(%arg33 : memref<!tpu.dma_semaphore, #tpu.memory_space<semaphore_mem>>) src(%arg13 : memref<256x32xf32, #tpu.memory_space<vmem>>) dst(%dma_wait3A_1253 : memref<256x32xf32, #tpu.memory_space<hbm>>)
        %add3A_1254 = arith.constant 10 : i32
        %add3A_1255 = arith.addi %add3A_893, %add3A_1254 : i32
        %jit3A_1256 = arith.constant 2 : i32
        %div3A_1257 = arith.divsi %add3A_1255, %jit3A_1256 : i32
        %sign3A_1258 = arith.constant 0 : i32
        %sign3A_1259 = arith.cmpi sgt, %add3A_1255, %sign3A_1258 : i32
        %sign3A_1260 = arith.extui %sign3A_1259 : i1 to i32
        %sign3A_1261 = arith.constant 0 : i32
        %sign3A_1262 = arith.cmpi slt, %add3A_1255, %sign3A_1261 : i32
        %sign3A_1263 = arith.extui %sign3A_1262 : i1 to i32
        %sign3A_1264 = arith.subi %sign3A_1260, %sign3A_1263 : i32
        %sign3A_1265 = arith.constant 0 : i32
        %sign3A_1266 = arith.cmpi sgt, %jit3A_1256, %sign3A_1265 : i32
        %sign3A_1267 = arith.extui %sign3A_1266 : i1 to i32
        %sign3A_1268 = arith.constant 0 : i32
        %sign3A_1269 = arith.cmpi slt, %jit3A_1256, %sign3A_1268 : i32
        %sign3A_1270 = arith.extui %sign3A_1269 : i1 to i32
        %sign3A_1271 = arith.subi %sign3A_1267, %sign3A_1270 : i32
        %ne3A_1272 = arith.cmpi ne, %sign3A_1264, %sign3A_1271 : i32
        %rem3A_1273 = arith.remsi %add3A_1255, %jit3A_1256 : i32
        %ne3A_1274 = arith.constant 0 : i32
        %ne3A_1275 = arith.cmpi ne, %rem3A_1273, %ne3A_1274 : i32
        %and3A_1276 = arith.andi %ne3A_1272, %ne3A_1275 : i1
        %sub3A_1277 = arith.constant 1 : i32
        %sub3A_1278 = arith.subi %div3A_1257, %sub3A_1277 : i32
        %select_n3A_1279 = arith.select %and3A_1276, %sub3A_1278, %div3A_1257 : i32
        %jit3A_1280 = arith.constant 2 : i32
        %eq3A_1281 = arith.constant 0 : i32
        %eq3A_1282 = arith.cmpi eq, %jit3A_1280, %eq3A_1281 : i32
        %jit3A_1283 = arith.constant 1 : i32
        %select_n3A_1284 = arith.select %eq3A_1282, %jit3A_1283, %jit3A_1280 : i32
        %rem3A_1285 = arith.remsi %add3A_1255, %select_n3A_1284 : i32
        %ne3A_1286 = arith.constant 0 : i32
        %ne3A_1287 = arith.cmpi ne, %rem3A_1285, %ne3A_1286 : i32
        %lt3A_1288 = arith.constant 0 : i32
        %lt3A_1289 = arith.cmpi slt, %rem3A_1285, %lt3A_1288 : i32
        %lt3A_1290 = arith.constant 0 : i32
        %lt3A_1291 = arith.cmpi slt, %select_n3A_1284, %lt3A_1290 : i32
        %ne3A_1292 = arith.xori %lt3A_1289, %lt3A_1291 : i1
        %and3A_1293 = arith.andi %ne3A_1292, %ne3A_1287 : i1
        %add3A_1294 = arith.addi %rem3A_1285, %select_n3A_1284 : i32
        %select_n3A_1295 = arith.select %and3A_1293, %add3A_1294, %rem3A_1285 : i32
        %mul3A_1296 = arith.constant 256 : i32
        %mul3A_1297 = arith.muli %select_n3A_1295, %mul3A_1296 : i32
        %dma_start3A_1298 = tpu.memref_slice %arg5[%select_n3A_1279, %mul3A_1297] : memref<50x512xi32, #tpu.memory_space<vmem>> -> memref<1x256xi32, #tpu.memory_space<vmem>>
        %dma_start3A_1299 = tpu.memref_squeeze %dma_start3A_1298 : memref<1x256xi32, #tpu.memory_space<vmem>> -> memref<256xi32, #tpu.memory_space<vmem>>
        %dma_start3A_1300 = arith.constant 0 : i32
        %dma_start3A_1301 = arith.constant 0 : i32
        %dma_start3A_1302 = tpu.memref_slice %arg2[%dma_start3A_1300, %dma_start3A_1301] : memref<1000000x32xf32, #tpu.memory_space<hbm>> -> memref<1000000x32xf32, #tpu.memory_space<hbm>>
        tpu.enqueue_indirect_dma source(%dma_start3A_1302 : memref<1000000x32xf32, #tpu.memory_space<hbm>>) target(%arg13 : memref<256x32xf32, #tpu.memory_space<vmem>>) offsets(%dma_start3A_1299 : memref<256xi32, #tpu.memory_space<vmem>>) semaphore(%arg23 : memref<!tpu.dma_semaphore, #tpu.memory_space<semaphore_mem>>)
      } else {
      }
      %mul3A_995 = arith.constant 10 : i32
      %mul3A_996 = arith.muli %scan3A_166, %mul3A_995 : i32
      %add3A_997 = arith.constant 8 : i32
      %add3A_998 = arith.addi %mul3A_996, %add3A_997 : i32
      %jit3A_999 = arith.constant 2 : i32
      %div3A_1000 = arith.divsi %add3A_998, %jit3A_999 : i32
      %sign3A_1001 = arith.constant 0 : i32
      %sign3A_1002 = arith.cmpi sgt, %add3A_998, %sign3A_1001 : i32
      %sign3A_1003 = arith.extui %sign3A_1002 : i1 to i32
      %sign3A_1004 = arith.constant 0 : i32
      %sign3A_1005 = arith.cmpi slt, %add3A_998, %sign3A_1004 : i32
      %sign3A_1006 = arith.extui %sign3A_1005 : i1 to i32
      %sign3A_1007 = arith.subi %sign3A_1003, %sign3A_1006 : i32
      %sign3A_1008 = arith.constant 0 : i32
      %sign3A_1009 = arith.cmpi sgt, %jit3A_999, %sign3A_1008 : i32
      %sign3A_1010 = arith.extui %sign3A_1009 : i1 to i32
      %sign3A_1011 = arith.constant 0 : i32
      %sign3A_1012 = arith.cmpi slt, %jit3A_999, %sign3A_1011 : i32
      %sign3A_1013 = arith.extui %sign3A_1012 : i1 to i32
      %sign3A_1014 = arith.subi %sign3A_1010, %sign3A_1013 : i32
      %ne3A_1015 = arith.cmpi ne, %sign3A_1007, %sign3A_1014 : i32
      %rem3A_1016 = arith.remsi %add3A_998, %jit3A_999 : i32
      %ne3A_1017 = arith.constant 0 : i32
      %ne3A_1018 = arith.cmpi ne, %rem3A_1016, %ne3A_1017 : i32
      %and3A_1019 = arith.andi %ne3A_1015, %ne3A_1018 : i1
      %sub3A_1020 = arith.constant 1 : i32
      %sub3A_1021 = arith.subi %div3A_1000, %sub3A_1020 : i32
      %select_n3A_1022 = arith.select %and3A_1019, %sub3A_1021, %div3A_1000 : i32
      %jit3A_1023 = arith.constant 2 : i32
      %eq3A_1024 = arith.constant 0 : i32
      %eq3A_1025 = arith.cmpi eq, %jit3A_1023, %eq3A_1024 : i32
      %jit3A_1026 = arith.constant 1 : i32
      %select_n3A_1027 = arith.select %eq3A_1025, %jit3A_1026, %jit3A_1023 : i32
      %rem3A_1028 = arith.remsi %add3A_998, %select_n3A_1027 : i32
      %ne3A_1029 = arith.constant 0 : i32
      %ne3A_1030 = arith.cmpi ne, %rem3A_1028, %ne3A_1029 : i32
      %lt3A_1031 = arith.constant 0 : i32
      %lt3A_1032 = arith.cmpi slt, %rem3A_1028, %lt3A_1031 : i32
      %lt3A_1033 = arith.constant 0 : i32
      %lt3A_1034 = arith.cmpi slt, %select_n3A_1027, %lt3A_1033 : i32
      %ne3A_1035 = arith.xori %lt3A_1032, %lt3A_1034 : i1
      %and3A_1036 = arith.andi %ne3A_1035, %ne3A_1030 : i1
      %add3A_1037 = arith.addi %rem3A_1028, %select_n3A_1027 : i32
      %select_n3A_1038 = arith.select %and3A_1036, %add3A_1037, %rem3A_1028 : i32
      %mul3A_1039 = arith.constant 256 : i32
      %mul3A_1040 = arith.muli %select_n3A_1038, %mul3A_1039 : i32
      %dma_wait3A_1041 = tpu.memref_slice %arg5[%select_n3A_1022, %mul3A_1040] : memref<50x512xi32, #tpu.memory_space<vmem>> -> memref<1x256xi32, #tpu.memory_space<vmem>>
      %dma_wait3A_1042 = tpu.memref_squeeze %dma_wait3A_1041 : memref<1x256xi32, #tpu.memory_space<vmem>> -> memref<256xi32, #tpu.memory_space<vmem>>
      %dma_wait3A_1043 = arith.constant 0 : i32
      %dma_wait3A_1044 = arith.constant 0 : i32
      %dma_wait3A_1045 = tpu.memref_slice %arg2[%dma_wait3A_1043, %dma_wait3A_1044] : memref<1000000x32xf32, #tpu.memory_space<hbm>> -> memref<1000000x32xf32, #tpu.memory_space<hbm>>
      tpu.wait_indirect_dma semaphore(%arg24 : memref<!tpu.dma_semaphore, #tpu.memory_space<semaphore_mem>>) src(%dma_wait3A_1045 : memref<1000000x32xf32, #tpu.memory_space<hbm>>) dst(%arg14 : memref<256x32xf32, #tpu.memory_space<vmem>>)
      %jit3A_1046 = arith.constant 2 : i32
      %div3A_1047 = arith.divsi %add3A_998, %jit3A_1046 : i32
      %sign3A_1048 = arith.constant 0 : i32
      %sign3A_1049 = arith.cmpi sgt, %add3A_998, %sign3A_1048 : i32
      %sign3A_1050 = arith.extui %sign3A_1049 : i1 to i32
      %sign3A_1051 = arith.constant 0 : i32
      %sign3A_1052 = arith.cmpi slt, %add3A_998, %sign3A_1051 : i32
      %sign3A_1053 = arith.extui %sign3A_1052 : i1 to i32
      %sign3A_1054 = arith.subi %sign3A_1050, %sign3A_1053 : i32
      %sign3A_1055 = arith.constant 0 : i32
      %sign3A_1056 = arith.cmpi sgt, %jit3A_1046, %sign3A_1055 : i32
      %sign3A_1057 = arith.extui %sign3A_1056 : i1 to i32
      %sign3A_1058 = arith.constant 0 : i32
      %sign3A_1059 = arith.cmpi slt, %jit3A_1046, %sign3A_1058 : i32
      %sign3A_1060 = arith.extui %sign3A_1059 : i1 to i32
      %sign3A_1061 = arith.subi %sign3A_1057, %sign3A_1060 : i32
      %ne3A_1062 = arith.cmpi ne, %sign3A_1054, %sign3A_1061 : i32
      %rem3A_1063 = arith.remsi %add3A_998, %jit3A_1046 : i32
      %ne3A_1064 = arith.constant 0 : i32
      %ne3A_1065 = arith.cmpi ne, %rem3A_1063, %ne3A_1064 : i32
      %and3A_1066 = arith.andi %ne3A_1062, %ne3A_1065 : i1
      %sub3A_1067 = arith.constant 1 : i32
      %sub3A_1068 = arith.subi %div3A_1047, %sub3A_1067 : i32
      %select_n3A_1069 = arith.select %and3A_1066, %sub3A_1068, %div3A_1047 : i32
      %jit3A_1070 = arith.constant 2 : i32
      %eq3A_1071 = arith.constant 0 : i32
      %eq3A_1072 = arith.cmpi eq, %jit3A_1070, %eq3A_1071 : i32
      %jit3A_1073 = arith.constant 1 : i32
      %select_n3A_1074 = arith.select %eq3A_1072, %jit3A_1073, %jit3A_1070 : i32
      %rem3A_1075 = arith.remsi %add3A_998, %select_n3A_1074 : i32
      %ne3A_1076 = arith.constant 0 : i32
      %ne3A_1077 = arith.cmpi ne, %rem3A_1075, %ne3A_1076 : i32
      %lt3A_1078 = arith.constant 0 : i32
      %lt3A_1079 = arith.cmpi slt, %rem3A_1075, %lt3A_1078 : i32
      %lt3A_1080 = arith.constant 0 : i32
      %lt3A_1081 = arith.cmpi slt, %select_n3A_1074, %lt3A_1080 : i32
      %ne3A_1082 = arith.xori %lt3A_1079, %lt3A_1081 : i1
      %and3A_1083 = arith.andi %ne3A_1082, %ne3A_1077 : i1
      %add3A_1084 = arith.addi %rem3A_1075, %select_n3A_1074 : i32
      %select_n3A_1085 = arith.select %and3A_1083, %add3A_1084, %rem3A_1075 : i32
      %mul3A_1086 = arith.constant 256 : i32
      %mul3A_1087 = arith.muli %select_n3A_1085, %mul3A_1086 : i32
      %add3A_1088 = arith.addi %mul3A_2, %mul3A_1087 : i32
      %dma_start3A_1089 = arith.constant 0 : i32
      %dma_start3A_1090 = tpu.memref_slice %arg4[%select_n3A_1069, %add3A_1088, %dma_start3A_1089] : memref<50x16384x32xf32, #tpu.memory_space<hbm>> -> memref<1x256x32xf32, #tpu.memory_space<hbm>>
      %dma_start3A_1091 = tpu.memref_squeeze %dma_start3A_1090 : memref<1x256x32xf32, #tpu.memory_space<hbm>> -> memref<256x32xf32, #tpu.memory_space<hbm>>
      %dma_start3A_1092 = arith.constant 0 : i32
      %dma_start3A_1093 = tpu.memref_slice %arg4[%select_n3A_1069, %add3A_1088, %dma_start3A_1092] : memref<50x16384x32xf32, #tpu.memory_space<hbm>> -> memref<1x256x32xf32, #tpu.memory_space<hbm>>
      %dma_start3A_1094 = tpu.memref_squeeze %dma_start3A_1093 : memref<1x256x32xf32, #tpu.memory_space<hbm>> -> memref<256x32xf32, #tpu.memory_space<hbm>>
      tpu.enqueue_dma source(%arg14 : memref<256x32xf32, #tpu.memory_space<vmem>>) target(%dma_start3A_1094 : memref<256x32xf32, #tpu.memory_space<hbm>>) target_semaphore(%arg34 : memref<!tpu.dma_semaphore, #tpu.memory_space<semaphore_mem>>)
      %lt3A_1095 = arith.constant 9 : i32
      %lt3A_1096 = arith.cmpi slt, %scan3A_166, %lt3A_1095 : i32
      %convert_element_type3A_1097 = arith.extui %lt3A_1096 : i1 to i32
      %cond3A_1098 = arith.constant 0 : i32
      %cond3A_1099 = arith.cmpi ne, %convert_element_type3A_1097, %cond3A_1098 : i32
      scf.if %cond3A_1099 {
        %jit3A_1205 = arith.constant 2 : i32
        %div3A_1206 = arith.divsi %add3A_998, %jit3A_1205 : i32
        %sign3A_1207 = arith.constant 0 : i32
        %sign3A_1208 = arith.cmpi sgt, %add3A_998, %sign3A_1207 : i32
        %sign3A_1209 = arith.extui %sign3A_1208 : i1 to i32
        %sign3A_1210 = arith.constant 0 : i32
        %sign3A_1211 = arith.cmpi slt, %add3A_998, %sign3A_1210 : i32
        %sign3A_1212 = arith.extui %sign3A_1211 : i1 to i32
        %sign3A_1213 = arith.subi %sign3A_1209, %sign3A_1212 : i32
        %sign3A_1214 = arith.constant 0 : i32
        %sign3A_1215 = arith.cmpi sgt, %jit3A_1205, %sign3A_1214 : i32
        %sign3A_1216 = arith.extui %sign3A_1215 : i1 to i32
        %sign3A_1217 = arith.constant 0 : i32
        %sign3A_1218 = arith.cmpi slt, %jit3A_1205, %sign3A_1217 : i32
        %sign3A_1219 = arith.extui %sign3A_1218 : i1 to i32
        %sign3A_1220 = arith.subi %sign3A_1216, %sign3A_1219 : i32
        %ne3A_1221 = arith.cmpi ne, %sign3A_1213, %sign3A_1220 : i32
        %rem3A_1222 = arith.remsi %add3A_998, %jit3A_1205 : i32
        %ne3A_1223 = arith.constant 0 : i32
        %ne3A_1224 = arith.cmpi ne, %rem3A_1222, %ne3A_1223 : i32
        %and3A_1225 = arith.andi %ne3A_1221, %ne3A_1224 : i1
        %sub3A_1226 = arith.constant 1 : i32
        %sub3A_1227 = arith.subi %div3A_1206, %sub3A_1226 : i32
        %select_n3A_1228 = arith.select %and3A_1225, %sub3A_1227, %div3A_1206 : i32
        %jit3A_1229 = arith.constant 2 : i32
        %eq3A_1230 = arith.constant 0 : i32
        %eq3A_1231 = arith.cmpi eq, %jit3A_1229, %eq3A_1230 : i32
        %jit3A_1232 = arith.constant 1 : i32
        %select_n3A_1233 = arith.select %eq3A_1231, %jit3A_1232, %jit3A_1229 : i32
        %rem3A_1234 = arith.remsi %add3A_998, %select_n3A_1233 : i32
        %ne3A_1235 = arith.constant 0 : i32
        %ne3A_1236 = arith.cmpi ne, %rem3A_1234, %ne3A_1235 : i32
        %lt3A_1237 = arith.constant 0 : i32
        %lt3A_1238 = arith.cmpi slt, %rem3A_1234, %lt3A_1237 : i32
        %lt3A_1239 = arith.constant 0 : i32
        %lt3A_1240 = arith.cmpi slt, %select_n3A_1233, %lt3A_1239 : i32
        %ne3A_1241 = arith.xori %lt3A_1238, %lt3A_1240 : i1
        %and3A_1242 = arith.andi %ne3A_1241, %ne3A_1236 : i1
        %add3A_1243 = arith.addi %rem3A_1234, %select_n3A_1233 : i32
        %select_n3A_1244 = arith.select %and3A_1242, %add3A_1243, %rem3A_1234 : i32
        %mul3A_1245 = arith.constant 256 : i32
        %mul3A_1246 = arith.muli %select_n3A_1244, %mul3A_1245 : i32
        %add3A_1247 = arith.addi %mul3A_2, %mul3A_1246 : i32
        %dma_wait3A_1248 = arith.constant 0 : i32
        %dma_wait3A_1249 = tpu.memref_slice %arg4[%select_n3A_1228, %add3A_1247, %dma_wait3A_1248] : memref<50x16384x32xf32, #tpu.memory_space<hbm>> -> memref<1x256x32xf32, #tpu.memory_space<hbm>>
        %dma_wait3A_1250 = tpu.memref_squeeze %dma_wait3A_1249 : memref<1x256x32xf32, #tpu.memory_space<hbm>> -> memref<256x32xf32, #tpu.memory_space<hbm>>
        %dma_wait3A_1251 = arith.constant 0 : i32
        %dma_wait3A_1252 = tpu.memref_slice %arg4[%select_n3A_1228, %add3A_1247, %dma_wait3A_1251] : memref<50x16384x32xf32, #tpu.memory_space<hbm>> -> memref<1x256x32xf32, #tpu.memory_space<hbm>>
        %dma_wait3A_1253 = tpu.memref_squeeze %dma_wait3A_1252 : memref<1x256x32xf32, #tpu.memory_space<hbm>> -> memref<256x32xf32, #tpu.memory_space<hbm>>
        tpu.wait_dma2 semaphore(%arg34 : memref<!tpu.dma_semaphore, #tpu.memory_space<semaphore_mem>>) src(%arg14 : memref<256x32xf32, #tpu.memory_space<vmem>>) dst(%dma_wait3A_1253 : memref<256x32xf32, #tpu.memory_space<hbm>>)
        %add3A_1254 = arith.constant 10 : i32
        %add3A_1255 = arith.addi %add3A_998, %add3A_1254 : i32
        %jit3A_1256 = arith.constant 2 : i32
        %div3A_1257 = arith.divsi %add3A_1255, %jit3A_1256 : i32
        %sign3A_1258 = arith.constant 0 : i32
        %sign3A_1259 = arith.cmpi sgt, %add3A_1255, %sign3A_1258 : i32
        %sign3A_1260 = arith.extui %sign3A_1259 : i1 to i32
        %sign3A_1261 = arith.constant 0 : i32
        %sign3A_1262 = arith.cmpi slt, %add3A_1255, %sign3A_1261 : i32
        %sign3A_1263 = arith.extui %sign3A_1262 : i1 to i32
        %sign3A_1264 = arith.subi %sign3A_1260, %sign3A_1263 : i32
        %sign3A_1265 = arith.constant 0 : i32
        %sign3A_1266 = arith.cmpi sgt, %jit3A_1256, %sign3A_1265 : i32
        %sign3A_1267 = arith.extui %sign3A_1266 : i1 to i32
        %sign3A_1268 = arith.constant 0 : i32
        %sign3A_1269 = arith.cmpi slt, %jit3A_1256, %sign3A_1268 : i32
        %sign3A_1270 = arith.extui %sign3A_1269 : i1 to i32
        %sign3A_1271 = arith.subi %sign3A_1267, %sign3A_1270 : i32
        %ne3A_1272 = arith.cmpi ne, %sign3A_1264, %sign3A_1271 : i32
        %rem3A_1273 = arith.remsi %add3A_1255, %jit3A_1256 : i32
        %ne3A_1274 = arith.constant 0 : i32
        %ne3A_1275 = arith.cmpi ne, %rem3A_1273, %ne3A_1274 : i32
        %and3A_1276 = arith.andi %ne3A_1272, %ne3A_1275 : i1
        %sub3A_1277 = arith.constant 1 : i32
        %sub3A_1278 = arith.subi %div3A_1257, %sub3A_1277 : i32
        %select_n3A_1279 = arith.select %and3A_1276, %sub3A_1278, %div3A_1257 : i32
        %jit3A_1280 = arith.constant 2 : i32
        %eq3A_1281 = arith.constant 0 : i32
        %eq3A_1282 = arith.cmpi eq, %jit3A_1280, %eq3A_1281 : i32
        %jit3A_1283 = arith.constant 1 : i32
        %select_n3A_1284 = arith.select %eq3A_1282, %jit3A_1283, %jit3A_1280 : i32
        %rem3A_1285 = arith.remsi %add3A_1255, %select_n3A_1284 : i32
        %ne3A_1286 = arith.constant 0 : i32
        %ne3A_1287 = arith.cmpi ne, %rem3A_1285, %ne3A_1286 : i32
        %lt3A_1288 = arith.constant 0 : i32
        %lt3A_1289 = arith.cmpi slt, %rem3A_1285, %lt3A_1288 : i32
        %lt3A_1290 = arith.constant 0 : i32
        %lt3A_1291 = arith.cmpi slt, %select_n3A_1284, %lt3A_1290 : i32
        %ne3A_1292 = arith.xori %lt3A_1289, %lt3A_1291 : i1
        %and3A_1293 = arith.andi %ne3A_1292, %ne3A_1287 : i1
        %add3A_1294 = arith.addi %rem3A_1285, %select_n3A_1284 : i32
        %select_n3A_1295 = arith.select %and3A_1293, %add3A_1294, %rem3A_1285 : i32
        %mul3A_1296 = arith.constant 256 : i32
        %mul3A_1297 = arith.muli %select_n3A_1295, %mul3A_1296 : i32
        %dma_start3A_1298 = tpu.memref_slice %arg5[%select_n3A_1279, %mul3A_1297] : memref<50x512xi32, #tpu.memory_space<vmem>> -> memref<1x256xi32, #tpu.memory_space<vmem>>
        %dma_start3A_1299 = tpu.memref_squeeze %dma_start3A_1298 : memref<1x256xi32, #tpu.memory_space<vmem>> -> memref<256xi32, #tpu.memory_space<vmem>>
        %dma_start3A_1300 = arith.constant 0 : i32
        %dma_start3A_1301 = arith.constant 0 : i32
        %dma_start3A_1302 = tpu.memref_slice %arg2[%dma_start3A_1300, %dma_start3A_1301] : memref<1000000x32xf32, #tpu.memory_space<hbm>> -> memref<1000000x32xf32, #tpu.memory_space<hbm>>
        tpu.enqueue_indirect_dma source(%dma_start3A_1302 : memref<1000000x32xf32, #tpu.memory_space<hbm>>) target(%arg14 : memref<256x32xf32, #tpu.memory_space<vmem>>) offsets(%dma_start3A_1299 : memref<256xi32, #tpu.memory_space<vmem>>) semaphore(%arg24 : memref<!tpu.dma_semaphore, #tpu.memory_space<semaphore_mem>>)
      } else {
      }
      %mul3A_1100 = arith.constant 10 : i32
      %mul3A_1101 = arith.muli %scan3A_166, %mul3A_1100 : i32
      %add3A_1102 = arith.constant 9 : i32
      %add3A_1103 = arith.addi %mul3A_1101, %add3A_1102 : i32
      %jit3A_1104 = arith.constant 2 : i32
      %div3A_1105 = arith.divsi %add3A_1103, %jit3A_1104 : i32
      %sign3A_1106 = arith.constant 0 : i32
      %sign3A_1107 = arith.cmpi sgt, %add3A_1103, %sign3A_1106 : i32
      %sign3A_1108 = arith.extui %sign3A_1107 : i1 to i32
      %sign3A_1109 = arith.constant 0 : i32
      %sign3A_1110 = arith.cmpi slt, %add3A_1103, %sign3A_1109 : i32
      %sign3A_1111 = arith.extui %sign3A_1110 : i1 to i32
      %sign3A_1112 = arith.subi %sign3A_1108, %sign3A_1111 : i32
      %sign3A_1113 = arith.constant 0 : i32
      %sign3A_1114 = arith.cmpi sgt, %jit3A_1104, %sign3A_1113 : i32
      %sign3A_1115 = arith.extui %sign3A_1114 : i1 to i32
      %sign3A_1116 = arith.constant 0 : i32
      %sign3A_1117 = arith.cmpi slt, %jit3A_1104, %sign3A_1116 : i32
      %sign3A_1118 = arith.extui %sign3A_1117 : i1 to i32
      %sign3A_1119 = arith.subi %sign3A_1115, %sign3A_1118 : i32
      %ne3A_1120 = arith.cmpi ne, %sign3A_1112, %sign3A_1119 : i32
      %rem3A_1121 = arith.remsi %add3A_1103, %jit3A_1104 : i32
      %ne3A_1122 = arith.constant 0 : i32
      %ne3A_1123 = arith.cmpi ne, %rem3A_1121, %ne3A_1122 : i32
      %and3A_1124 = arith.andi %ne3A_1120, %ne3A_1123 : i1
      %sub3A_1125 = arith.constant 1 : i32
      %sub3A_1126 = arith.subi %div3A_1105, %sub3A_1125 : i32
      %select_n3A_1127 = arith.select %and3A_1124, %sub3A_1126, %div3A_1105 : i32
      %jit3A_1128 = arith.constant 2 : i32
      %eq3A_1129 = arith.constant 0 : i32
      %eq3A_1130 = arith.cmpi eq, %jit3A_1128, %eq3A_1129 : i32
      %jit3A_1131 = arith.constant 1 : i32
      %select_n3A_1132 = arith.select %eq3A_1130, %jit3A_1131, %jit3A_1128 : i32
      %rem3A_1133 = arith.remsi %add3A_1103, %select_n3A_1132 : i32
      %ne3A_1134 = arith.constant 0 : i32
      %ne3A_1135 = arith.cmpi ne, %rem3A_1133, %ne3A_1134 : i32
      %lt3A_1136 = arith.constant 0 : i32
      %lt3A_1137 = arith.cmpi slt, %rem3A_1133, %lt3A_1136 : i32
      %lt3A_1138 = arith.constant 0 : i32
      %lt3A_1139 = arith.cmpi slt, %select_n3A_1132, %lt3A_1138 : i32
      %ne3A_1140 = arith.xori %lt3A_1137, %lt3A_1139 : i1
      %and3A_1141 = arith.andi %ne3A_1140, %ne3A_1135 : i1
      %add3A_1142 = arith.addi %rem3A_1133, %select_n3A_1132 : i32
      %select_n3A_1143 = arith.select %and3A_1141, %add3A_1142, %rem3A_1133 : i32
      %mul3A_1144 = arith.constant 256 : i32
      %mul3A_1145 = arith.muli %select_n3A_1143, %mul3A_1144 : i32
      %dma_wait3A_1146 = tpu.memref_slice %arg5[%select_n3A_1127, %mul3A_1145] : memref<50x512xi32, #tpu.memory_space<vmem>> -> memref<1x256xi32, #tpu.memory_space<vmem>>
      %dma_wait3A_1147 = tpu.memref_squeeze %dma_wait3A_1146 : memref<1x256xi32, #tpu.memory_space<vmem>> -> memref<256xi32, #tpu.memory_space<vmem>>
      %dma_wait3A_1148 = arith.constant 0 : i32
      %dma_wait3A_1149 = arith.constant 0 : i32
      %dma_wait3A_1150 = tpu.memref_slice %arg2[%dma_wait3A_1148, %dma_wait3A_1149] : memref<1000000x32xf32, #tpu.memory_space<hbm>> -> memref<1000000x32xf32, #tpu.memory_space<hbm>>
      tpu.wait_indirect_dma semaphore(%arg25 : memref<!tpu.dma_semaphore, #tpu.memory_space<semaphore_mem>>) src(%dma_wait3A_1150 : memref<1000000x32xf32, #tpu.memory_space<hbm>>) dst(%arg15 : memref<256x32xf32, #tpu.memory_space<vmem>>)
      %jit3A_1151 = arith.constant 2 : i32
      %div3A_1152 = arith.divsi %add3A_1103, %jit3A_1151 : i32
      %sign3A_1153 = arith.constant 0 : i32
      %sign3A_1154 = arith.cmpi sgt, %add3A_1103, %sign3A_1153 : i32
      %sign3A_1155 = arith.extui %sign3A_1154 : i1 to i32
      %sign3A_1156 = arith.constant 0 : i32
      %sign3A_1157 = arith.cmpi slt, %add3A_1103, %sign3A_1156 : i32
      %sign3A_1158 = arith.extui %sign3A_1157 : i1 to i32
      %sign3A_1159 = arith.subi %sign3A_1155, %sign3A_1158 : i32
      %sign3A_1160 = arith.constant 0 : i32
      %sign3A_1161 = arith.cmpi sgt, %jit3A_1151, %sign3A_1160 : i32
      %sign3A_1162 = arith.extui %sign3A_1161 : i1 to i32
      %sign3A_1163 = arith.constant 0 : i32
      %sign3A_1164 = arith.cmpi slt, %jit3A_1151, %sign3A_1163 : i32
      %sign3A_1165 = arith.extui %sign3A_1164 : i1 to i32
      %sign3A_1166 = arith.subi %sign3A_1162, %sign3A_1165 : i32
      %ne3A_1167 = arith.cmpi ne, %sign3A_1159, %sign3A_1166 : i32
      %rem3A_1168 = arith.remsi %add3A_1103, %jit3A_1151 : i32
      %ne3A_1169 = arith.constant 0 : i32
      %ne3A_1170 = arith.cmpi ne, %rem3A_1168, %ne3A_1169 : i32
      %and3A_1171 = arith.andi %ne3A_1167, %ne3A_1170 : i1
      %sub3A_1172 = arith.constant 1 : i32
      %sub3A_1173 = arith.subi %div3A_1152, %sub3A_1172 : i32
      %select_n3A_1174 = arith.select %and3A_1171, %sub3A_1173, %div3A_1152 : i32
      %jit3A_1175 = arith.constant 2 : i32
      %eq3A_1176 = arith.constant 0 : i32
      %eq3A_1177 = arith.cmpi eq, %jit3A_1175, %eq3A_1176 : i32
      %jit3A_1178 = arith.constant 1 : i32
      %select_n3A_1179 = arith.select %eq3A_1177, %jit3A_1178, %jit3A_1175 : i32
      %rem3A_1180 = arith.remsi %add3A_1103, %select_n3A_1179 : i32
      %ne3A_1181 = arith.constant 0 : i32
      %ne3A_1182 = arith.cmpi ne, %rem3A_1180, %ne3A_1181 : i32
      %lt3A_1183 = arith.constant 0 : i32
      %lt3A_1184 = arith.cmpi slt, %rem3A_1180, %lt3A_1183 : i32
      %lt3A_1185 = arith.constant 0 : i32
      %lt3A_1186 = arith.cmpi slt, %select_n3A_1179, %lt3A_1185 : i32
      %ne3A_1187 = arith.xori %lt3A_1184, %lt3A_1186 : i1
      %and3A_1188 = arith.andi %ne3A_1187, %ne3A_1182 : i1
      %add3A_1189 = arith.addi %rem3A_1180, %select_n3A_1179 : i32
      %select_n3A_1190 = arith.select %and3A_1188, %add3A_1189, %rem3A_1180 : i32
      %mul3A_1191 = arith.constant 256 : i32
      %mul3A_1192 = arith.muli %select_n3A_1190, %mul3A_1191 : i32
      %add3A_1193 = arith.addi %mul3A_2, %mul3A_1192 : i32
      %dma_start3A_1194 = arith.constant 0 : i32
      %dma_start3A_1195 = tpu.memref_slice %arg4[%select_n3A_1174, %add3A_1193, %dma_start3A_1194] : memref<50x16384x32xf32, #tpu.memory_space<hbm>> -> memref<1x256x32xf32, #tpu.memory_space<hbm>>
      %dma_start3A_1196 = tpu.memref_squeeze %dma_start3A_1195 : memref<1x256x32xf32, #tpu.memory_space<hbm>> -> memref<256x32xf32, #tpu.memory_space<hbm>>
      %dma_start3A_1197 = arith.constant 0 : i32
      %dma_start3A_1198 = tpu.memref_slice %arg4[%select_n3A_1174, %add3A_1193, %dma_start3A_1197] : memref<50x16384x32xf32, #tpu.memory_space<hbm>> -> memref<1x256x32xf32, #tpu.memory_space<hbm>>
      %dma_start3A_1199 = tpu.memref_squeeze %dma_start3A_1198 : memref<1x256x32xf32, #tpu.memory_space<hbm>> -> memref<256x32xf32, #tpu.memory_space<hbm>>
      tpu.enqueue_dma source(%arg15 : memref<256x32xf32, #tpu.memory_space<vmem>>) target(%dma_start3A_1199 : memref<256x32xf32, #tpu.memory_space<hbm>>) target_semaphore(%arg35 : memref<!tpu.dma_semaphore, #tpu.memory_space<semaphore_mem>>)
      %lt3A_1200 = arith.constant 9 : i32
      %lt3A_1201 = arith.cmpi slt, %scan3A_166, %lt3A_1200 : i32
      %convert_element_type3A_1202 = arith.extui %lt3A_1201 : i1 to i32
      %cond3A_1203 = arith.constant 0 : i32
      %cond3A_1204 = arith.cmpi ne, %convert_element_type3A_1202, %cond3A_1203 : i32
      scf.if %cond3A_1204 {
        %jit3A_1205 = arith.constant 2 : i32
        %div3A_1206 = arith.divsi %add3A_1103, %jit3A_1205 : i32
        %sign3A_1207 = arith.constant 0 : i32
        %sign3A_1208 = arith.cmpi sgt, %add3A_1103, %sign3A_1207 : i32
        %sign3A_1209 = arith.extui %sign3A_1208 : i1 to i32
        %sign3A_1210 = arith.constant 0 : i32
        %sign3A_1211 = arith.cmpi slt, %add3A_1103, %sign3A_1210 : i32
        %sign3A_1212 = arith.extui %sign3A_1211 : i1 to i32
        %sign3A_1213 = arith.subi %sign3A_1209, %sign3A_1212 : i32
        %sign3A_1214 = arith.constant 0 : i32
        %sign3A_1215 = arith.cmpi sgt, %jit3A_1205, %sign3A_1214 : i32
        %sign3A_1216 = arith.extui %sign3A_1215 : i1 to i32
        %sign3A_1217 = arith.constant 0 : i32
        %sign3A_1218 = arith.cmpi slt, %jit3A_1205, %sign3A_1217 : i32
        %sign3A_1219 = arith.extui %sign3A_1218 : i1 to i32
        %sign3A_1220 = arith.subi %sign3A_1216, %sign3A_1219 : i32
        %ne3A_1221 = arith.cmpi ne, %sign3A_1213, %sign3A_1220 : i32
        %rem3A_1222 = arith.remsi %add3A_1103, %jit3A_1205 : i32
        %ne3A_1223 = arith.constant 0 : i32
        %ne3A_1224 = arith.cmpi ne, %rem3A_1222, %ne3A_1223 : i32
        %and3A_1225 = arith.andi %ne3A_1221, %ne3A_1224 : i1
        %sub3A_1226 = arith.constant 1 : i32
        %sub3A_1227 = arith.subi %div3A_1206, %sub3A_1226 : i32
        %select_n3A_1228 = arith.select %and3A_1225, %sub3A_1227, %div3A_1206 : i32
        %jit3A_1229 = arith.constant 2 : i32
        %eq3A_1230 = arith.constant 0 : i32
        %eq3A_1231 = arith.cmpi eq, %jit3A_1229, %eq3A_1230 : i32
        %jit3A_1232 = arith.constant 1 : i32
        %select_n3A_1233 = arith.select %eq3A_1231, %jit3A_1232, %jit3A_1229 : i32
        %rem3A_1234 = arith.remsi %add3A_1103, %select_n3A_1233 : i32
        %ne3A_1235 = arith.constant 0 : i32
        %ne3A_1236 = arith.cmpi ne, %rem3A_1234, %ne3A_1235 : i32
        %lt3A_1237 = arith.constant 0 : i32
        %lt3A_1238 = arith.cmpi slt, %rem3A_1234, %lt3A_1237 : i32
        %lt3A_1239 = arith.constant 0 : i32
        %lt3A_1240 = arith.cmpi slt, %select_n3A_1233, %lt3A_1239 : i32
        %ne3A_1241 = arith.xori %lt3A_1238, %lt3A_1240 : i1
        %and3A_1242 = arith.andi %ne3A_1241, %ne3A_1236 : i1
        %add3A_1243 = arith.addi %rem3A_1234, %select_n3A_1233 : i32
        %select_n3A_1244 = arith.select %and3A_1242, %add3A_1243, %rem3A_1234 : i32
        %mul3A_1245 = arith.constant 256 : i32
        %mul3A_1246 = arith.muli %select_n3A_1244, %mul3A_1245 : i32
        %add3A_1247 = arith.addi %mul3A_2, %mul3A_1246 : i32
        %dma_wait3A_1248 = arith.constant 0 : i32
        %dma_wait3A_1249 = tpu.memref_slice %arg4[%select_n3A_1228, %add3A_1247, %dma_wait3A_1248] : memref<50x16384x32xf32, #tpu.memory_space<hbm>> -> memref<1x256x32xf32, #tpu.memory_space<hbm>>
        %dma_wait3A_1250 = tpu.memref_squeeze %dma_wait3A_1249 : memref<1x256x32xf32, #tpu.memory_space<hbm>> -> memref<256x32xf32, #tpu.memory_space<hbm>>
        %dma_wait3A_1251 = arith.constant 0 : i32
        %dma_wait3A_1252 = tpu.memref_slice %arg4[%select_n3A_1228, %add3A_1247, %dma_wait3A_1251] : memref<50x16384x32xf32, #tpu.memory_space<hbm>> -> memref<1x256x32xf32, #tpu.memory_space<hbm>>
        %dma_wait3A_1253 = tpu.memref_squeeze %dma_wait3A_1252 : memref<1x256x32xf32, #tpu.memory_space<hbm>> -> memref<256x32xf32, #tpu.memory_space<hbm>>
        tpu.wait_dma2 semaphore(%arg35 : memref<!tpu.dma_semaphore, #tpu.memory_space<semaphore_mem>>) src(%arg15 : memref<256x32xf32, #tpu.memory_space<vmem>>) dst(%dma_wait3A_1253 : memref<256x32xf32, #tpu.memory_space<hbm>>)
        %add3A_1254 = arith.constant 10 : i32
        %add3A_1255 = arith.addi %add3A_1103, %add3A_1254 : i32
        %jit3A_1256 = arith.constant 2 : i32
        %div3A_1257 = arith.divsi %add3A_1255, %jit3A_1256 : i32
        %sign3A_1258 = arith.constant 0 : i32
        %sign3A_1259 = arith.cmpi sgt, %add3A_1255, %sign3A_1258 : i32
        %sign3A_1260 = arith.extui %sign3A_1259 : i1 to i32
        %sign3A_1261 = arith.constant 0 : i32
        %sign3A_1262 = arith.cmpi slt, %add3A_1255, %sign3A_1261 : i32
        %sign3A_1263 = arith.extui %sign3A_1262 : i1 to i32
        %sign3A_1264 = arith.subi %sign3A_1260, %sign3A_1263 : i32
        %sign3A_1265 = arith.constant 0 : i32
        %sign3A_1266 = arith.cmpi sgt, %jit3A_1256, %sign3A_1265 : i32
        %sign3A_1267 = arith.extui %sign3A_1266 : i1 to i32
        %sign3A_1268 = arith.constant 0 : i32
        %sign3A_1269 = arith.cmpi slt, %jit3A_1256, %sign3A_1268 : i32
        %sign3A_1270 = arith.extui %sign3A_1269 : i1 to i32
        %sign3A_1271 = arith.subi %sign3A_1267, %sign3A_1270 : i32
        %ne3A_1272 = arith.cmpi ne, %sign3A_1264, %sign3A_1271 : i32
        %rem3A_1273 = arith.remsi %add3A_1255, %jit3A_1256 : i32
        %ne3A_1274 = arith.constant 0 : i32
        %ne3A_1275 = arith.cmpi ne, %rem3A_1273, %ne3A_1274 : i32
        %and3A_1276 = arith.andi %ne3A_1272, %ne3A_1275 : i1
        %sub3A_1277 = arith.constant 1 : i32
        %sub3A_1278 = arith.subi %div3A_1257, %sub3A_1277 : i32
        %select_n3A_1279 = arith.select %and3A_1276, %sub3A_1278, %div3A_1257 : i32
        %jit3A_1280 = arith.constant 2 : i32
        %eq3A_1281 = arith.constant 0 : i32
        %eq3A_1282 = arith.cmpi eq, %jit3A_1280, %eq3A_1281 : i32
        %jit3A_1283 = arith.constant 1 : i32
        %select_n3A_1284 = arith.select %eq3A_1282, %jit3A_1283, %jit3A_1280 : i32
        %rem3A_1285 = arith.remsi %add3A_1255, %select_n3A_1284 : i32
        %ne3A_1286 = arith.constant 0 : i32
        %ne3A_1287 = arith.cmpi ne, %rem3A_1285, %ne3A_1286 : i32
        %lt3A_1288 = arith.constant 0 : i32
        %lt3A_1289 = arith.cmpi slt, %rem3A_1285, %lt3A_1288 : i32
        %lt3A_1290 = arith.constant 0 : i32
        %lt3A_1291 = arith.cmpi slt, %select_n3A_1284, %lt3A_1290 : i32
        %ne3A_1292 = arith.xori %lt3A_1289, %lt3A_1291 : i1
        %and3A_1293 = arith.andi %ne3A_1292, %ne3A_1287 : i1
        %add3A_1294 = arith.addi %rem3A_1285, %select_n3A_1284 : i32
        %select_n3A_1295 = arith.select %and3A_1293, %add3A_1294, %rem3A_1285 : i32
        %mul3A_1296 = arith.constant 256 : i32
        %mul3A_1297 = arith.muli %select_n3A_1295, %mul3A_1296 : i32
        %dma_start3A_1298 = tpu.memref_slice %arg5[%select_n3A_1279, %mul3A_1297] : memref<50x512xi32, #tpu.memory_space<vmem>> -> memref<1x256xi32, #tpu.memory_space<vmem>>
        %dma_start3A_1299 = tpu.memref_squeeze %dma_start3A_1298 : memref<1x256xi32, #tpu.memory_space<vmem>> -> memref<256xi32, #tpu.memory_space<vmem>>
        %dma_start3A_1300 = arith.constant 0 : i32
        %dma_start3A_1301 = arith.constant 0 : i32
        %dma_start3A_1302 = tpu.memref_slice %arg2[%dma_start3A_1300, %dma_start3A_1301] : memref<1000000x32xf32, #tpu.memory_space<hbm>> -> memref<1000000x32xf32, #tpu.memory_space<hbm>>
        tpu.enqueue_indirect_dma source(%dma_start3A_1302 : memref<1000000x32xf32, #tpu.memory_space<hbm>>) target(%arg15 : memref<256x32xf32, #tpu.memory_space<vmem>>) offsets(%dma_start3A_1299 : memref<256xi32, #tpu.memory_space<vmem>>) semaphore(%arg25 : memref<!tpu.dma_semaphore, #tpu.memory_space<semaphore_mem>>)
      } else {
      }
    }
    %scan3A_76 = arith.constant 10 : i32
    %add3A_77 = arith.constant 0 : i32
    %add3A_78 = arith.addi %mul3A_2, %add3A_77 : i32
    %dma_wait3A = arith.constant 45 : i32
    %dma_wait3A_79 = arith.constant 0 : i32
    %dma_wait3A_80 = tpu.memref_slice %arg4[%dma_wait3A, %add3A_78, %dma_wait3A_79] : memref<50x16384x32xf32, #tpu.memory_space<hbm>> -> memref<1x256x32xf32, #tpu.memory_space<hbm>>
    %dma_wait3A_81 = tpu.memref_squeeze %dma_wait3A_80 : memref<1x256x32xf32, #tpu.memory_space<hbm>> -> memref<256x32xf32, #tpu.memory_space<hbm>>
    %dma_wait3A_82 = arith.constant 0 : i32
    %dma_wait3A_83 = tpu.memref_slice %arg4[%dma_wait3A, %add3A_78, %dma_wait3A_82] : memref<50x16384x32xf32, #tpu.memory_space<hbm>> -> memref<1x256x32xf32, #tpu.memory_space<hbm>>
    %dma_wait3A_84 = tpu.memref_squeeze %dma_wait3A_83 : memref<1x256x32xf32, #tpu.memory_space<hbm>> -> memref<256x32xf32, #tpu.memory_space<hbm>>
    tpu.wait_dma2 semaphore(%arg26 : memref<!tpu.dma_semaphore, #tpu.memory_space<semaphore_mem>>) src(%arg6 : memref<256x32xf32, #tpu.memory_space<vmem>>) dst(%dma_wait3A_84 : memref<256x32xf32, #tpu.memory_space<hbm>>)
    %add3A_85 = arith.constant 256 : i32
    %add3A_86 = arith.addi %mul3A_2, %add3A_85 : i32
    %dma_wait3A_87 = arith.constant 45 : i32
    %dma_wait3A_88 = arith.constant 0 : i32
    %dma_wait3A_89 = tpu.memref_slice %arg4[%dma_wait3A_87, %add3A_86, %dma_wait3A_88] : memref<50x16384x32xf32, #tpu.memory_space<hbm>> -> memref<1x256x32xf32, #tpu.memory_space<hbm>>
    %dma_wait3A_90 = tpu.memref_squeeze %dma_wait3A_89 : memref<1x256x32xf32, #tpu.memory_space<hbm>> -> memref<256x32xf32, #tpu.memory_space<hbm>>
    %dma_wait3A_91 = arith.constant 0 : i32
    %dma_wait3A_92 = tpu.memref_slice %arg4[%dma_wait3A_87, %add3A_86, %dma_wait3A_91] : memref<50x16384x32xf32, #tpu.memory_space<hbm>> -> memref<1x256x32xf32, #tpu.memory_space<hbm>>
    %dma_wait3A_93 = tpu.memref_squeeze %dma_wait3A_92 : memref<1x256x32xf32, #tpu.memory_space<hbm>> -> memref<256x32xf32, #tpu.memory_space<hbm>>
    tpu.wait_dma2 semaphore(%arg27 : memref<!tpu.dma_semaphore, #tpu.memory_space<semaphore_mem>>) src(%arg7 : memref<256x32xf32, #tpu.memory_space<vmem>>) dst(%dma_wait3A_93 : memref<256x32xf32, #tpu.memory_space<hbm>>)
    %add3A_94 = arith.constant 0 : i32
    %add3A_95 = arith.addi %mul3A_2, %add3A_94 : i32
    %dma_wait3A_96 = arith.constant 46 : i32
    %dma_wait3A_97 = arith.constant 0 : i32
    %dma_wait3A_98 = tpu.memref_slice %arg4[%dma_wait3A_96, %add3A_95, %dma_wait3A_97] : memref<50x16384x32xf32, #tpu.memory_space<hbm>> -> memref<1x256x32xf32, #tpu.memory_space<hbm>>
    %dma_wait3A_99 = tpu.memref_squeeze %dma_wait3A_98 : memref<1x256x32xf32, #tpu.memory_space<hbm>> -> memref<256x32xf32, #tpu.memory_space<hbm>>
    %dma_wait3A_100 = arith.constant 0 : i32
    %dma_wait3A_101 = tpu.memref_slice %arg4[%dma_wait3A_96, %add3A_95, %dma_wait3A_100] : memref<50x16384x32xf32, #tpu.memory_space<hbm>> -> memref<1x256x32xf32, #tpu.memory_space<hbm>>
    %dma_wait3A_102 = tpu.memref_squeeze %dma_wait3A_101 : memref<1x256x32xf32, #tpu.memory_space<hbm>> -> memref<256x32xf32, #tpu.memory_space<hbm>>
    tpu.wait_dma2 semaphore(%arg28 : memref<!tpu.dma_semaphore, #tpu.memory_space<semaphore_mem>>) src(%arg8 : memref<256x32xf32, #tpu.memory_space<vmem>>) dst(%dma_wait3A_102 : memref<256x32xf32, #tpu.memory_space<hbm>>)
    %add3A_103 = arith.constant 256 : i32
    %add3A_104 = arith.addi %mul3A_2, %add3A_103 : i32
    %dma_wait3A_105 = arith.constant 46 : i32
    %dma_wait3A_106 = arith.constant 0 : i32
    %dma_wait3A_107 = tpu.memref_slice %arg4[%dma_wait3A_105, %add3A_104, %dma_wait3A_106] : memref<50x16384x32xf32, #tpu.memory_space<hbm>> -> memref<1x256x32xf32, #tpu.memory_space<hbm>>
    %dma_wait3A_108 = tpu.memref_squeeze %dma_wait3A_107 : memref<1x256x32xf32, #tpu.memory_space<hbm>> -> memref<256x32xf32, #tpu.memory_space<hbm>>
    %dma_wait3A_109 = arith.constant 0 : i32
    %dma_wait3A_110 = tpu.memref_slice %arg4[%dma_wait3A_105, %add3A_104, %dma_wait3A_109] : memref<50x16384x32xf32, #tpu.memory_space<hbm>> -> memref<1x256x32xf32, #tpu.memory_space<hbm>>
    %dma_wait3A_111 = tpu.memref_squeeze %dma_wait3A_110 : memref<1x256x32xf32, #tpu.memory_space<hbm>> -> memref<256x32xf32, #tpu.memory_space<hbm>>
    tpu.wait_dma2 semaphore(%arg29 : memref<!tpu.dma_semaphore, #tpu.memory_space<semaphore_mem>>) src(%arg9 : memref<256x32xf32, #tpu.memory_space<vmem>>) dst(%dma_wait3A_111 : memref<256x32xf32, #tpu.memory_space<hbm>>)
    %add3A_112 = arith.constant 0 : i32
    %add3A_113 = arith.addi %mul3A_2, %add3A_112 : i32
    %dma_wait3A_114 = arith.constant 47 : i32
    %dma_wait3A_115 = arith.constant 0 : i32
    %dma_wait3A_116 = tpu.memref_slice %arg4[%dma_wait3A_114, %add3A_113, %dma_wait3A_115] : memref<50x16384x32xf32, #tpu.memory_space<hbm>> -> memref<1x256x32xf32, #tpu.memory_space<hbm>>
    %dma_wait3A_117 = tpu.memref_squeeze %dma_wait3A_116 : memref<1x256x32xf32, #tpu.memory_space<hbm>> -> memref<256x32xf32, #tpu.memory_space<hbm>>
    %dma_wait3A_118 = arith.constant 0 : i32
    %dma_wait3A_119 = tpu.memref_slice %arg4[%dma_wait3A_114, %add3A_113, %dma_wait3A_118] : memref<50x16384x32xf32, #tpu.memory_space<hbm>> -> memref<1x256x32xf32, #tpu.memory_space<hbm>>
    %dma_wait3A_120 = tpu.memref_squeeze %dma_wait3A_119 : memref<1x256x32xf32, #tpu.memory_space<hbm>> -> memref<256x32xf32, #tpu.memory_space<hbm>>
    tpu.wait_dma2 semaphore(%arg30 : memref<!tpu.dma_semaphore, #tpu.memory_space<semaphore_mem>>) src(%arg10 : memref<256x32xf32, #tpu.memory_space<vmem>>) dst(%dma_wait3A_120 : memref<256x32xf32, #tpu.memory_space<hbm>>)
    %add3A_121 = arith.constant 256 : i32
    %add3A_122 = arith.addi %mul3A_2, %add3A_121 : i32
    %dma_wait3A_123 = arith.constant 47 : i32
    %dma_wait3A_124 = arith.constant 0 : i32
    %dma_wait3A_125 = tpu.memref_slice %arg4[%dma_wait3A_123, %add3A_122, %dma_wait3A_124] : memref<50x16384x32xf32, #tpu.memory_space<hbm>> -> memref<1x256x32xf32, #tpu.memory_space<hbm>>
    %dma_wait3A_126 = tpu.memref_squeeze %dma_wait3A_125 : memref<1x256x32xf32, #tpu.memory_space<hbm>> -> memref<256x32xf32, #tpu.memory_space<hbm>>
    %dma_wait3A_127 = arith.constant 0 : i32
    %dma_wait3A_128 = tpu.memref_slice %arg4[%dma_wait3A_123, %add3A_122, %dma_wait3A_127] : memref<50x16384x32xf32, #tpu.memory_space<hbm>> -> memref<1x256x32xf32, #tpu.memory_space<hbm>>
    %dma_wait3A_129 = tpu.memref_squeeze %dma_wait3A_128 : memref<1x256x32xf32, #tpu.memory_space<hbm>> -> memref<256x32xf32, #tpu.memory_space<hbm>>
    tpu.wait_dma2 semaphore(%arg31 : memref<!tpu.dma_semaphore, #tpu.memory_space<semaphore_mem>>) src(%arg11 : memref<256x32xf32, #tpu.memory_space<vmem>>) dst(%dma_wait3A_129 : memref<256x32xf32, #tpu.memory_space<hbm>>)
    %add3A_130 = arith.constant 0 : i32
    %add3A_131 = arith.addi %mul3A_2, %add3A_130 : i32
    %dma_wait3A_132 = arith.constant 48 : i32
    %dma_wait3A_133 = arith.constant 0 : i32
    %dma_wait3A_134 = tpu.memref_slice %arg4[%dma_wait3A_132, %add3A_131, %dma_wait3A_133] : memref<50x16384x32xf32, #tpu.memory_space<hbm>> -> memref<1x256x32xf32, #tpu.memory_space<hbm>>
    %dma_wait3A_135 = tpu.memref_squeeze %dma_wait3A_134 : memref<1x256x32xf32, #tpu.memory_space<hbm>> -> memref<256x32xf32, #tpu.memory_space<hbm>>
    %dma_wait3A_136 = arith.constant 0 : i32
    %dma_wait3A_137 = tpu.memref_slice %arg4[%dma_wait3A_132, %add3A_131, %dma_wait3A_136] : memref<50x16384x32xf32, #tpu.memory_space<hbm>> -> memref<1x256x32xf32, #tpu.memory_space<hbm>>
    %dma_wait3A_138 = tpu.memref_squeeze %dma_wait3A_137 : memref<1x256x32xf32, #tpu.memory_space<hbm>> -> memref<256x32xf32, #tpu.memory_space<hbm>>
    tpu.wait_dma2 semaphore(%arg32 : memref<!tpu.dma_semaphore, #tpu.memory_space<semaphore_mem>>) src(%arg12 : memref<256x32xf32, #tpu.memory_space<vmem>>) dst(%dma_wait3A_138 : memref<256x32xf32, #tpu.memory_space<hbm>>)
    %add3A_139 = arith.constant 256 : i32
    %add3A_140 = arith.addi %mul3A_2, %add3A_139 : i32
    %dma_wait3A_141 = arith.constant 48 : i32
    %dma_wait3A_142 = arith.constant 0 : i32
    %dma_wait3A_143 = tpu.memref_slice %arg4[%dma_wait3A_141, %add3A_140, %dma_wait3A_142] : memref<50x16384x32xf32, #tpu.memory_space<hbm>> -> memref<1x256x32xf32, #tpu.memory_space<hbm>>
    %dma_wait3A_144 = tpu.memref_squeeze %dma_wait3A_143 : memref<1x256x32xf32, #tpu.memory_space<hbm>> -> memref<256x32xf32, #tpu.memory_space<hbm>>
    %dma_wait3A_145 = arith.constant 0 : i32
    %dma_wait3A_146 = tpu.memref_slice %arg4[%dma_wait3A_141, %add3A_140, %dma_wait3A_145] : memref<50x16384x32xf32, #tpu.memory_space<hbm>> -> memref<1x256x32xf32, #tpu.memory_space<hbm>>
    %dma_wait3A_147 = tpu.memref_squeeze %dma_wait3A_146 : memref<1x256x32xf32, #tpu.memory_space<hbm>> -> memref<256x32xf32, #tpu.memory_space<hbm>>
    tpu.wait_dma2 semaphore(%arg33 : memref<!tpu.dma_semaphore, #tpu.memory_space<semaphore_mem>>) src(%arg13 : memref<256x32xf32, #tpu.memory_space<vmem>>) dst(%dma_wait3A_147 : memref<256x32xf32, #tpu.memory_space<hbm>>)
    %add3A_148 = arith.constant 0 : i32
    %add3A_149 = arith.addi %mul3A_2, %add3A_148 : i32
    %dma_wait3A_150 = arith.constant 49 : i32
    %dma_wait3A_151 = arith.constant 0 : i32
    %dma_wait3A_152 = tpu.memref_slice %arg4[%dma_wait3A_150, %add3A_149, %dma_wait3A_151] : memref<50x16384x32xf32, #tpu.memory_space<hbm>> -> memref<1x256x32xf32, #tpu.memory_space<hbm>>
    %dma_wait3A_153 = tpu.memref_squeeze %dma_wait3A_152 : memref<1x256x32xf32, #tpu.memory_space<hbm>> -> memref<256x32xf32, #tpu.memory_space<hbm>>
    %dma_wait3A_154 = arith.constant 0 : i32
    %dma_wait3A_155 = tpu.memref_slice %arg4[%dma_wait3A_150, %add3A_149, %dma_wait3A_154] : memref<50x16384x32xf32, #tpu.memory_space<hbm>> -> memref<1x256x32xf32, #tpu.memory_space<hbm>>
    %dma_wait3A_156 = tpu.memref_squeeze %dma_wait3A_155 : memref<1x256x32xf32, #tpu.memory_space<hbm>> -> memref<256x32xf32, #tpu.memory_space<hbm>>
    tpu.wait_dma2 semaphore(%arg34 : memref<!tpu.dma_semaphore, #tpu.memory_space<semaphore_mem>>) src(%arg14 : memref<256x32xf32, #tpu.memory_space<vmem>>) dst(%dma_wait3A_156 : memref<256x32xf32, #tpu.memory_space<hbm>>)
    %add3A_157 = arith.constant 256 : i32
    %add3A_158 = arith.addi %mul3A_2, %add3A_157 : i32
    %dma_wait3A_159 = arith.constant 49 : i32
    %dma_wait3A_160 = arith.constant 0 : i32
    %dma_wait3A_161 = tpu.memref_slice %arg4[%dma_wait3A_159, %add3A_158, %dma_wait3A_160] : memref<50x16384x32xf32, #tpu.memory_space<hbm>> -> memref<1x256x32xf32, #tpu.memory_space<hbm>>
    %dma_wait3A_162 = tpu.memref_squeeze %dma_wait3A_161 : memref<1x256x32xf32, #tpu.memory_space<hbm>> -> memref<256x32xf32, #tpu.memory_space<hbm>>
    %dma_wait3A_163 = arith.constant 0 : i32
    %dma_wait3A_164 = tpu.memref_slice %arg4[%dma_wait3A_159, %add3A_158, %dma_wait3A_163] : memref<50x16384x32xf32, #tpu.memory_space<hbm>> -> memref<1x256x32xf32, #tpu.memory_space<hbm>>
    %dma_wait3A_165 = tpu.memref_squeeze %dma_wait3A_164 : memref<1x256x32xf32, #tpu.memory_space<hbm>> -> memref<256x32xf32, #tpu.memory_space<hbm>>
    tpu.wait_dma2 semaphore(%arg35 : memref<!tpu.dma_semaphore, #tpu.memory_space<semaphore_mem>>) src(%arg15 : memref<256x32xf32, #tpu.memory_space<vmem>>) dst(%dma_wait3A_165 : memref<256x32xf32, #tpu.memory_space<hbm>>)
    return
  }
}

</mosaic_0001>

<sc_bundles>
// kernel: kernel.3.cloned.1.call-start
scs
__scs_entry_jumppad:
0x0: {  	(pc) =	sbr.rel $0x88, $3  }
0x1: {  	(tag) =	ssettag $0x0;
	lr =	simm.s32 $0x1  }
0x2: {  	[smem:$0x3F9F] =	sst lr;
	_ =	strace $0xD0000000  }
0x3: {  	_ = 	snop  }
0x4: {  	_ = 	snop  }
0x5: {  	_ = 	snop  }
0x6: {  	_ = 	snop  }
0x7: {  	_ = 	snop  }
__scs_overlays_trampoline_lowered:
0x8: {  	[smem:$0x3FAE] =	sst s0  }
0x9: {  	[smem:$0x3FAF] =	sst s1  }
0xa: {  	[smem:$0x3FB0] =	sst s2  }
0xb: {  	[smem:$0x3FB1] =	sst s3  }
0xc: {  	[smem:$0x3FB2] =	sst s4  }
0xd: {  	[smem:$0x3FB3] =	sst s5  }
0xe: {  	[smem:$0x3FB4] =	sst s6  }
0xf: {  	[smem:$0x3FB5] =	sst s7  }
0x10: {  	[smem:$0x3FB6] =	sst s8  }
0x11: {  	[smem:$0x3FB7] =	sst s9;
	s0 =	simm.s32 @!p0 $0x0  }
0x12: {  	s1 =	sld [smem:$0x3F9D];
	s0 =	simm.s32 @p0 $0x1  }
0x13: {  	[smem:$0x3FB8] =	sst s0;
	s0 =	simm.s32 @!p1 $0x0  }
0x14: {  	s2 =	sld [smem:$0x3F9C];
	s0 =	simm.s32 @p1 $0x1  }
0x15: {  	[smem:$0x3FB9] =	sst s0;
	s0 =	simm.s32 @!p2 $0x0  }
0x16: {  	s3 =	sld [smem:$0x3FDB];
	s0 =	simm.s32 @p2 $0x1  }
0x17: {  	s4 =	simm.s32 $0x1BF5;
	[smem:$0x3FBB] =	sst s0  }
0x18: {  	s0 =	sld [smem:$0x3F9E];
	_ =	swait.ge [sflag:s4], $0x0  }
0x19: {  	s7 =	sld [smem:$0x3F9F]  }
0x1a: {  	s8 =	sadd.s32 $0xFFFFE003, lr  }
0x1b: {  	s9 =	sadd.s32 $0xFFFFFEF7, lr;
	s5 =	simm.s32 $0xFFFFFFFF;
	p2 =	slt.u32 s8, $0xFFFFF086  }
0x1c: {  	p1 =	slt.u32 s9, $0xF7A;
	s5 =	simm.s32 @!p2 $0x0  }
0x1d: {  	s5 =	simm.s32 @p1 $0x1;
	p0 =	seq.s32 s7, s2  }
0x1e: {  	s7 =	smul.u32 @!p0 $0xF7A, s2;
	p2 =	seq.s32 @!p0 s5, $0x0  }
0x1f: {  	s9 =	smul.u32 $0xF7A, s1;
	s8 =	simm.s32 @!p0 $0x1BF5;
	p2 =	por !p2, p0  }
0x20: {  	[sflag:s8] =	ssyncset.s32 @!p0 $0xFFFFF086;
	s6 =	sadd.s32 @!p0 s3, s7;
	s7 =	simm.s32 @!p0 $0x108  }
0x21: {  	s3 =	sadd.s32 s3, s9;
	s6 =	sadd.s32 @!p0 $0x88, s6;
	s7 =	simm.s32 @p2 $0x1082  }
0x22: {  	[simem:s7], [sflag:s8] =	dma.local @!p0 [hbm:s6], $0xF7A  }
0x23: {  	s9 =	sor.u32 $0xD0000000, s2;
	s6 =	simm.s32 $0x108;
	_ =	swait.ge @!p0 [sflag:s8], $0x0  }
0x24: {  	s3 =	sadd.s32 $0x88, s3;
	s6 =	simm.s32 @!p1 $0x1082;
	[sflag:s4] =	ssyncset.s32 $0xFFFFF086  }
0x25: {  	[simem:s6], [sflag:s4] =	dma.local [hbm:s3], $0xF7A  }
0x26: {  	[smem:$0x3F9F] =	sst s1;
	(tag) =	ssettag s2;
	_ =	strace s9  }
0x27: {  	s1 =	sld [smem:$0x3FAF]  }
0x28: {  	s2 =	sld [smem:$0x3FB0]  }
0x29: {  	s4 =	sld [smem:$0x3FB2]  }
0x2a: {  	p0 =	seq.s32 s5, $0x0;
	s5 =	sld [smem:$0x3FB3]  }
0x2b: {  	s6 =	sld [smem:$0x3FB4]  }
0x2c: {  	s7 =	sld [smem:$0x3FB5]  }
0x2d: {  	s3 =	simm.s32 $0x108;
	s8 =	sld [smem:$0x3FB6]  }
0x2e: {  	s3 =	simm.s32 @!p0 $0x1082;
	s9 =	sld [smem:$0x3FB7]  }
0x2f: {  	lr =	sadd.s32 s0, s3;
	s0 =	sld [smem:$0x3FAE]  }
0x30: {  	s3 =	sld [smem:$0x3FB1]  }
0x31: {  	[smem:$0x3FBA] =	sst s10  }
0x32: {  	s10 =	sld [smem:$0x3FB8];
	_ =	sdelay $0x3  }
0x33: {  	p0 =	seq.s32 s10, $0x1;
	s10 =	sld [smem:$0x3FBA];
	_ =	sdelay $0x3  }
0x34: {  	[smem:$0x3FBA] =	sst s10  }
0x35: {  	s10 =	sld [smem:$0x3FB9];
	_ =	sdelay $0x3  }
0x36: {  	p1 =	seq.s32 s10, $0x1;
	s10 =	sld [smem:$0x3FBA];
	_ =	sdelay $0x3  }
0x37: {  	[smem:$0x3FBA] =	sst s10  }
0x38: {  	s10 =	sld [smem:$0x3FBB]  }
0x39: {  	_ = 	snop;
	(pc) =	sbr.ind lr, $3  }
0x3a: {  	_ = 	snop  }
0x3b: {  	_ = 	snop  }
0x3c: {  	p2 =	seq.s32 s10, $0x1;
	s10 =	sld [smem:$0x3FBA]  }
0x3d: {  	_ =	shalt  }
0x3e: {  	_ =	shalt  }
0x3f: {  	_ =	shalt  }
0x40: {  	_ =	shalt  }
0x41: {  	_ =	shalt  }
0x42: {  	_ =	shalt  }
0x43: {  	_ =	shalt  }
0x44: {  	_ =	shalt  }
0x45: {  	_ =	shalt  }
0x46: {  	_ =	shalt  }
0x47: {  	_ =	shalt  }
0x48: {  	_ =	shalt  }
0x49: {  	_ =	shalt  }
0x4a: {  	_ =	shalt  }
0x4b: {  	_ =	shalt  }
0x4c: {  	_ =	shalt  }
0x4d: {  	_ =	shalt  }
0x4e: {  	_ =	shalt  }
0x4f: {  	_ =	shalt  }
0x50: {  	_ =	shalt  }
0x51: {  	_ =	shalt  }
0x52: {  	_ =	shalt  }
0x53: {  	_ =	shalt  }
0x54: {  	_ =	shalt  }
0x55: {  	_ =	shalt  }
0x56: {  	_ =	shalt  }
0x57: {  	_ =	shalt  }
0x58: {  	_ =	shalt  }
0x59: {  	_ =	shalt  }
0x5a: {  	_ =	shalt  }
0x5b: {  	_ =	shalt  }
0x5c: {  	_ =	shalt  }
0x5d: {  	_ =	shalt  }
0x5e: {  	_ =	shalt  }
0x5f: {  	_ =	shalt  }
0x60: {  	_ =	shalt  }
0x61: {  	_ =	shalt  }
0x62: {  	_ =	shalt  }
0x63: {  	_ =	shalt  }
0x64: {  	_ =	shalt  }
0x65: {  	_ =	shalt  }
0x66: {  	_ =	shalt  }
0x67: {  	_ =	shalt  }
0x68: {  	_ =	shalt  }
0x69: {  	_ =	shalt  }
0x6a: {  	_ =	shalt  }
0x6b: {  	_ =	shalt  }
0x6c: {  	_ =	shalt  }
0x6d: {  	_ =	shalt  }
0x6e: {  	_ =	shalt  }
0x6f: {  	_ =	shalt  }
0x70: {  	_ =	shalt  }
0x71: {  	_ =	shalt  }
0x72: {  	_ =	shalt  }
0x73: {  	_ =	shalt  }
0x74: {  	_ =	shalt  }
0x75: {  	_ =	shalt  }
0x76: {  	_ =	shalt  }
0x77: {  	_ =	shalt  }
0x78: {  	_ =	shalt  }
0x79: {  	_ =	shalt  }
0x7a: {  	_ =	shalt  }
0x7b: {  	_ =	shalt  }
0x7c: {  	_ =	shalt  }
0x7d: {  	_ =	shalt  }
0x7e: {  	_ =	shalt  }
0x7f: {  	_ =	shalt  }
0x80: {  	_ =	shalt  }
0x81: {  	_ =	shalt  }
0x82: {  	_ =	shalt  }
0x83: {  	_ =	shalt  }
0x84: {  	_ =	shalt  }
0x85: {  	_ =	shalt  }
0x86: {  	_ =	shalt  }
0x87: {  	_ =	shalt  }
.Lfunc_end0:
.L_simem_size_0:
called_computation.1_lowered:
.L_overlay_start_0:
0x88: {  	s2 =	sld [smem:$0x3FD9]  }
0x89: {  	s3 =	sld [smem:$0x3FFE];
	_ =	sdelay $0x1  }
0x8a: {  	s1 =	srdreg.scid  }
0x8b: {  	s0 =	sand.u32 $0x1, s1  }
0x8c: {  	s17 =	sshll.u32 s0, $0xA;
	s2 =	sadd.s32 s3, s2  }
0x8d: {  	s2 =	sadd.s32 s2, s17  }
0x8e: {  	[smem:$0x3FC6] =	sst s2  }
0x8f: {  	_ = 	snop  }
0x90: {  	s2 =	sld [smem:$0x3FD0];
	(tm) =	ssettm $0x1  }
0x91: {  	s18 =	sld [smem:$0x3FFB];
	_ =	sdelay $0x3  }
0x92: {  	_ =	strace s18  }
0x93: {  	s3 =	sld [smem:$0x3FFC];
	_ =	sdelay $0x3  }
0x94: {  	_ =	strace s3  }
0x95: {  	s3 =	sld [smem:$0x3FFD];
	_ =	sdelay $0x3  }
0x96: {  	_ =	strace s3  }
0x97: {  	_ =	strace $0x8FFFFFFF  }
0x98: {  	s19 =	sld [smem:$0x3FDB];
	_ =	sdelay $0x1  }
0x99: {  	s4 =	simm.s32 $_scs_section_size  }
0x9a: {  	s5 =	simm.s32 $_size__tile_overlayer_lowered;
	s6 =	simm.s32 $_tile_overlayer_lowered  }
0x9b: {  	s22 =	simm.s32 $0x1BFF;
	s21 =	sshll.u32 s6, $0x1;
	s3 =	sadd.s32 s4, s19  }
0x9c: {  	s7 =	simm.s32 $0x0;
	s20 =	sshll.u32 s5, $0x1;
	s5 =	sadd.s32 s21, s3  }
0x9d: {  	[timem:s7], [sflag:s22] =	dma.local [hbm:s5], s20  }
0x9e: {  	_ =	swait.ge [sflag:s22], s20  }
0x9f: {  	s4 =	ssub.s32 $0x0, s20;
	[sflag:s22] =	ssyncset.done $0x0  }
0xa0: {  	[sflag:s22] =	ssyncadd.s32 s4;
	_ =	sdelay $0x1  }
0xa1: {  	s23 =	simm.s32 $0x1B8B  }
0xa2: {  	_ =	swait.ge [sflag:s23], $0x1  }
0xa3: {  	[sflag:s23] =	ssyncset.done $0x0  }
0xa4: {  	s25 =	simm.s32 $0x1B8E;
	s24 =	sld [smem:$0x3FFE];
	[sflag:s23] =	ssyncadd.s32 $0xFFFFFFFF  }
0xa5: {  	s26 =	simm.s32 $execute0_lowered;
	[smem:$0x3FD2] =	sst s25  }
0xa6: {  	s5 =	sshll.u32 s26, $0x1;
	_ =	strace $0x80000046;
	[dreg:$0x1] =	wrdreg $0xFFFFFFFF  }
0xa7: {  	s28 =	simm.s32 $_size_execute0_lowered;
	s3 =	sadd.s32 s3, s5;
	[dreg:$0x0] =	wrdreg $0x0  }
0xa8: {  	s5 =	sshll.u32 s28, $0x1;
	[dreg:$0x2] =	wrdreg s3  }
0xa9: {  	[dreg:$0x3] =	wrdreg s5  }
0xaa: {  	[dreg:$0x4] =	wrdreg $0xC0  }
0xab: {  	_ =	task [dreg:s7], $0x5FFFF  }
0xac: {  	[dreg:$0x1] =	wrdreg $0xFFFFFFFF  }
0xad: {  	[dreg:$0x0] =	wrdreg $0x60  }
0xae: {  	[dreg:$0x2] =	wrdreg s24  }
0xaf: {  	[dreg:$0x3] =	wrdreg s2  }
0xb0: {  	[dreg:$0x4] =	wrdreg $0x9  }
0xb1: {  	_ =	task.clear_ibuf [dreg:s7], $0x5FFFF;
	_ =	strace $0x90000046  }
0xb2: {  	s29 =	simm.s32 $0x9;
	_ =	strace $0x80000048  }
0xb3: {  	_ =	swait.ge [sflag:s29], $0x1  }
0xb4: {  	[sflag:s29] =	ssyncadd.s32 $0xFFFFFFFF  }
0xb5: {  	_ =	strace $0x90000048  }
0xb6: {  	_ =	sfence  }
0xb7: {  	s30 =	sld [smem:$0x0];
	_ =	sdelay $0x2  }
0xb8: {  	s31 =	sshll.u32 s1, $0xD;
	s1 =	sshrl.u32 s1, $0x2  }
0xb9: {  	s3 =	sand.u32 $0x4000, s31;
	s1 =	sadd.s32 s1, s30  }
0xba: {  	s0 =	sor.u32 s3, s0;
	s1 =	sshll.u32 s1, $0x11  }
0xbb: {  	s0 =	sor.u32 s1, s0  }
0xbc: {  	s0 =	sadd.s32 $0x8F2B, s0  }
0xbd: {  	[sflag:s0] =	ssyncadd.remote.s32 $0x1  }
0xbe: {  	_ =	sfence.sel $0xFFFF  }
0xbf: {  	[dreg:$0x0] =	wrdreg $0xFFFFFFFF;
	(pc) =	sbr.abs _section_cstart, $3  }
0xc0: {  	[dreg:$0x1] =	wrdreg $0xFFFFFFFF  }
0xc1: {  	_ =	task.clear_ibuf [dreg:s7], $0x2FFFF;
	_ =	strace $0x9FFFFFFF  }
0xc2: {  	(tm) =	ssettm $0x7FFFFFFF  }
0xc3: {  	_ =	shalt  }
tec
execute0_lowered:
.L_overlay_start_1:
0x0: {  	(tag) =	ssettag $0x1  }
0x1: {  	s0 =	rddreg [dreg:$0x0]  }
0x2: {  	s8 =	rddreg [dreg:$0x1];
	s1 =	srdreg.scid  }
0x3: {  	s7 =	stileid.u32;
	s3 =	simm.s32 $0x0;
	s28 =	simm.s32 $0x18400  }
0x4: {  	s30 =	simm.s32 $0x1;
	s31 =	simm.s32 $0x3;
	s1 =	sand.u32 $0x1, s1  }
0x5: {  	s2 =	sshll.u32 s7, $0xA;
	[smem:$0x7FF] =	sst s3;
	s19 =	sshll.u32 s7, $0xF  }
0x6: {  	s4 =	sshll.u32 s1, $0x9;
	_ =	strace $0x80000047;
	s6 =	ssub.s32 $0x2, s1  }
0x7: {  	s1 =	sshll.u32 s1, $0xE;
	s2 =	sor.u32 s4, s2;
	s4 =	sadd.s32 $0xF42E00, s0  }
0x8: {  	s17 =	sshrl.u32 s6, $0x1;
	s20 =	sor.u32 s1, s19;
	s19 =	simm.s32 $0x9  }
0x9: {  	s5 =	sshrl.u32 s2, $0x3;
	s18 =	sshll.u32 s2, $0x2;
	s1 =	sor.u32 $0x202000, s20  }
0xa: {  	s2 =	sor.u32 $0x200000, s20;
	s21 =	sor.u32 $0x182000, s20;
	s22 =	sor.u32 $0x180000, s20  }
0xb: {  	s23 =	sor.u32 $0x102000, s20;
	s24 =	sor.u32 $0x100000, s20;
	s25 =	sor.u32 $0x82000, s20  }
0xc: {  	s26 =	sor.u32 $0x80000, s20;
	s29 =	sor.u32 $0x2000, s20;
	s0 =	sadd.s32 s5, s0  }
0xd: {  	s5 =	ssub.s32 s6, s17;
	s9 =	sshrl.u32 s2, $0x3;
	s10 =	sshrl.u32 s21, $0x3  }
0xe: {  	s11 =	sshrl.u32 s22, $0x3;
	s12 =	sshrl.u32 s23, $0x3;
	s13 =	sshrl.u32 s24, $0x3  }
0xf: {  	s14 =	sshrl.u32 s25, $0x3;
	s15 =	sshrl.u32 s26, $0x3;
	s16 =	sshrl.u32 s29, $0x3  }
0x10: {  	s17 =	sshrl.u32 s20, $0x3;
	s21 =	simm.s32 $0x100;
	s25 =	simm.s32 $0x16400  }
.Ltmp0:
0x11: {  	s2 =	simm.s32 $0x7;
	s0 =	sadd.s32 $0xA00, s0;
	(pc) =	sbr.rel .LBB2_1-.Ltmp0, $4  }
0x12: {  	s23 =	simm.s32 $0xA;
	s5 =	smax.u32 s5, $0x1;
	[dreg:$0x3] =	wrdreg s0  }
0x13: {  	s20 =	simm.s32 $0x14;
	s0 =	sadd.s32 s18, s8;
	[dreg:$0x4] =	wrdreg s5  }
0x14: {  	s8 =	sshrl.u32 s1, $0x3;
	s18 =	simm.s32 $0x13;
	s0 =	sadd.s32 $0x2D0400, s0  }
0x15: {  	s5 =	simm.s32 $0x0;
	[dreg:$0x5] =	wrdreg s0;
	s0 =	simm.s32 $0x5  }
.LBB2_4:
0x16: {  	_ =	swait.ge [sflag:s23], $0x2000  }
0x17: {  	[sflag:s23] =	ssyncset.done $0x0  }
0x18: {  	s1 =	simm.s32 $0xB;
	[sflag:s23] =	ssyncadd.s32 $0xFFFFE000  }
0x19: {  	[hbm4b:s22+s3] =	stream.linear.scatter [tilespmem:s28], [sflag:$0x14], $0x2000, $0x38;
	[tilespmem:$0x1A400] =	vst v63  }
0x1a: {  	_ =	swait.ge [sflag:s1], $0x2000  }
0x1b: {  	[sflag:s1] =	ssyncset.done $0x0  }
0x1c: {  	s29 =	simm.s32 $0xC;
	[sflag:s1] =	ssyncadd.s32 $0xFFFFE000  }
0x1d: {  	_ =	swait.ge [sflag:s29], $0x2000  }
0x1e: {  	[sflag:s29] =	ssyncset.done $0x0  }
0x1f: {  	s5 =	simm.s32 $0xD;
	[sflag:s29] =	ssyncadd.s32 $0xFFFFE000  }
0x20: {  	_ =	swait.ge [sflag:s5], $0x2000  }
0x21: {  	[sflag:s5] =	ssyncset.done $0x0  }
0x22: {  	s6 =	simm.s32 $0xE;
	[sflag:s5] =	ssyncadd.s32 $0xFFFFE000  }
0x23: {  	_ =	swait.ge [sflag:s6], $0x2000  }
0x24: {  	[sflag:s6] =	ssyncset.done $0x0  }
0x25: {  	s7 =	simm.s32 $0xF;
	[sflag:s6] =	ssyncadd.s32 $0xFFFFE000  }
0x26: {  	_ =	swait.ge [sflag:s7], $0x2000  }
0x27: {  	[sflag:s7] =	ssyncset.done $0x0  }
0x28: {  	s22 =	simm.s32 $0x10;
	[sflag:s7] =	ssyncadd.s32 $0xFFFFE000  }
0x29: {  	_ =	swait.ge [sflag:s22], $0x2000  }
0x2a: {  	[sflag:s22] =	ssyncset.done $0x0  }
0x2b: {  	s24 =	simm.s32 $0x11;
	[sflag:s22] =	ssyncadd.s32 $0xFFFFE000  }
0x2c: {  	_ =	swait.ge [sflag:s24], $0x2000  }
0x2d: {  	[sflag:s24] =	ssyncset.done $0x0  }
0x2e: {  	s26 =	simm.s32 $0x12;
	[sflag:s24] =	ssyncadd.s32 $0xFFFFE000  }
0x2f: {  	_ =	swait.ge [sflag:s26], $0x2000  }
0x30: {  	[sflag:s26] =	ssyncset.done $0x0  }
0x31: {  	[sflag:s26] =	ssyncadd.s32 $0xFFFFE000  }
0x32: {  	_ =	swait.ge [sflag:s18], $0x2000  }
0x33: {  	[sflag:s18] =	ssyncset.done $0x0  }
0x34: {  	[sflag:s18] =	ssyncadd.s32 $0xFFFFE000  }
0x35: {  	_ =	swait.ge [sflag:s20], $0x2000  }
0x36: {  	s5 =	rddreg [dreg:$0x6]  }
0x37: {  	s29 =	rddreg [dreg:$0x4];
	s5 =	sadd.s32 $0x1, s5  }
0x38: {  	p0 =	sne.s32 s5, s29  }
.Ltmp1:
0x39: {  	_ = 	snop;
	(pc) =	sbr.rel @!p0 .LBB2_5-.Ltmp1, $3  }
0x3a: {  	_ =	sdelay $0x1  }
0x3b: {  	[sflag:s20] =	ssyncset.done $0x0  }
0x3c: {  	[sflag:s20] =	ssyncadd.s32 $0xFFFFE000  }
.LBB2_1:
0x3d: {  	[dreg:$0x6] =	wrdreg s5  }
0x3e: {  	s1 =	rddreg [dreg:$0x3]  }
0x3f: {  	s7 =	simm.s32 $0x200;
	s6 =	simm.s32 $0x4000;
	s22 =	simm.s32 $0x15  }
0x40: {  	[tilespmem:s3], [sflag:$0x15] =	stream.strided.gather [hbm4b:s1+s7], $0x6400, s6, s7, $0x38;
	[tilespmem:$0x1A400] =	vst v63  }
0x41: {  	_ =	swait.ge [sflag:s22], $0x6400  }
0x42: {  	[sflag:s22] =	ssyncset.done $0x0  }
0x43: {  	s24 =	simm.s32 $0x6400;
	[sflag:s22] =	ssyncadd.s32 $0xFFFF9C00  }
0x44: {  	[tilespmem:s24], [sflag:$0x1] =	stream.indirect.gather [hbm4b:s4+s21], $0x20, s3, s21, $0xb8;
	[tilespmem:$0x1A400] =	vst v63  }
0x45: {  	s26 =	simm.s32 $0x8400  }
0x46: {  	[tilespmem:s26], [sflag:$0x2] =	stream.indirect.gather [hbm4b:s4+s21], $0x20, s21, s21, $0xb8;
	[tilespmem:$0x1A400] =	vst v63  }
0x47: {  	s29 =	simm.s32 $0xA400  }
0x48: {  	[tilespmem:s29], [sflag:$0x3] =	stream.indirect.gather [hbm4b:s4+s21], $0x20, s7, s21, $0xb8;
	[tilespmem:$0x1A400] =	vst v63  }
0x49: {  	s6 =	simm.s32 $0x300;
	s7 =	simm.s32 $0xC400  }
0x4a: {  	[tilespmem:s7], [sflag:$0x4] =	stream.indirect.gather [hbm4b:s4+s21], $0x20, s6, s21, $0xb8;
	[tilespmem:$0x1A400] =	vst v63  }
0x4b: {  	s22 =	simm.s32 $0x400;
	s24 =	simm.s32 $0xE400  }
0x4c: {  	[tilespmem:s24], [sflag:$0x5] =	stream.indirect.gather [hbm4b:s4+s21], $0x20, s22, s21, $0xb8;
	[tilespmem:$0x1A400] =	vst v63  }
0x4d: {  	s26 =	simm.s32 $0x500;
	s29 =	simm.s32 $0x10400  }
0x4e: {  	[tilespmem:s29], [sflag:$0x6] =	stream.indirect.gather [hbm4b:s4+s21], $0x20, s26, s21, $0xb8;
	[tilespmem:$0x1A400] =	vst v63  }
0x4f: {  	s6 =	simm.s32 $0x600;
	s7 =	simm.s32 $0x12400  }
0x50: {  	[tilespmem:s7], [sflag:$0x7] =	stream.indirect.gather [hbm4b:s4+s21], $0x20, s6, s21, $0xb8;
	[tilespmem:$0x1A400] =	vst v63  }
0x51: {  	s22 =	simm.s32 $0x700;
	s24 =	simm.s32 $0x14400  }
0x52: {  	[tilespmem:s24], [sflag:$0x8] =	stream.indirect.gather [hbm4b:s4+s21], $0x20, s22, s21, $0xb8;
	[tilespmem:$0x1A400] =	vst v63  }
0x53: {  	s26 =	simm.s32 $0x800  }
0x54: {  	[tilespmem:s25], [sflag:$0x9] =	stream.indirect.gather [hbm4b:s4+s21], $0x20, s26, s21, $0xb8;
	[tilespmem:$0x1A400] =	vst v63  }
0x55: {  	s5 =	rddreg [dreg:$0x1];
	s29 =	simm.s32 $0x900;
	s6 =	simm.s32 $0x0  }
0x56: {  	[tilespmem:s28], [sflag:$0xA] =	stream.indirect.gather [hbm4b:s4+s21], $0x20, s29, s21, $0xb8;
	[tilespmem:$0x1A400] =	vst v63  }
.LBB2_2:
0x57: {  	_ =	swait.ge [sflag:s30], $0x2000  }
0x58: {  	s22 =	sadd.s32 s5, s17;
	[sflag:s30] =	ssyncset.done $0x0  }
0x59: {  	s1 =	simm.s32 $0x6400;
	p0 =	seq.s32 s6, $0x16800;
	[sflag:s30] =	ssyncadd.s32 $0xFFFFE000  }
0x5a: {  	[hbm4b:s22+s3] =	stream.linear.scatter [tilespmem:s1], [sflag:$0xB], $0x2000, $0x38;
	[tilespmem:$0x1A400] =	vst v63  }
0x5b: {  	s22 =	simm.s32 @p0 $0x2  }
0x5c: {  	_ =	swait.ge @p0 [sflag:s22], $0x2000  }
0x5d: {  	s24 =	simm.s32 @p0 $0x0;
	[sflag:s22] =	ssyncset.done @p0 $0x0  }
0x5e: {  	s1 =	rddreg [dreg:$0x5];
	[sflag:s22] =	ssyncadd.s32 @p0 $0xFFFFE000;
	s22 =	simm.s32 @p0 $0x8400  }
0x5f: {  	[hbm4b:s1+s24] =	stream.linear.scatter @p0 [tilespmem:s22], [sflag:$0xC], $0x2000, $0x38;
	[tilespmem:$0x1A400] =	vst v63  }
0x60: {  	s22 =	simm.s32 @!p0 $0xB  }
0x61: {  	s26 =	sshra.s32 @!p0 s6, $0x2;
	_ =	swait.ge @!p0 [sflag:s22], $0x2000  }
0x62: {  	s29 =	sadd.s32 @!p0 $0xA00, s26;
	[sflag:s22] =	ssyncset.done @!p0 $0x0  }
0x63: {  	s1 =	simm.s32 @!p0 $0x6400;
	[sflag:s22] =	ssyncadd.s32 @!p0 $0xFFFFE000;
	s22 =	simm.s32 @!p0 $0x100  }
0x64: {  	[tilespmem:s1], [sflag:$0x1] =	stream.indirect.gather @!p0 [hbm4b:s4+s22], $0x20, s29, s22, $0xb8;
	[tilespmem:$0x1A400] =	vst v63  }
0x65: {  	s1 =	simm.s32 @!p0 $0x2  }
0x66: {  	_ =	swait.ge @!p0 [sflag:s1], $0x2000  }
0x67: {  	s7 =	simm.s32 @!p0 $0x8400;
	[sflag:s1] =	ssyncset.done @!p0 $0x0  }
0x68: {  	s29 =	simm.s32 @!p0 $0x0;
	[sflag:s1] =	ssyncadd.s32 @!p0 $0xFFFFE000;
	s1 =	sadd.s32 @!p0 s5, s16  }
0x69: {  	[hbm4b:s1+s29] =	stream.linear.scatter @!p0 [tilespmem:s7], [sflag:$0xC], $0x2000, $0x38;
	[tilespmem:$0x1A400] =	vst v63  }
0x6a: {  	s1 =	simm.s32 @!p0 $0xC  }
0x6b: {  	_ =	swait.ge @!p0 [sflag:s1], $0x2000  }
0x6c: {  	[sflag:s1] =	ssyncset.done @!p0 $0x0  }
0x6d: {  	[sflag:s1] =	ssyncadd.s32 @!p0 $0xFFFFE000;
	s1 =	sadd.s32 @!p0 $0xB00, s26  }
0x6e: {  	[tilespmem:s7], [sflag:$0x2] =	stream.indirect.gather @!p0 [hbm4b:s4+s22], $0x20, s1, s22, $0xb8;
	[tilespmem:$0x1A400] =	vst v63  }
0x6f: {  	_ =	swait.ge [sflag:s31], $0x2000  }
0x70: {  	[sflag:s31] =	ssyncset.done $0x0  }
0x71: {  	s1 =	sadd.s32 s5, s15;
	s7 =	simm.s32 $0xA400;
	[sflag:s31] =	ssyncadd.s32 $0xFFFFE000  }
0x72: {  	[hbm4b:s1+s3] =	stream.linear.scatter [tilespmem:s7], [sflag:$0xD], $0x2000, $0x38;
	[tilespmem:$0x1A400] =	vst v63  }
0x73: {  	s1 =	simm.s32 @p0 $0x4  }
0x74: {  	_ =	swait.ge @p0 [sflag:s1], $0x2000  }
0x75: {  	[sflag:s1] =	ssyncset.done @p0 $0x0  }
0x76: {  	s7 =	simm.s32 @p0 $0xC400;
	[sflag:s1] =	ssyncadd.s32 @p0 $0xFFFFE000;
	s1 =	sadd.s32 @p0 s5, s14  }
0x77: {  	[hbm4b:s1+s24] =	stream.linear.scatter @p0 [tilespmem:s7], [sflag:$0xE], $0x2000, $0x38;
	[tilespmem:$0x1A400] =	vst v63  }
0x78: {  	s1 =	simm.s32 @!p0 $0xD  }
0x79: {  	_ =	swait.ge @!p0 [sflag:s1], $0x2000  }
0x7a: {  	[sflag:s1] =	ssyncset.done @!p0 $0x0  }
0x7b: {  	s7 =	simm.s32 @!p0 $0xA400;
	[sflag:s1] =	ssyncadd.s32 @!p0 $0xFFFFE000;
	s1 =	sadd.s32 @!p0 $0xC00, s26  }
0x7c: {  	[tilespmem:s7], [sflag:$0x3] =	stream.indirect.gather @!p0 [hbm4b:s4+s22], $0x20, s1, s22, $0xb8;
	[tilespmem:$0x1A400] =	vst v63  }
0x7d: {  	s1 =	simm.s32 @!p0 $0x4  }
0x7e: {  	_ =	swait.ge @!p0 [sflag:s1], $0x2000  }
0x7f: {  	[sflag:s1] =	ssyncset.done @!p0 $0x0  }
0x80: {  	s7 =	simm.s32 @!p0 $0xC400;
	[sflag:s1] =	ssyncadd.s32 @!p0 $0xFFFFE000;
	s1 =	sadd.s32 @!p0 s5, s14  }
0x81: {  	[hbm4b:s1+s29] =	stream.linear.scatter @!p0 [tilespmem:s7], [sflag:$0xE], $0x2000, $0x38;
	[tilespmem:$0x1A400] =	vst v63  }
0x82: {  	s1 =	simm.s32 @!p0 $0xE  }
0x83: {  	_ =	swait.ge @!p0 [sflag:s1], $0x2000  }
0x84: {  	[sflag:s1] =	ssyncset.done @!p0 $0x0  }
0x85: {  	[sflag:s1] =	ssyncadd.s32 @!p0 $0xFFFFE000;
	s1 =	sadd.s32 @!p0 $0xD00, s26  }
0x86: {  	[tilespmem:s7], [sflag:$0x4] =	stream.indirect.gather @!p0 [hbm4b:s4+s22], $0x20, s1, s22, $0xb8;
	[tilespmem:$0x1A400] =	vst v63  }
0x87: {  	_ =	swait.ge [sflag:s0], $0x2000  }
0x88: {  	[sflag:s0] =	ssyncset.done $0x0  }
0x89: {  	s1 =	sadd.s32 s5, s13;
	s7 =	simm.s32 $0xE400;
	[sflag:s0] =	ssyncadd.s32 $0xFFFFE000  }
0x8a: {  	[hbm4b:s1+s3] =	stream.linear.scatter [tilespmem:s7], [sflag:$0xF], $0x2000, $0x38;
	[tilespmem:$0x1A400] =	vst v63  }
0x8b: {  	s1 =	simm.s32 @p0 $0x6  }
0x8c: {  	_ =	swait.ge @p0 [sflag:s1], $0x2000  }
0x8d: {  	[sflag:s1] =	ssyncset.done @p0 $0x0  }
0x8e: {  	s7 =	simm.s32 @p0 $0x10400;
	[sflag:s1] =	ssyncadd.s32 @p0 $0xFFFFE000;
	s1 =	sadd.s32 @p0 s5, s12  }
0x8f: {  	[hbm4b:s1+s24] =	stream.linear.scatter @p0 [tilespmem:s7], [sflag:$0x10], $0x2000, $0x38;
	[tilespmem:$0x1A400] =	vst v63  }
0x90: {  	s1 =	simm.s32 @!p0 $0xF  }
0x91: {  	_ =	swait.ge @!p0 [sflag:s1], $0x2000  }
0x92: {  	[sflag:s1] =	ssyncset.done @!p0 $0x0  }
0x93: {  	s7 =	simm.s32 @!p0 $0xE400;
	[sflag:s1] =	ssyncadd.s32 @!p0 $0xFFFFE000;
	s1 =	sadd.s32 @!p0 $0xE00, s26  }
0x94: {  	[tilespmem:s7], [sflag:$0x5] =	stream.indirect.gather @!p0 [hbm4b:s4+s22], $0x20, s1, s22, $0xb8;
	[tilespmem:$0x1A400] =	vst v63  }
0x95: {  	s1 =	simm.s32 @!p0 $0x6  }
0x96: {  	_ =	swait.ge @!p0 [sflag:s1], $0x2000  }
0x97: {  	[sflag:s1] =	ssyncset.done @!p0 $0x0  }
0x98: {  	s7 =	simm.s32 @!p0 $0x10400;
	[sflag:s1] =	ssyncadd.s32 @!p0 $0xFFFFE000;
	s1 =	sadd.s32 @!p0 s5, s12  }
0x99: {  	[hbm4b:s1+s29] =	stream.linear.scatter @!p0 [tilespmem:s7], [sflag:$0x10], $0x2000, $0x38;
	[tilespmem:$0x1A400] =	vst v63  }
0x9a: {  	s1 =	simm.s32 @!p0 $0x10  }
0x9b: {  	_ =	swait.ge @!p0 [sflag:s1], $0x2000  }
0x9c: {  	[sflag:s1] =	ssyncset.done @!p0 $0x0  }
0x9d: {  	[sflag:s1] =	ssyncadd.s32 @!p0 $0xFFFFE000;
	s1 =	sadd.s32 @!p0 $0xF00, s26  }
0x9e: {  	[tilespmem:s7], [sflag:$0x6] =	stream.indirect.gather @!p0 [hbm4b:s4+s22], $0x20, s1, s22, $0xb8;
	[tilespmem:$0x1A400] =	vst v63  }
0x9f: {  	_ =	swait.ge [sflag:s2], $0x2000  }
0xa0: {  	[sflag:s2] =	ssyncset.done $0x0  }
0xa1: {  	s1 =	sadd.s32 s5, s11;
	s7 =	simm.s32 $0x12400;
	[sflag:s2] =	ssyncadd.s32 $0xFFFFE000  }
0xa2: {  	[hbm4b:s1+s3] =	stream.linear.scatter [tilespmem:s7], [sflag:$0x11], $0x2000, $0x38;
	[tilespmem:$0x1A400] =	vst v63  }
0xa3: {  	s1 =	simm.s32 @p0 $0x8  }
0xa4: {  	_ =	swait.ge @p0 [sflag:s1], $0x2000  }
0xa5: {  	[sflag:s1] =	ssyncset.done @p0 $0x0  }
0xa6: {  	s7 =	simm.s32 @p0 $0x14400;
	[sflag:s1] =	ssyncadd.s32 @p0 $0xFFFFE000;
	s1 =	sadd.s32 @p0 s5, s10  }
0xa7: {  	[hbm4b:s1+s24] =	stream.linear.scatter @p0 [tilespmem:s7], [sflag:$0x12], $0x2000, $0x38;
	[tilespmem:$0x1A400] =	vst v63  }
0xa8: {  	s1 =	simm.s32 @!p0 $0x11  }
0xa9: {  	_ =	swait.ge @!p0 [sflag:s1], $0x2000  }
0xaa: {  	[sflag:s1] =	ssyncset.done @!p0 $0x0  }
0xab: {  	s7 =	simm.s32 @!p0 $0x12400;
	[sflag:s1] =	ssyncadd.s32 @!p0 $0xFFFFE000;
	s1 =	sadd.s32 @!p0 $0x1000, s26  }
0xac: {  	[tilespmem:s7], [sflag:$0x7] =	stream.indirect.gather @!p0 [hbm4b:s4+s22], $0x20, s1, s22, $0xb8;
	[tilespmem:$0x1A400] =	vst v63  }
0xad: {  	s1 =	simm.s32 @!p0 $0x8  }
0xae: {  	_ =	swait.ge @!p0 [sflag:s1], $0x2000  }
0xaf: {  	[sflag:s1] =	ssyncset.done @!p0 $0x0  }
0xb0: {  	s7 =	simm.s32 @!p0 $0x14400;
	[sflag:s1] =	ssyncadd.s32 @!p0 $0xFFFFE000;
	s1 =	sadd.s32 @!p0 s5, s10  }
0xb1: {  	[hbm4b:s1+s29] =	stream.linear.scatter @!p0 [tilespmem:s7], [sflag:$0x12], $0x2000, $0x38;
	[tilespmem:$0x1A400] =	vst v63  }
0xb2: {  	s1 =	simm.s32 @!p0 $0x12  }
0xb3: {  	_ =	swait.ge @!p0 [sflag:s1], $0x2000  }
0xb4: {  	[sflag:s1] =	ssyncset.done @!p0 $0x0  }
0xb5: {  	[sflag:s1] =	ssyncadd.s32 @!p0 $0xFFFFE000;
	s1 =	sadd.s32 @!p0 $0x1100, s26  }
0xb6: {  	[tilespmem:s7], [sflag:$0x8] =	stream.indirect.gather @!p0 [hbm4b:s4+s22], $0x20, s1, s22, $0xb8;
	[tilespmem:$0x1A400] =	vst v63  }
.Ltmp2:
0xb7: {  	_ = 	snop;
	(pc) =	sbr.rel @p0 .LBB2_4-.Ltmp2, $4  }
0xb8: {  	_ =	swait.ge [sflag:s19], $0x2000  }
0xb9: {  	[sflag:s19] =	ssyncset.done $0x0  }
0xba: {  	s29 =	sadd.s32 s5, s9;
	s22 =	sadd.s32 s5, s8;
	[sflag:s19] =	ssyncadd.s32 $0xFFFFE000  }
0xbb: {  	[hbm4b:s29+s3] =	stream.linear.scatter [tilespmem:s25], [sflag:$0x13], $0x2000, $0x38;
	[tilespmem:$0x1A400] =	vst v63  }
0xbc: {  	_ =	swait.ge [sflag:s18], $0x2000  }
0xbd: {  	s1 =	sshra.s32 s6, $0x2;
	[sflag:s18] =	ssyncset.done $0x0  }
0xbe: {  	s7 =	sadd.s32 $0x1200, s1;
	[sflag:s18] =	ssyncadd.s32 $0xFFFFE000  }
0xbf: {  	[tilespmem:s25], [sflag:$0x9] =	stream.indirect.gather [hbm4b:s4+s21], $0x20, s7, s21, $0xb8;
	[tilespmem:$0x1A400] =	vst v63  }
0xc0: {  	_ =	swait.ge [sflag:s23], $0x2000  }
0xc1: {  	[sflag:s23] =	ssyncset.done $0x0  }
0xc2: {  	[sflag:s23] =	ssyncadd.s32 $0xFFFFE000  }
0xc3: {  	[hbm4b:s22+s3] =	stream.linear.scatter [tilespmem:s28], [sflag:$0x14], $0x2000, $0x38;
	[tilespmem:$0x1A400] =	vst v63  }
.Ltmp3:
0xc4: {  	_ = 	snop;
	(pc) =	sbr.rel .LBB2_2-.Ltmp3, $4  }
0xc5: {  	_ =	swait.ge [sflag:s20], $0x2000  }
0xc6: {  	s6 =	sadd.s32 $0x2800, s6;
	[sflag:s20] =	ssyncset.done $0x0  }
0xc7: {  	s5 =	sadd.s32 $0x50000, s5;
	s1 =	sadd.s32 $0x1300, s1;
	[sflag:s20] =	ssyncadd.s32 $0xFFFFE000  }
0xc8: {  	[tilespmem:s28], [sflag:$0xA] =	stream.indirect.gather [hbm4b:s4+s21], $0x20, s1, s21, $0xb8;
	[tilespmem:$0x1A400] =	vst v63  }
.LBB2_5:
0xc9: {  	_ =	sfence.sel $0x180000  }
0xca: {  	[bflag:$0x0] =	sbarrier.arrive $0xFFFF  }
0xcb: {  	_ =	strace $0x90000047  }
0xcc: {  	s0 =	stileid.u32;
	[bflag:$0x2] =	sbarrier.arrive $0xFFFF  }
0xcd: {  	p0 =	sne.s32 s0, $0x0;
	s0 =	rddreg [dreg:$0x2]  }
0xce: {  	s0 =	sadd.s32 @!p0 $0x100000, s0  }
0xcf: {  	[sflag:s0] =	ssyncadd.tile.s32 @!p0 $0x1;
	_ =	shalt  }
.Lfunc_end2:
_tile_overlayer_lowered:
.L_overlay_start_2:
0xd0: {  	(tag) =	ssettag $0x2  }
0xd1: {  	s0 =	rddreg [dreg:$0x0];
	s2 =	stileid.u32  }
0xd2: {  	s1 =	rddreg [dreg:$0x1];
	p0 =	sne.s32 s2, $0x0  }
0xd3: {  	s3 =	rddreg [dreg:$0x2];
	[bflag:$0x3] =	sbarrier.arrive $0xFFFF;
	s2 =	simm.s32 @!p0 $0x1C15  }
0xd4: {  	[timem:s3], [sflag:s2] =	dma.local @!p0 [hbm:s0], s1  }
0xd5: {  	s0 =	simm.s32 @!p0 $0x15  }
0xd6: {  	_ =	swait.ge @!p0 [sflag:s0], s1  }
0xd7: {  	s1 =	ssub.s32 @!p0 $0x0, s1;
	[sflag:s0] =	ssyncset.done @!p0 $0x0  }
0xd8: {  	[sflag:s0] =	ssyncadd.s32 @!p0 s1  }
0xd9: {  	[bflag:$0x3] =	sbarrier.arrive $0xFFFF  }
0xda: {  	_ =	shalt  }

// kernel: sparse-core-data-format-call.cloned.1.call-start
scs
called_computation_lowered:
.L_overlay_start_0:
0x0: {  	s2 =	sld [smem:$0x3FD9]  }
0x1: {  	s3 =	sld [smem:$0x3FFE];
	_ =	sdelay $0x1  }
0x2: {  	s1 =	srdreg.scid  }
0x3: {  	s0 =	sand.u32 $0x1, s1  }
0x4: {  	s18 =	sshll.u32 s0, $0xA;
	s2 =	sadd.s32 s3, s2  }
0x5: {  	s2 =	sadd.s32 s2, s18  }
0x6: {  	[smem:$0x3FC6] =	sst s2  }
0x7: {  	_ = 	snop  }
0x8: {  	s2 =	sld [smem:$0x3FD0];
	(tm) =	ssettm $0x1  }
0x9: {  	s19 =	sld [smem:$0x3FFB];
	_ =	sdelay $0x3  }
0xa: {  	_ =	strace s19  }
0xb: {  	s3 =	sld [smem:$0x3FFC];
	_ =	sdelay $0x3  }
0xc: {  	_ =	strace s3  }
0xd: {  	s3 =	sld [smem:$0x3FFD];
	_ =	sdelay $0x3  }
0xe: {  	_ =	strace s3  }
0xf: {  	_ =	strace $0x8FFFFFFF  }
0x10: {  	s20 =	sld [smem:$0x3FDB];
	_ =	sdelay $0x1  }
0x11: {  	s4 =	simm.s32 $_scs_section_size  }
0x12: {  	s5 =	simm.s32 $_size__tile_overlayer_lowered;
	s6 =	simm.s32 $_tile_overlayer_lowered  }
0x13: {  	s23 =	simm.s32 $0x1BFF;
	s22 =	sshll.u32 s6, $0x1;
	s3 =	sadd.s32 s4, s20  }
0x14: {  	s7 =	simm.s32 $0x0;
	s21 =	sshll.u32 s5, $0x1;
	s5 =	sadd.s32 s22, s3  }
0x15: {  	[timem:s7], [sflag:s23] =	dma.local [hbm:s5], s21  }
0x16: {  	_ =	swait.ge [sflag:s23], s21  }
0x17: {  	s4 =	ssub.s32 $0x0, s21;
	[sflag:s23] =	ssyncset.done $0x0  }
0x18: {  	[sflag:s23] =	ssyncadd.s32 s4;
	_ =	sdelay $0x1  }
0x19: {  	s24 =	simm.s32 $0x1B8B  }
0x1a: {  	_ =	swait.ge [sflag:s24], $0x1  }
0x1b: {  	[sflag:s24] =	ssyncset.done $0x0  }
0x1c: {  	s26 =	simm.s32 $0x1B8E;
	s25 =	sld [smem:$0x3FFE];
	[sflag:s24] =	ssyncadd.s32 $0xFFFFFFFF  }
0x1d: {  	s27 =	simm.s32 $execute0_lowered;
	[smem:$0x3FD2] =	sst s26  }
0x1e: {  	s5 =	sshll.u32 s27, $0x1;
	_ =	strace $0x80000049;
	[dreg:$0x1] =	wrdreg $0xFFFFFFFF  }
0x1f: {  	s28 =	simm.s32 $_size_execute0_lowered;
	s3 =	sadd.s32 s3, s5;
	[dreg:$0x0] =	wrdreg $0x0  }
0x20: {  	s5 =	sshll.u32 s28, $0x1;
	[dreg:$0x2] =	wrdreg s3  }
0x21: {  	[dreg:$0x3] =	wrdreg s5  }
0x22: {  	[dreg:$0x4] =	wrdreg $0xC0  }
0x23: {  	_ =	task [dreg:s7], $0x5FFFF  }
0x24: {  	[dreg:$0x1] =	wrdreg $0xFFFFFFFF  }
0x25: {  	[dreg:$0x0] =	wrdreg $0x60  }
0x26: {  	[dreg:$0x2] =	wrdreg s25  }
0x27: {  	[dreg:$0x3] =	wrdreg s2  }
0x28: {  	[dreg:$0x4] =	wrdreg $0x9  }
0x29: {  	_ =	task.clear_ibuf [dreg:s7], $0x5FFFF;
	_ =	strace $0x90000049  }
0x2a: {  	s29 =	simm.s32 $0x9;
	_ =	strace $0x8000004B  }
0x2b: {  	_ =	swait.ge [sflag:s29], $0x1  }
0x2c: {  	[sflag:s29] =	ssyncadd.s32 $0xFFFFFFFF  }
0x2d: {  	_ =	strace $0x9000004B  }
0x2e: {  	_ =	sfence  }
0x2f: {  	s30 =	sld [smem:$0x0];
	_ =	sdelay $0x2  }
0x30: {  	s31 =	sshll.u32 s1, $0xD;
	s1 =	sshrl.u32 s1, $0x2  }
0x31: {  	s3 =	sand.u32 $0x4000, s31;
	s1 =	sadd.s32 s1, s30  }
0x32: {  	s0 =	sor.u32 s3, s0;
	s1 =	sshll.u32 s1, $0x11  }
0x33: {  	s0 =	sor.u32 s1, s0  }
0x34: {  	s0 =	sadd.s32 $0x8F2B, s0  }
0x35: {  	[sflag:s0] =	ssyncadd.remote.s32 $0x1  }
0x36: {  	_ =	sfence.sel $0xFFFF  }
0x37: {  	[dreg:$0x0] =	wrdreg $0xFFFFFFFF;
	(pc) =	sbr.abs _section_cstart, $3  }
0x38: {  	[dreg:$0x1] =	wrdreg $0xFFFFFFFF  }
0x39: {  	_ =	task.clear_ibuf [dreg:s7], $0x2FFFF;
	_ =	strace $0x9FFFFFFF  }
0x3a: {  	(tm) =	ssettm $0x7FFFFFFF  }
0x3b: {  	_ =	shalt  }
tec
execute0_lowered:
.L_overlay_start_1:
0x0: {  	(tag) =	ssettag $0x1  }
0x1: {  	s0 =	srdreg.scid  }
0x2: {  	s1 =	sshll.u32 s0, $0x4  }
0x3: {  	s0 =	stileid.u32;
	s1 =	sand.u32 $0x10, s1  }
0x4: {  	s7 =	rddreg [dreg:$0x0];
	s1 =	sor.u32 s0, s1  }
0x5: {  	s4 =	simm.s32 $0x1;
	s8 =	simm.s32 $0x2;
	s2 =	sshll.u32 s1, $0x7  }
0x6: {  	s13 =	simm.s32 $0x0;
	s9 =	simm.s32 $0x20000;
	s1 =	ssub.s32 $0x4000, s2  }
0x7: {  	s14 =	simm.s32 $0x0;
	s11 =	simm.s32 $0x0;
	s3 =	sand.u32 $0xF80, s1  }
0x8: {  	s12 =	simm.s32 $0x0;
	s5 =	sshrl.u32 s1, $0xC;
	p0 =	sne.s32 s3, $0x0  }
.Ltmp0:
0x9: {  	s1 =	rddreg [dreg:$0x2];
	s4 =	simm.s32 @!p0 $0x0;
	(pc) =	sbr.rel .LBB1_1-.Ltmp0, $4  }
0xa: {  	s6 =	sadd.s32 $0xA00, s7;
	s3 =	rddreg [dreg:$0x1];
	s5 =	sadd.s32 s4, s5  }
0xb: {  	_ =	strace $0x8000004A;
	s4 =	simm.s32 $0x1;
	s5 =	smul.u32 $0x19, s5  }
0xc: {  	s7 =	sadd.s32 $0x40A00, s7;
	s10 =	smov.u32 s2;
	[sflag:s4] =	ssyncpa.u1 $0x0  }
0xd: {  	p0 =	por $0x0, $0x0;
	[sflag:s8] =	ssyncpa.u1 $0x0;
	s8 =	sadd.s32 $0x1, s5  }
.LBB1_7:
0xe: {  	s15 =	sadd.s32 $0x1000, s10  }
0xf: {  	s13 =	sadd.s32 $0x2, s11;
	s17 =	smov.u32 s11;
	p2 =	sgt.s32 s15, $0x3FFF  }
0x10: {  	s17 =	smov.u32 @p2 s13  }
0x11: {  	s15 =	smov.u32 @p2 s2;
	p2 =	sgt.s32 s17, $0x31  }
0x12: {  	s17 =	simm.s32 @p2 $0x0;
	p2 =	sne.s32 s12, s8  }
.Ltmp1:
0x13: {  	p1 =	slt.u32 s12, $0x2;
	(pc) =	sbr.rel @!p2 .LBB1_8-.Ltmp1, $4  }
0x14: {  	s16 =	simm.s32 @!p1 $0x2  }
0x15: {  	s14 =	smov.u32 s11;
	p0 =	por !p0, !p0;
	_ =	swait.ge @!p1 [sflag:s16], $0x2000  }
0x16: {  	s13 =	smov.u32 s10;
	[sflag:s16] =	ssyncset.done @!p1 $0x0;
	s10 =	smov.u32 s15  }
0x17: {  	s12 =	sadd.s32 $0x1, s12;
	[sflag:s16] =	ssyncadd.s32 @!p1 $0xFFFFE000;
	s11 =	smov.u32 s17  }
.LBB1_1:
0x18: {  	p1 =	sge.u32 s12, s5  }
0x19: {  	s15 =	sxor.u32 @!p1 $0xFFFFFFFF, s12;
	s16 =	sshll.u32 @!p1 s11, $0x12  }
0x1a: {  	s17 =	sshll.u32 @!p1 s10, $0x4;
	s19 =	simm.s32 @!p1 $0x20;
	s20 =	simm.s32 @!p1 $0x80  }
0x1b: {  	s15 =	sshll.u32 @!p1 s15, $0xD;
	s17 =	sand.u32 @!p1 $0x3FFF0, s17;
	s18 =	sadd.s32 @!p1 s6, s16  }
0x1c: {  	s16 =	sadd.s32 @!p1 s16, s7;
	s15 =	sand.u32 @!p1 $0x2000, s15;
	s18 =	sadd.s32 @!p1 s17, s18  }
0x1d: {  	[tilespmem:s15], [sflag:$0x1] =	stream.strided.gather @!p1 [hbm4b:s18+s19], $0x1000, s20, s19, $0x38;
	[tilespmem:$0x8080] =	vst v63  }
0x1e: {  	s31 =	sadd.s32 $0xFFFFFFFF, s12;
	s16 =	sadd.s32 @!p1 s17, s16;
	s15 =	sor.u32 @!p1 $0x1000, s15  }
0x1f: {  	[tilespmem:s15], [sflag:$0x1] =	stream.strided.gather @!p1 [hbm4b:s16+s19], $0x1000, s20, s19, $0x38;
	[tilespmem:$0x8080] =	vst v63  }
0x20: {  	p1 =	sge.u32 s31, s5  }
.Ltmp2:
0x21: {  	_ = 	snop;
	(pc) =	sbr.rel @p1 .LBB1_7-.Ltmp2, $1  }
0x22: {  	_ =	sdelay $0x3  }
0x23: {  	s15 =	simm.s32 $0x1;
	s17 =	sand.u32 $0x1, s12  }
0x24: {  	_ =	swait.ge [sflag:s4], $0x2000;
	s15 =	simm.s32 @!p0 $0x0;
	s17 =	smul.u32 $0x8100, s17  }
0x25: {  	p2 =	por $0x1, $0x1;
	[sflag:s4] =	ssyncset.done $0x0;
	s16 =	smul.u32 $0x8100, s15  }
0x26: {  	s18 =	sshll.u32 s15, $0xF;
	[sflag:s4] =	ssyncadd.s32 $0xFFFFE000;
	s30 =	sshrl.u32 s17, $0x2  }
0x27: {  	s31 =	sshrl.u32 s18, $0x2;
	s18 =	simm.s32 $0x0;
	s16 =	sshrl.u32 s16, $0x2  }
0x28: {  	s15 =	sor.u32 $0x4000, s30;
	s17 =	sadd.s32 $0x10, s31;
	s16 =	sor.u32 $0x4000, s16  }
.LBB1_3:
0x29: {  	s19 =	sshll.u32 s18, $0xC  }
0x2a: {  	s19 =	sand.u32 $0x3FFFF000, s19  }
0x2b: {  	s20 =	sadd.s32 s19, s17  }
0x2c: {  	s31 =	smul.u32 $0x4080, s18;
	v1 =	vld [tilespmem:s20+$0x0]  }
0x2d: {  	v0 =	vld [tilespmem:s20+$0xFFFFFFF0]  }
0x2e: {  	s18 =	sshra.s32 s31, $0x2  }
0x2f: {  	s18 =	sadd.s32 s18, s16  }
0x30: {  	s21 =	sadd.s32 $0x0, s18  }
0x31: {  	p1 =	por p2, p2;
	s19 =	simm.s32 $0x4;
	s20 =	sadd.s32 $0x20, s20;
	[tilespmem:s21+$0x810 ss:$0x81] =	vst.msk $0xffff, v1  }
.LBB1_4:
0x32: {  	v1 =	vld [tilespmem:s20+$0x0];
	p2 =	sne.s32 s19, $0x1FC;
	[tilespmem:s21+$0x0 ss:$0x81] =	vst.msk $0xffff, v0;
	s21 =	smov.u32 s19;
	s19 =	sadd.s32 $0x4, s19  }
.Ltmp3:
0x33: {  	v0 =	vld [tilespmem:s20+$0xFFFFFFF0];
	(pc) =	sbr.rel @p2 .LBB1_4-.Ltmp3, $4  }
0x34: {  	_ = 	snop  }
0x35: {  	s21 =	sshra.s32 s21, $0x2  }
0x36: {  	s21 =	sadd.s32 s21, s18  }
0x37: {  	s20 =	sadd.s32 $0x20, s20;
	[tilespmem:s21+$0x810 ss:$0x81] =	vst.msk $0xffff, v1  }
.Ltmp4:
0x38: {  	(pc) =	sbr.rel @p1 .LBB1_3-.Ltmp4, $2  }
0x39: {  	_ =	sdelay $0x2  }
0x3a: {  	[tilespmem:s21+$0x0 ss:$0x81] =	vst.msk $0xffff, v0;
	s18 =	simm.s32 $0x1;
	p2 =	por $0x0, $0x0  }
0x3b: {  	s16 =	sshll.u32 s13, $0x3;
	s17 =	sand.u32 $0x78, s13;
	s14 =	sshll.u32 s14, $0x10  }
.Ltmp5:
0x3c: {  	s30 =	sand.u32 $0xF800, s13;
	s16 =	sand.u32 $0x3C00, s16;
	(pc) =	sbr.rel .LBB1_7-.Ltmp5, $4  }
0x3d: {  	s31 =	sand.u32 $0x7, s13;
	s14 =	sadd.s32 s3, s14;
	s16 =	sor.u32 s17, s16  }
0x3e: {  	s13 =	sshll.u32 s31, $0x12;
	s14 =	sadd.s32 s30, s14;
	s16 =	sshrl.u32 s16, $0x3  }
0x3f: {  	s13 =	sor.u32 $0x400, s13;
	s14 =	sadd.s32 s16, s14  }
0x40: {  	[hbm4b:s14+s13] =	stream.strided.scatter [tilespmem:s15], [sflag:$0x2], $0x2000, s9, s13, $0x20;
	[tilespmem:$0x8080] =	vst v63  }
.LBB1_8:
0x41: {  	_ =	sfence.sel $0x180000  }
0x42: {  	s2 =	simm.s32 $0x1;
	[bflag:$0x0] =	sbarrier.arrive $0xFFFF  }
0x43: {  	s31 =	simm.s32 $0x2;
	[sflag:s2] =	ssyncpa.u1 $0x1  }
0x44: {  	[sflag:s31] =	ssyncpa.u1 $0x1  }
0x45: {  	p0 =	sne.s32 s0, $0x0;
	_ =	strace $0x9000004A  }
0x46: {  	s0 =	sadd.s32 @!p0 $0x100000, s1;
	[bflag:$0x2] =	sbarrier.arrive $0xFFFF  }
0x47: {  	[sflag:s0] =	ssyncadd.tile.s32 @!p0 $0x1;
	_ =	shalt  }
.Lfunc_end1:
_tile_overlayer_lowered:
.L_overlay_start_2:
0x48: {  	(tag) =	ssettag $0x2  }
0x49: {  	s0 =	rddreg [dreg:$0x0];
	s2 =	stileid.u32  }
0x4a: {  	s1 =	rddreg [dreg:$0x1];
	p0 =	sne.s32 s2, $0x0  }
0x4b: {  	s3 =	rddreg [dreg:$0x2];
	[bflag:$0x3] =	sbarrier.arrive $0xFFFF;
	s2 =	simm.s32 @!p0 $0x1C01  }
0x4c: {  	[timem:s3], [sflag:s2] =	dma.local @!p0 [hbm:s0], s1  }
0x4d: {  	s0 =	simm.s32 @!p0 $0x1  }
0x4e: {  	_ =	swait.ge @!p0 [sflag:s0], s1  }
0x4f: {  	s1 =	ssub.s32 @!p0 $0x0, s1;
	[sflag:s0] =	ssyncset.done @!p0 $0x0  }
0x50: {  	[sflag:s0] =	ssyncadd.s32 @!p0 s1  }
0x51: {  	[bflag:$0x3] =	sbarrier.arrive $0xFFFF  }
0x52: {  	_ =	shalt  }

</sc_bundles>
